<compile_context>
chip_gen: v7x
topology: tpu7x:2x2x1
jax: 0.10.2.dev20260603
libtpu: 0.0.44.dev20260713+nightly
codegen_flags: <defaults>
</compile_context>

<pallas_src>
import jax
import jax.numpy as jnp
from jax import lax
from jax.experimental import pallas as pl
from jax.experimental.pallas import tpu as pltpu
from jax.experimental.pallas import tpu_sc as plsc

N_NODES = 10000
D = 128
D_OUT = 40
E_RAW = 320000

NC, NS = 2, 16
NW = NC * NS
K = 128
E_TOT = E_RAW + N_NODES
CH = -(-E_TOT // (NW * K))
E_PAD = NW * CH * K
N_PAD = 10240
RPT = N_PAD // NS
DEGW = 16
BLK = 512
_MESH = plsc.VectorSubcoreMesh(core_axis_name="c", subcore_axis_name="s")


def _deg_body(dsts_hbm, ones_hbm, zeros_hbm, out_hbm, idx_d, ones_v, acc, dsem):
    c = lax.axis_index("c")
    s = lax.axis_index("s")
    wid = s * NC + c
    pltpu.sync_copy(dsts_hbm.at[wid], idx_d)
    pltpu.sync_copy(ones_hbm, ones_v)
    pltpu.sync_copy(zeros_hbm, acc.at[pl.ds(s * RPT, RPT)])
    plsc.subcore_barrier()

    def group(gi, carry):
        for k in range(8):
            pltpu.async_copy(ones_v, acc.at[idx_d.at[gi * 8 + k]], dsem,
                             add=True)
        for k in range(8):
            pltpu.make_async_copy(ones_v, acc.at[idx_d.at[0]], dsem).wait()
        return carry

    lax.fori_loop(0, CH // 8, group, 0)
    for j in range(CH - CH % 8, CH):
        pltpu.sync_copy(ones_v, acc.at[idx_d.at[j]], add=True)
    plsc.subcore_barrier()
    pltpu.sync_copy(acc.at[pl.ds(s * RPT, RPT)],
                    out_hbm.at[c, pl.ds(s * RPT, RPT)])


_deg_call = pl.kernel(
    _deg_body,
    out_type=jax.ShapeDtypeStruct((NC, N_PAD, DEGW), jnp.float32),
    mesh=_MESH,
    scratch_types=[
        pltpu.VMEM((CH, K), jnp.int32),
        pltpu.VMEM((K, DEGW), jnp.float32),
        pltpu.VMEM_SHARED((N_PAD, DEGW), jnp.float32),
        pltpu.SemaphoreType.DMA,
    ],
    compiler_params=pltpu.CompilerParams(use_tc_tiling_on_sc=False),
)


def _seg_body(g_hbm, srcs_hbm, dsts_hbm, zeros_hbm, out_hbm,
              idx_s, idx_d, rows, acc, gsem, isem, ssem):
    c = lax.axis_index("c")
    s = lax.axis_index("s")
    wid = s * NC + c
    pltpu.sync_copy(dsts_hbm.at[wid], idx_d)
    pltpu.sync_copy(srcs_hbm.at[wid, 0], idx_s.at[0])
    pltpu.async_copy(g_hbm.at[idx_s.at[0]], rows.at[0], gsem.at[0])
    pltpu.async_copy(srcs_hbm.at[wid, 1], idx_s.at[1], isem)
    pltpu.sync_copy(zeros_hbm, acc.at[pl.ds(s * RPT, RPT)])
    plsc.subcore_barrier()

    def chunk(j, carry):
        b = lax.rem(j, 2)

        @pl.when(j >= 1)
        def _():
            pltpu.make_async_copy(rows.at[0], acc.at[idx_d.at[0]],
                                  ssem.at[1 - b]).wait()

        @pl.when(j + 1 < CH)
        def _():
            pltpu.make_async_copy(srcs_hbm.at[wid, 0], idx_s.at[0], isem).wait()
            pltpu.async_copy(g_hbm.at[idx_s.at[lax.rem(j + 1, 3)]],
                             rows.at[1 - b], gsem.at[1 - b])

        @pl.when(j + 2 < CH)
        def _():
            pltpu.async_copy(srcs_hbm.at[wid, j + 2],
                             idx_s.at[lax.rem(j + 2, 3)], isem)

        pltpu.make_async_copy(g_hbm.at[idx_s.at[0]], rows.at[b],
                              gsem.at[b]).wait()
        pltpu.async_copy(rows.at[b], acc.at[idx_d.at[j]], ssem.at[b], add=True)
        return carry

    lax.fori_loop(0, CH, chunk, 0)
    pltpu.make_async_copy(rows.at[0], acc.at[idx_d.at[0]],
                          ssem.at[(CH - 1) % 2]).wait()
    plsc.subcore_barrier()
    pltpu.sync_copy(acc.at[pl.ds(s * RPT, RPT)],
                    out_hbm.at[c, pl.ds(s * RPT, RPT)])


_seg_call = pl.kernel(
    _seg_body,
    out_type=jax.ShapeDtypeStruct((NC, N_PAD, D), jnp.float32),
    mesh=_MESH,
    scratch_types=[
        pltpu.VMEM((3, K), jnp.int32),
        pltpu.VMEM((CH, K), jnp.int32),
        pltpu.VMEM((2, K, D), jnp.float32),
        pltpu.VMEM_SHARED((N_PAD, D), jnp.float32),
        pltpu.SemaphoreType.DMA((2,)),
        pltpu.SemaphoreType.DMA,
        pltpu.SemaphoreType.DMA((2,)),
    ],
)


def _tc_dis_body(deg_ref, x_ref, w_ref, dis_ref, g_ref):
    deg = deg_ref[0, :, 0] + deg_ref[1, :, 0]
    dis = jnp.where(deg > 0, lax.rsqrt(deg), 0.0)[:, None]
    dis_ref[...] = jnp.broadcast_to(dis, (BLK, D))
    g_ref[...] = jnp.dot(x_ref[...], w_ref[...],
                         preferred_element_type=jnp.float32) * dis


_tc_dis = pl.pallas_call(
    _tc_dis_body,
    grid=(N_PAD // BLK,),
    in_specs=[
        pl.BlockSpec((NC, BLK, DEGW), lambda i: (0, i, 0)),
        pl.BlockSpec((BLK, D), lambda i: (i, 0)),
        pl.BlockSpec((D, D), lambda i: (0, 0)),
    ],
    out_specs=[
        pl.BlockSpec((BLK, D), lambda i: (i, 0)),
        pl.BlockSpec((BLK, D), lambda i: (i, 0)),
    ],
    out_shape=[
        jax.ShapeDtypeStruct((N_PAD, D), jnp.float32),
        jax.ShapeDtypeStruct((N_PAD, D), jnp.float32),
    ],
)


def _tc_b_body(acc_ref, dis_ref, b_ref, w_ref, g_ref):
    dis = dis_ref[...]
    h = jnp.maximum(dis * (acc_ref[0] + acc_ref[1]) + b_ref[...], 0.0)
    g_ref[...] = jnp.dot(h, w_ref[...],
                         preferred_element_type=jnp.float32) * dis


_tc_b = pl.pallas_call(
    _tc_b_body,
    grid=(N_PAD // BLK,),
    in_specs=[
        pl.BlockSpec((NC, BLK, D), lambda i: (0, i, 0)),
        pl.BlockSpec((BLK, D), lambda i: (i, 0)),
        pl.BlockSpec((D,), lambda i: (0,)),
        pl.BlockSpec((D, D), lambda i: (0, 0)),
    ],
    out_specs=pl.BlockSpec((BLK, D), lambda i: (i, 0)),
    out_shape=jax.ShapeDtypeStruct((N_PAD, D), jnp.float32),
)


def _tc_c_body(acc_ref, dis_ref, b_ref, w_ref, bfc_ref, out_ref):
    dis = dis_ref[...]
    h = jnp.maximum(dis * (acc_ref[0] + acc_ref[1]) + b_ref[...], 0.0)
    out_ref[...] = jnp.dot(h, w_ref[...],
                           preferred_element_type=jnp.float32) + bfc_ref[...][None, :]


_tc_c = pl.pallas_call(
    _tc_c_body,
    grid=(N_PAD // BLK,),
    in_specs=[
        pl.BlockSpec((NC, BLK, D), lambda i: (0, i, 0)),
        pl.BlockSpec((BLK, D), lambda i: (i, 0)),
        pl.BlockSpec((D,), lambda i: (0,)),
        pl.BlockSpec((D, D), lambda i: (0, 0)),
        pl.BlockSpec((D,), lambda i: (0,)),
    ],
    out_specs=pl.BlockSpec((BLK, D), lambda i: (i, 0)),
    out_shape=jax.ShapeDtypeStruct((N_PAD, D), jnp.float32),
)


def kernel(x, edge_index, W0, b0, W1, b1, W2, b2, Wfc, bfc):
    n = x.shape[0]
    idt = edge_index.dtype
    loop = jnp.arange(n, dtype=idt)
    pad = n + jnp.arange(E_PAD - E_TOT, dtype=idt) % (N_PAD - n)
    srcs = jnp.concatenate([edge_index[0], loop, pad]).reshape(NW, CH, K)
    dsts = jnp.concatenate([edge_index[1], loop, pad]).reshape(NW, CH, K)

    x_pad = jnp.zeros((N_PAD, D), jnp.float32).at[:n].set(x)
    zeros = jnp.zeros((RPT, D), jnp.float32)
    zeros_d = jnp.zeros((RPT, DEGW), jnp.float32)
    ones = jnp.ones((K, DEGW), jnp.float32)
    Wfc_p = jnp.zeros((D, D), jnp.float32).at[:, :D_OUT].set(Wfc)
    bfc_p = jnp.zeros((D,), jnp.float32).at[:D_OUT].set(bfc)

    deg2 = _deg_call(dsts, ones, zeros_d)
    dis, g = _tc_dis(deg2, x_pad, W0)
    acc = _seg_call(g, srcs, dsts, zeros)
    g = _tc_b(acc, dis, b0, W1)
    acc = _seg_call(g, srcs, dsts, zeros)
    g = _tc_b(acc, dis, b1, W2)
    acc = _seg_call(g, srcs, dsts, zeros)
    out = _tc_c(acc, dis, b2, Wfc_p, bfc_p)
    return out[:n, :D_OUT]

# --- scband reference (transcript-rebuilt; emitter-appended) ---
"""Pipeline reference for scband-gcn-15307263443205 (READ-ONLY COPY).

The authoritative reference and input builder live on the scoring server;
editing this copy changes nothing except your own understanding.
"""

import jax, jax.numpy as jnp
import numpy as np

N_NODES = 10000
N_EDGES = 320000
D_IN = 128
D_HID = 128
D_OUT = 40


def _init_linear(key, fan_in, fan_out):
    # xavier_uniform for weight, zeros for bias (matches weights_init)
    limit = float(np.sqrt(6.0 / (fan_in + fan_out)))
    W = jax.random.uniform(key, (fan_in, fan_out), dtype=jnp.float32, minval=-limit, maxval=limit)
    b = jnp.zeros((fan_out,), dtype=jnp.float32)
    return W, b


def setup_inputs(seed: int = 0) -> dict:
    key = jax.random.key(seed)
    ks = jax.random.split(key, 8)
    x = jax.random.normal(ks[0], (N_NODES, D_IN), dtype=jnp.float32)
    edge_index = jax.random.randint(ks[1], (2, N_EDGES), 0, N_NODES, dtype=jnp.int32)
    W0, b0 = _init_linear(ks[2], D_IN, D_HID)
    W1, b1 = _init_linear(ks[3], D_HID, D_HID)
    W2, b2 = _init_linear(ks[4], D_HID, D_HID)
    Wfc, bfc = _init_linear(ks[5], D_HID, D_OUT)
    return {"x": x, "edge_index": edge_index, "W0": W0, "b0": b0, "W1": W1, "b1": b1, "W2": W2, "b2": b2, "Wfc": Wfc, "bfc": bfc}


def _gcn_conv(h, src, dst, W, b, n_nodes):
    # GCNConv with added self-loops and symmetric normalization (PyG semantics)
    deg = jnp.zeros((n_nodes,), dtype=h.dtype).at[dst].add(1.0)
    dis = jnp.where(deg > 0, 1.0 / jnp.sqrt(deg), 0.0)
    norm = dis[src] * dis[dst]
    h = h @ W
    msg = h[src] * norm[:, None]
    out = jax.ops.segment_sum(msg, dst, num_segments=n_nodes)
    return out + b


def reference(x, edge_index, W0, b0, W1, b1, W2, b2, Wfc, bfc):
    n_nodes = x.shape[0]
    loop = jnp.arange(n_nodes, dtype=edge_index.dtype)
    src = jnp.concatenate([edge_index[0], loop])
    dst = jnp.concatenate([edge_index[1], loop])
    # dropout p=0.0 / eval mode -> identity; bn=False -> no batchnorm
    h = x
    h = jax.nn.relu(_gcn_conv(h, src, dst, W0, b0, n_nodes))
    h = jax.nn.relu(_gcn_conv(h, src, dst, W1, b1, n_nodes))
    h = jax.nn.relu(_gcn_conv(h, src, dst, W2, b2, n_nodes))
    out = h @ Wfc + bfc
    return jnp.squeeze(out)

if __name__ == "__main__":
    import jax
    _d = setup_inputs()
    print(jax.jit(kernel)(*tuple(_d.values())))

</pallas_src>

<mosaic_0001>
#map = affine_map<(d0, d1) -> (0, 0, 0)>
#map1 = affine_map<(d0, d1) -> (0, 0)>
module attributes {stable_mosaic.version = 14 : i64} {
  func.func @_deg_body(%arg0: i32, %arg1: i32, %arg2: memref<32x81x128xi32, #tpu.memory_space<hbm>>, %arg3: memref<128x16xf32, #tpu.memory_space<hbm>>, %arg4: memref<640x16xf32, #tpu.memory_space<hbm>>, %arg5: memref<2x10240x16xf32, #tpu.memory_space<hbm>>, %arg6: memref<81x128xi32, #tpu.memory_space<vmem>>, %arg7: memref<128x16xf32, #tpu.memory_space<vmem>>, %arg8: memref<10240x16xf32, #tpu.memory_space<vmem_shared>>, %arg9: memref<!tpu.dma_semaphore, #tpu.memory_space<semaphore_mem>>) attributes {dimension_semantics = [#tpu.dimension_semantics<core_parallel>, #tpu.dimension_semantics<subcore_parallel>], iteration_bounds = array<i64: 2, 16>, scalar_prefetch = 0 : i64, scratch_operands = 4 : i64, tpu.core_type = #tpu.core_type<sc_vector_subcore>, window_params = [{transform_indices = #map}, {transform_indices = #map1}, {transform_indices = #map1}, {transform_indices = #map}]} {
    %mul3A = arith.constant 2 : i32
    %mul3A_0 = arith.muli %arg1, %mul3A : i32
    %add3A = arith.addi %mul3A_0, %arg0 : i32
    "tpu.region"() ({
      %run_scoped3A_13 = tpu.sem_alloc : memref<!tpu.dma_semaphore, #tpu.memory_space<semaphore_mem>>
      %dma_start3A = arith.constant 0 : i32
      %dma_start3A_14 = arith.constant 0 : i32
      %dma_start3A_15 = tpu.memref_slice %arg2[%add3A, %dma_start3A, %dma_start3A_14] : memref<32x81x128xi32, #tpu.memory_space<hbm>> -> memref<1x81x128xi32, #tpu.memory_space<hbm>>
      %dma_start3A_16 = tpu.memref_squeeze %dma_start3A_15 : memref<1x81x128xi32, #tpu.memory_space<hbm>> -> memref<81x128xi32, #tpu.memory_space<hbm>>
      %dma_start3A_17 = arith.constant 0 : i32
      %dma_start3A_18 = arith.constant 0 : i32
      %dma_start3A_19 = tpu.memref_slice %arg2[%add3A, %dma_start3A_17, %dma_start3A_18] : memref<32x81x128xi32, #tpu.memory_space<hbm>> -> memref<1x81x128xi32, #tpu.memory_space<hbm>>
      %dma_start3A_20 = tpu.memref_squeeze %dma_start3A_19 : memref<1x81x128xi32, #tpu.memory_space<hbm>> -> memref<81x128xi32, #tpu.memory_space<hbm>>
      tpu.enqueue_dma source(%dma_start3A_20 : memref<81x128xi32, #tpu.memory_space<hbm>>) target(%arg6 : memref<81x128xi32, #tpu.memory_space<vmem>>) target_semaphore(%run_scoped3A_13 : memref<!tpu.dma_semaphore, #tpu.memory_space<semaphore_mem>>)
      %dma_wait3A = arith.constant 0 : i32
      %dma_wait3A_21 = arith.constant 0 : i32
      %dma_wait3A_22 = tpu.memref_slice %arg2[%add3A, %dma_wait3A, %dma_wait3A_21] : memref<32x81x128xi32, #tpu.memory_space<hbm>> -> memref<1x81x128xi32, #tpu.memory_space<hbm>>
      %dma_wait3A_23 = tpu.memref_squeeze %dma_wait3A_22 : memref<1x81x128xi32, #tpu.memory_space<hbm>> -> memref<81x128xi32, #tpu.memory_space<hbm>>
      %dma_wait3A_24 = arith.constant 0 : i32
      %dma_wait3A_25 = arith.constant 0 : i32
      %dma_wait3A_26 = tpu.memref_slice %arg2[%add3A, %dma_wait3A_24, %dma_wait3A_25] : memref<32x81x128xi32, #tpu.memory_space<hbm>> -> memref<1x81x128xi32, #tpu.memory_space<hbm>>
      %dma_wait3A_27 = tpu.memref_squeeze %dma_wait3A_26 : memref<1x81x128xi32, #tpu.memory_space<hbm>> -> memref<81x128xi32, #tpu.memory_space<hbm>>
      tpu.wait_dma2 semaphore(%run_scoped3A_13 : memref<!tpu.dma_semaphore, #tpu.memory_space<semaphore_mem>>) src(%dma_wait3A_27 : memref<81x128xi32, #tpu.memory_space<hbm>>) dst(%arg6 : memref<81x128xi32, #tpu.memory_space<vmem>>)
      tpu.yield
    }) : () -> ()
    "tpu.region"() ({
      %run_scoped3A_13 = tpu.sem_alloc : memref<!tpu.dma_semaphore, #tpu.memory_space<semaphore_mem>>
      tpu.enqueue_dma source(%arg3 : memref<128x16xf32, #tpu.memory_space<hbm>>) target(%arg7 : memref<128x16xf32, #tpu.memory_space<vmem>>) target_semaphore(%run_scoped3A_13 : memref<!tpu.dma_semaphore, #tpu.memory_space<semaphore_mem>>)
      tpu.wait_dma2 semaphore(%run_scoped3A_13 : memref<!tpu.dma_semaphore, #tpu.memory_space<semaphore_mem>>) src(%arg3 : memref<128x16xf32, #tpu.memory_space<hbm>>) dst(%arg7 : memref<128x16xf32, #tpu.memory_space<vmem>>)
      tpu.yield
    }) : () -> ()
    %mul3A_1 = arith.constant 640 : i32
    %mul3A_2 = arith.muli %arg1, %mul3A_1 : i32
    "tpu.region"() ({
      %run_scoped3A_13 = tpu.sem_alloc : memref<!tpu.dma_semaphore, #tpu.memory_space<semaphore_mem>>
      %dma_start3A = arith.constant 0 : i32
      %dma_start3A_14 = tpu.memref_slice %arg8[%mul3A_2, %dma_start3A] : memref<10240x16xf32, #tpu.memory_space<vmem_shared>> -> memref<640x16xf32, #tpu.memory_space<vmem_shared>>
      tpu.enqueue_dma source(%arg4 : memref<640x16xf32, #tpu.memory_space<hbm>>) target(%dma_start3A_14 : memref<640x16xf32, #tpu.memory_space<vmem_shared>>) target_semaphore(%run_scoped3A_13 : memref<!tpu.dma_semaphore, #tpu.memory_space<semaphore_mem>>)
      %dma_wait3A = arith.constant 0 : i32
      %dma_wait3A_15 = tpu.memref_slice %arg8[%mul3A_2, %dma_wait3A] : memref<10240x16xf32, #tpu.memory_space<vmem_shared>> -> memref<640x16xf32, #tpu.memory_space<vmem_shared>>
      tpu.wait_dma2 semaphore(%run_scoped3A_13 : memref<!tpu.dma_semaphore, #tpu.memory_space<semaphore_mem>>) src(%arg4 : memref<640x16xf32, #tpu.memory_space<hbm>>) dst(%dma_wait3A_15 : memref<640x16xf32, #tpu.memory_space<vmem_shared>>)
      tpu.yield
    }) : () -> ()
    %barrier3A = arith.constant 0 : index
    tpu.barrier barrier_id(%barrier3A)
    %scan3A = arith.constant 0 : i32
    %scan3A_3 = arith.constant 0 : i32
    %scan3A_4 = arith.constant 10 : i32
    %scan3A_5 = arith.addi %scan3A_3, %scan3A_4 : i32
    %scan3A_6 = arith.constant 1 : i32
    scf.for %scan3A_13 = %scan3A_3 to %scan3A_5 step %scan3A_6  : i32 {
      %mul3A_14 = arith.constant 8 : i32
      %mul3A_15 = arith.muli %scan3A_13, %mul3A_14 : i32
      %add3A_16 = arith.constant 0 : i32
      %add3A_17 = arith.addi %mul3A_15, %add3A_16 : i32
      %dma_start3A = arith.constant 0 : i32
      %dma_start3A_18 = tpu.memref_slice %arg6[%add3A_17, %dma_start3A] : memref<81x128xi32, #tpu.memory_space<vmem>> -> memref<1x128xi32, #tpu.memory_space<vmem>>
      %dma_start3A_19 = tpu.memref_squeeze %dma_start3A_18 : memref<1x128xi32, #tpu.memory_space<vmem>> -> memref<128xi32, #tpu.memory_space<vmem>>
      %dma_start3A_20 = arith.constant 0 : i32
      %dma_start3A_21 = arith.constant 0 : i32
      %dma_start3A_22 = tpu.memref_slice %arg8[%dma_start3A_20, %dma_start3A_21] : memref<10240x16xf32, #tpu.memory_space<vmem_shared>> -> memref<10240x16xf32, #tpu.memory_space<vmem_shared>>
      tpu.enqueue_indirect_dma source(%arg7 : memref<128x16xf32, #tpu.memory_space<vmem>>) target(%dma_start3A_22 : memref<10240x16xf32, #tpu.memory_space<vmem_shared>>) offsets(%dma_start3A_19 : memref<128xi32, #tpu.memory_space<vmem>>) semaphore(%arg9 : memref<!tpu.dma_semaphore, #tpu.memory_space<semaphore_mem>>) {add = true}
      %mul3A_23 = arith.constant 8 : i32
      %mul3A_24 = arith.muli %scan3A_13, %mul3A_23 : i32
      %add3A_25 = arith.constant 1 : i32
      %add3A_26 = arith.addi %mul3A_24, %add3A_25 : i32
      %dma_start3A_27 = arith.constant 0 : i32
      %dma_start3A_28 = tpu.memref_slice %arg6[%add3A_26, %dma_start3A_27] : memref<81x128xi32, #tpu.memory_space<vmem>> -> memref<1x128xi32, #tpu.memory_space<vmem>>
      %dma_start3A_29 = tpu.memref_squeeze %dma_start3A_28 : memref<1x128xi32, #tpu.memory_space<vmem>> -> memref<128xi32, #tpu.memory_space<vmem>>
      %dma_start3A_30 = arith.constant 0 : i32
      %dma_start3A_31 = arith.constant 0 : i32
      %dma_start3A_32 = tpu.memref_slice %arg8[%dma_start3A_30, %dma_start3A_31] : memref<10240x16xf32, #tpu.memory_space<vmem_shared>> -> memref<10240x16xf32, #tpu.memory_space<vmem_shared>>
      tpu.enqueue_indirect_dma source(%arg7 : memref<128x16xf32, #tpu.memory_space<vmem>>) target(%dma_start3A_32 : memref<10240x16xf32, #tpu.memory_space<vmem_shared>>) offsets(%dma_start3A_29 : memref<128xi32, #tpu.memory_space<vmem>>) semaphore(%arg9 : memref<!tpu.dma_semaphore, #tpu.memory_space<semaphore_mem>>) {add = true}
      %mul3A_33 = arith.constant 8 : i32
      %mul3A_34 = arith.muli %scan3A_13, %mul3A_33 : i32
      %add3A_35 = arith.constant 2 : i32
      %add3A_36 = arith.addi %mul3A_34, %add3A_35 : i32
      %dma_start3A_37 = arith.constant 0 : i32
      %dma_start3A_38 = tpu.memref_slice %arg6[%add3A_36, %dma_start3A_37] : memref<81x128xi32, #tpu.memory_space<vmem>> -> memref<1x128xi32, #tpu.memory_space<vmem>>
      %dma_start3A_39 = tpu.memref_squeeze %dma_start3A_38 : memref<1x128xi32, #tpu.memory_space<vmem>> -> memref<128xi32, #tpu.memory_space<vmem>>
      %dma_start3A_40 = arith.constant 0 : i32
      %dma_start3A_41 = arith.constant 0 : i32
      %dma_start3A_42 = tpu.memref_slice %arg8[%dma_start3A_40, %dma_start3A_41] : memref<10240x16xf32, #tpu.memory_space<vmem_shared>> -> memref<10240x16xf32, #tpu.memory_space<vmem_shared>>
      tpu.enqueue_indirect_dma source(%arg7 : memref<128x16xf32, #tpu.memory_space<vmem>>) target(%dma_start3A_42 : memref<10240x16xf32, #tpu.memory_space<vmem_shared>>) offsets(%dma_start3A_39 : memref<128xi32, #tpu.memory_space<vmem>>) semaphore(%arg9 : memref<!tpu.dma_semaphore, #tpu.memory_space<semaphore_mem>>) {add = true}
      %mul3A_43 = arith.constant 8 : i32
      %mul3A_44 = arith.muli %scan3A_13, %mul3A_43 : i32
      %add3A_45 = arith.constant 3 : i32
      %add3A_46 = arith.addi %mul3A_44, %add3A_45 : i32
      %dma_start3A_47 = arith.constant 0 : i32
      %dma_start3A_48 = tpu.memref_slice %arg6[%add3A_46, %dma_start3A_47] : memref<81x128xi32, #tpu.memory_space<vmem>> -> memref<1x128xi32, #tpu.memory_space<vmem>>
      %dma_start3A_49 = tpu.memref_squeeze %dma_start3A_48 : memref<1x128xi32, #tpu.memory_space<vmem>> -> memref<128xi32, #tpu.memory_space<vmem>>
      %dma_start3A_50 = arith.constant 0 : i32
      %dma_start3A_51 = arith.constant 0 : i32
      %dma_start3A_52 = tpu.memref_slice %arg8[%dma_start3A_50, %dma_start3A_51] : memref<10240x16xf32, #tpu.memory_space<vmem_shared>> -> memref<10240x16xf32, #tpu.memory_space<vmem_shared>>
      tpu.enqueue_indirect_dma source(%arg7 : memref<128x16xf32, #tpu.memory_space<vmem>>) target(%dma_start3A_52 : memref<10240x16xf32, #tpu.memory_space<vmem_shared>>) offsets(%dma_start3A_49 : memref<128xi32, #tpu.memory_space<vmem>>) semaphore(%arg9 : memref<!tpu.dma_semaphore, #tpu.memory_space<semaphore_mem>>) {add = true}
      %mul3A_53 = arith.constant 8 : i32
      %mul3A_54 = arith.muli %scan3A_13, %mul3A_53 : i32
      %add3A_55 = arith.constant 4 : i32
      %add3A_56 = arith.addi %mul3A_54, %add3A_55 : i32
      %dma_start3A_57 = arith.constant 0 : i32
      %dma_start3A_58 = tpu.memref_slice %arg6[%add3A_56, %dma_start3A_57] : memref<81x128xi32, #tpu.memory_space<vmem>> -> memref<1x128xi32, #tpu.memory_space<vmem>>
      %dma_start3A_59 = tpu.memref_squeeze %dma_start3A_58 : memref<1x128xi32, #tpu.memory_space<vmem>> -> memref<128xi32, #tpu.memory_space<vmem>>
      %dma_start3A_60 = arith.constant 0 : i32
      %dma_start3A_61 = arith.constant 0 : i32
      %dma_start3A_62 = tpu.memref_slice %arg8[%dma_start3A_60, %dma_start3A_61] : memref<10240x16xf32, #tpu.memory_space<vmem_shared>> -> memref<10240x16xf32, #tpu.memory_space<vmem_shared>>
      tpu.enqueue_indirect_dma source(%arg7 : memref<128x16xf32, #tpu.memory_space<vmem>>) target(%dma_start3A_62 : memref<10240x16xf32, #tpu.memory_space<vmem_shared>>) offsets(%dma_start3A_59 : memref<128xi32, #tpu.memory_space<vmem>>) semaphore(%arg9 : memref<!tpu.dma_semaphore, #tpu.memory_space<semaphore_mem>>) {add = true}
      %mul3A_63 = arith.constant 8 : i32
      %mul3A_64 = arith.muli %scan3A_13, %mul3A_63 : i32
      %add3A_65 = arith.constant 5 : i32
      %add3A_66 = arith.addi %mul3A_64, %add3A_65 : i32
      %dma_start3A_67 = arith.constant 0 : i32
      %dma_start3A_68 = tpu.memref_slice %arg6[%add3A_66, %dma_start3A_67] : memref<81x128xi32, #tpu.memory_space<vmem>> -> memref<1x128xi32, #tpu.memory_space<vmem>>
      %dma_start3A_69 = tpu.memref_squeeze %dma_start3A_68 : memref<1x128xi32, #tpu.memory_space<vmem>> -> memref<128xi32, #tpu.memory_space<vmem>>
      %dma_start3A_70 = arith.constant 0 : i32
      %dma_start3A_71 = arith.constant 0 : i32
      %dma_start3A_72 = tpu.memref_slice %arg8[%dma_start3A_70, %dma_start3A_71] : memref<10240x16xf32, #tpu.memory_space<vmem_shared>> -> memref<10240x16xf32, #tpu.memory_space<vmem_shared>>
      tpu.enqueue_indirect_dma source(%arg7 : memref<128x16xf32, #tpu.memory_space<vmem>>) target(%dma_start3A_72 : memref<10240x16xf32, #tpu.memory_space<vmem_shared>>) offsets(%dma_start3A_69 : memref<128xi32, #tpu.memory_space<vmem>>) semaphore(%arg9 : memref<!tpu.dma_semaphore, #tpu.memory_space<semaphore_mem>>) {add = true}
      %mul3A_73 = arith.constant 8 : i32
      %mul3A_74 = arith.muli %scan3A_13, %mul3A_73 : i32
      %add3A_75 = arith.constant 6 : i32
      %add3A_76 = arith.addi %mul3A_74, %add3A_75 : i32
      %dma_start3A_77 = arith.constant 0 : i32
      %dma_start3A_78 = tpu.memref_slice %arg6[%add3A_76, %dma_start3A_77] : memref<81x128xi32, #tpu.memory_space<vmem>> -> memref<1x128xi32, #tpu.memory_space<vmem>>
      %dma_start3A_79 = tpu.memref_squeeze %dma_start3A_78 : memref<1x128xi32, #tpu.memory_space<vmem>> -> memref<128xi32, #tpu.memory_space<vmem>>
      %dma_start3A_80 = arith.constant 0 : i32
      %dma_start3A_81 = arith.constant 0 : i32
      %dma_start3A_82 = tpu.memref_slice %arg8[%dma_start3A_80, %dma_start3A_81] : memref<10240x16xf32, #tpu.memory_space<vmem_shared>> -> memref<10240x16xf32, #tpu.memory_space<vmem_shared>>
      tpu.enqueue_indirect_dma source(%arg7 : memref<128x16xf32, #tpu.memory_space<vmem>>) target(%dma_start3A_82 : memref<10240x16xf32, #tpu.memory_space<vmem_shared>>) offsets(%dma_start3A_79 : memref<128xi32, #tpu.memory_space<vmem>>) semaphore(%arg9 : memref<!tpu.dma_semaphore, #tpu.memory_space<semaphore_mem>>) {add = true}
      %mul3A_83 = arith.constant 8 : i32
      %mul3A_84 = arith.muli %scan3A_13, %mul3A_83 : i32
      %add3A_85 = arith.constant 7 : i32
      %add3A_86 = arith.addi %mul3A_84, %add3A_85 : i32
      %dma_start3A_87 = arith.constant 0 : i32
      %dma_start3A_88 = tpu.memref_slice %arg6[%add3A_86, %dma_start3A_87] : memref<81x128xi32, #tpu.memory_space<vmem>> -> memref<1x128xi32, #tpu.memory_space<vmem>>
      %dma_start3A_89 = tpu.memref_squeeze %dma_start3A_88 : memref<1x128xi32, #tpu.memory_space<vmem>> -> memref<128xi32, #tpu.memory_space<vmem>>
      %dma_start3A_90 = arith.constant 0 : i32
      %dma_start3A_91 = arith.constant 0 : i32
      %dma_start3A_92 = tpu.memref_slice %arg8[%dma_start3A_90, %dma_start3A_91] : memref<10240x16xf32, #tpu.memory_space<vmem_shared>> -> memref<10240x16xf32, #tpu.memory_space<vmem_shared>>
      tpu.enqueue_indirect_dma source(%arg7 : memref<128x16xf32, #tpu.memory_space<vmem>>) target(%dma_start3A_92 : memref<10240x16xf32, #tpu.memory_space<vmem_shared>>) offsets(%dma_start3A_89 : memref<128xi32, #tpu.memory_space<vmem>>) semaphore(%arg9 : memref<!tpu.dma_semaphore, #tpu.memory_space<semaphore_mem>>) {add = true}
      %dma_wait3A = arith.constant 0 : i32
      %dma_wait3A_93 = arith.constant 0 : i32
      %dma_wait3A_94 = tpu.memref_slice %arg6[%dma_wait3A, %dma_wait3A_93] : memref<81x128xi32, #tpu.memory_space<vmem>> -> memref<1x128xi32, #tpu.memory_space<vmem>>
      %dma_wait3A_95 = tpu.memref_squeeze %dma_wait3A_94 : memref<1x128xi32, #tpu.memory_space<vmem>> -> memref<128xi32, #tpu.memory_space<vmem>>
      %dma_wait3A_96 = arith.constant 0 : i32
      %dma_wait3A_97 = arith.constant 0 : i32
      %dma_wait3A_98 = tpu.memref_slice %arg8[%dma_wait3A_96, %dma_wait3A_97] : memref<10240x16xf32, #tpu.memory_space<vmem_shared>> -> memref<10240x16xf32, #tpu.memory_space<vmem_shared>>
      tpu.wait_indirect_dma semaphore(%arg9 : memref<!tpu.dma_semaphore, #tpu.memory_space<semaphore_mem>>) src(%arg7 : memref<128x16xf32, #tpu.memory_space<vmem>>) dst(%dma_wait3A_98 : memref<10240x16xf32, #tpu.memory_space<vmem_shared>>)
      %dma_wait3A_99 = arith.constant 0 : i32
      %dma_wait3A_100 = arith.constant 0 : i32
      %dma_wait3A_101 = tpu.memref_slice %arg6[%dma_wait3A_99, %dma_wait3A_100] : memref<81x128xi32, #tpu.memory_space<vmem>> -> memref<1x128xi32, #tpu.memory_space<vmem>>
      %dma_wait3A_102 = tpu.memref_squeeze %dma_wait3A_101 : memref<1x128xi32, #tpu.memory_space<vmem>> -> memref<128xi32, #tpu.memory_space<vmem>>
      %dma_wait3A_103 = arith.constant 0 : i32
      %dma_wait3A_104 = arith.constant 0 : i32
      %dma_wait3A_105 = tpu.memref_slice %arg8[%dma_wait3A_103, %dma_wait3A_104] : memref<10240x16xf32, #tpu.memory_space<vmem_shared>> -> memref<10240x16xf32, #tpu.memory_space<vmem_shared>>
      tpu.wait_indirect_dma semaphore(%arg9 : memref<!tpu.dma_semaphore, #tpu.memory_space<semaphore_mem>>) src(%arg7 : memref<128x16xf32, #tpu.memory_space<vmem>>) dst(%dma_wait3A_105 : memref<10240x16xf32, #tpu.memory_space<vmem_shared>>)
      %dma_wait3A_106 = arith.constant 0 : i32
      %dma_wait3A_107 = arith.constant 0 : i32
      %dma_wait3A_108 = tpu.memref_slice %arg6[%dma_wait3A_106, %dma_wait3A_107] : memref<81x128xi32, #tpu.memory_space<vmem>> -> memref<1x128xi32, #tpu.memory_space<vmem>>
      %dma_wait3A_109 = tpu.memref_squeeze %dma_wait3A_108 : memref<1x128xi32, #tpu.memory_space<vmem>> -> memref<128xi32, #tpu.memory_space<vmem>>
      %dma_wait3A_110 = arith.constant 0 : i32
      %dma_wait3A_111 = arith.constant 0 : i32
      %dma_wait3A_112 = tpu.memref_slice %arg8[%dma_wait3A_110, %dma_wait3A_111] : memref<10240x16xf32, #tpu.memory_space<vmem_shared>> -> memref<10240x16xf32, #tpu.memory_space<vmem_shared>>
      tpu.wait_indirect_dma semaphore(%arg9 : memref<!tpu.dma_semaphore, #tpu.memory_space<semaphore_mem>>) src(%arg7 : memref<128x16xf32, #tpu.memory_space<vmem>>) dst(%dma_wait3A_112 : memref<10240x16xf32, #tpu.memory_space<vmem_shared>>)
      %dma_wait3A_113 = arith.constant 0 : i32
      %dma_wait3A_114 = arith.constant 0 : i32
      %dma_wait3A_115 = tpu.memref_slice %arg6[%dma_wait3A_113, %dma_wait3A_114] : memref<81x128xi32, #tpu.memory_space<vmem>> -> memref<1x128xi32, #tpu.memory_space<vmem>>
      %dma_wait3A_116 = tpu.memref_squeeze %dma_wait3A_115 : memref<1x128xi32, #tpu.memory_space<vmem>> -> memref<128xi32, #tpu.memory_space<vmem>>
      %dma_wait3A_117 = arith.constant 0 : i32
      %dma_wait3A_118 = arith.constant 0 : i32
      %dma_wait3A_119 = tpu.memref_slice %arg8[%dma_wait3A_117, %dma_wait3A_118] : memref<10240x16xf32, #tpu.memory_space<vmem_shared>> -> memref<10240x16xf32, #tpu.memory_space<vmem_shared>>
      tpu.wait_indirect_dma semaphore(%arg9 : memref<!tpu.dma_semaphore, #tpu.memory_space<semaphore_mem>>) src(%arg7 : memref<128x16xf32, #tpu.memory_space<vmem>>) dst(%dma_wait3A_119 : memref<10240x16xf32, #tpu.memory_space<vmem_shared>>)
      %dma_wait3A_120 = arith.constant 0 : i32
      %dma_wait3A_121 = arith.constant 0 : i32
      %dma_wait3A_122 = tpu.memref_slice %arg6[%dma_wait3A_120, %dma_wait3A_121] : memref<81x128xi32, #tpu.memory_space<vmem>> -> memref<1x128xi32, #tpu.memory_space<vmem>>
      %dma_wait3A_123 = tpu.memref_squeeze %dma_wait3A_122 : memref<1x128xi32, #tpu.memory_space<vmem>> -> memref<128xi32, #tpu.memory_space<vmem>>
      %dma_wait3A_124 = arith.constant 0 : i32
      %dma_wait3A_125 = arith.constant 0 : i32
      %dma_wait3A_126 = tpu.memref_slice %arg8[%dma_wait3A_124, %dma_wait3A_125] : memref<10240x16xf32, #tpu.memory_space<vmem_shared>> -> memref<10240x16xf32, #tpu.memory_space<vmem_shared>>
      tpu.wait_indirect_dma semaphore(%arg9 : memref<!tpu.dma_semaphore, #tpu.memory_space<semaphore_mem>>) src(%arg7 : memref<128x16xf32, #tpu.memory_space<vmem>>) dst(%dma_wait3A_126 : memref<10240x16xf32, #tpu.memory_space<vmem_shared>>)
      %dma_wait3A_127 = arith.constant 0 : i32
      %dma_wait3A_128 = arith.constant 0 : i32
      %dma_wait3A_129 = tpu.memref_slice %arg6[%dma_wait3A_127, %dma_wait3A_128] : memref<81x128xi32, #tpu.memory_space<vmem>> -> memref<1x128xi32, #tpu.memory_space<vmem>>
      %dma_wait3A_130 = tpu.memref_squeeze %dma_wait3A_129 : memref<1x128xi32, #tpu.memory_space<vmem>> -> memref<128xi32, #tpu.memory_space<vmem>>
      %dma_wait3A_131 = arith.constant 0 : i32
      %dma_wait3A_132 = arith.constant 0 : i32
      %dma_wait3A_133 = tpu.memref_slice %arg8[%dma_wait3A_131, %dma_wait3A_132] : memref<10240x16xf32, #tpu.memory_space<vmem_shared>> -> memref<10240x16xf32, #tpu.memory_space<vmem_shared>>
      tpu.wait_indirect_dma semaphore(%arg9 : memref<!tpu.dma_semaphore, #tpu.memory_space<semaphore_mem>>) src(%arg7 : memref<128x16xf32, #tpu.memory_space<vmem>>) dst(%dma_wait3A_133 : memref<10240x16xf32, #tpu.memory_space<vmem_shared>>)
      %dma_wait3A_134 = arith.constant 0 : i32
      %dma_wait3A_135 = arith.constant 0 : i32
      %dma_wait3A_136 = tpu.memref_slice %arg6[%dma_wait3A_134, %dma_wait3A_135] : memref<81x128xi32, #tpu.memory_space<vmem>> -> memref<1x128xi32, #tpu.memory_space<vmem>>
      %dma_wait3A_137 = tpu.memref_squeeze %dma_wait3A_136 : memref<1x128xi32, #tpu.memory_space<vmem>> -> memref<128xi32, #tpu.memory_space<vmem>>
      %dma_wait3A_138 = arith.constant 0 : i32
      %dma_wait3A_139 = arith.constant 0 : i32
      %dma_wait3A_140 = tpu.memref_slice %arg8[%dma_wait3A_138, %dma_wait3A_139] : memref<10240x16xf32, #tpu.memory_space<vmem_shared>> -> memref<10240x16xf32, #tpu.memory_space<vmem_shared>>
      tpu.wait_indirect_dma semaphore(%arg9 : memref<!tpu.dma_semaphore, #tpu.memory_space<semaphore_mem>>) src(%arg7 : memref<128x16xf32, #tpu.memory_space<vmem>>) dst(%dma_wait3A_140 : memref<10240x16xf32, #tpu.memory_space<vmem_shared>>)
      %dma_wait3A_141 = arith.constant 0 : i32
      %dma_wait3A_142 = arith.constant 0 : i32
      %dma_wait3A_143 = tpu.memref_slice %arg6[%dma_wait3A_141, %dma_wait3A_142] : memref<81x128xi32, #tpu.memory_space<vmem>> -> memref<1x128xi32, #tpu.memory_space<vmem>>
      %dma_wait3A_144 = tpu.memref_squeeze %dma_wait3A_143 : memref<1x128xi32, #tpu.memory_space<vmem>> -> memref<128xi32, #tpu.memory_space<vmem>>
      %dma_wait3A_145 = arith.constant 0 : i32
      %dma_wait3A_146 = arith.constant 0 : i32
      %dma_wait3A_147 = tpu.memref_slice %arg8[%dma_wait3A_145, %dma_wait3A_146] : memref<10240x16xf32, #tpu.memory_space<vmem_shared>> -> memref<10240x16xf32, #tpu.memory_space<vmem_shared>>
      tpu.wait_indirect_dma semaphore(%arg9 : memref<!tpu.dma_semaphore, #tpu.memory_space<semaphore_mem>>) src(%arg7 : memref<128x16xf32, #tpu.memory_space<vmem>>) dst(%dma_wait3A_147 : memref<10240x16xf32, #tpu.memory_space<vmem_shared>>)
    }
    %scan3A_7 = arith.constant 10 : i32
    %run_scoped3A = arith.constant 80 : i32
    "tpu.region"() ({
      %run_scoped3A_13 = tpu.sem_alloc : memref<!tpu.dma_semaphore, #tpu.memory_space<semaphore_mem>>
      %dma_start3A = arith.constant 0 : i32
      %dma_start3A_14 = tpu.memref_slice %arg6[%run_scoped3A, %dma_start3A] : memref<81x128xi32, #tpu.memory_space<vmem>> -> memref<1x128xi32, #tpu.memory_space<vmem>>
      %dma_start3A_15 = tpu.memref_squeeze %dma_start3A_14 : memref<1x128xi32, #tpu.memory_space<vmem>> -> memref<128xi32, #tpu.memory_space<vmem>>
      %dma_start3A_16 = arith.constant 0 : i32
      %dma_start3A_17 = arith.constant 0 : i32
      %dma_start3A_18 = tpu.memref_slice %arg8[%dma_start3A_16, %dma_start3A_17] : memref<10240x16xf32, #tpu.memory_space<vmem_shared>> -> memref<10240x16xf32, #tpu.memory_space<vmem_shared>>
      tpu.enqueue_indirect_dma source(%arg7 : memref<128x16xf32, #tpu.memory_space<vmem>>) target(%dma_start3A_18 : memref<10240x16xf32, #tpu.memory_space<vmem_shared>>) offsets(%dma_start3A_15 : memref<128xi32, #tpu.memory_space<vmem>>) semaphore(%run_scoped3A_13 : memref<!tpu.dma_semaphore, #tpu.memory_space<semaphore_mem>>) {add = true}
      %dma_wait3A = arith.constant 0 : i32
      %dma_wait3A_19 = tpu.memref_slice %arg6[%run_scoped3A, %dma_wait3A] : memref<81x128xi32, #tpu.memory_space<vmem>> -> memref<1x128xi32, #tpu.memory_space<vmem>>
      %dma_wait3A_20 = tpu.memref_squeeze %dma_wait3A_19 : memref<1x128xi32, #tpu.memory_space<vmem>> -> memref<128xi32, #tpu.memory_space<vmem>>
      %dma_wait3A_21 = arith.constant 0 : i32
      %dma_wait3A_22 = arith.constant 0 : i32
      %dma_wait3A_23 = tpu.memref_slice %arg8[%dma_wait3A_21, %dma_wait3A_22] : memref<10240x16xf32, #tpu.memory_space<vmem_shared>> -> memref<10240x16xf32, #tpu.memory_space<vmem_shared>>
      tpu.wait_indirect_dma semaphore(%run_scoped3A_13 : memref<!tpu.dma_semaphore, #tpu.memory_space<semaphore_mem>>) src(%arg7 : memref<128x16xf32, #tpu.memory_space<vmem>>) dst(%dma_wait3A_23 : memref<10240x16xf32, #tpu.memory_space<vmem_shared>>)
      tpu.yield
    }) : () -> ()
    %barrier3A_8 = arith.constant 0 : index
    tpu.barrier barrier_id(%barrier3A_8)
    %mul3A_9 = arith.constant 640 : i32
    %mul3A_10 = arith.muli %arg1, %mul3A_9 : i32
    %mul3A_11 = arith.constant 640 : i32
    %mul3A_12 = arith.muli %arg1, %mul3A_11 : i32
    "tpu.region"() ({
      %run_scoped3A_13 = tpu.sem_alloc : memref<!tpu.dma_semaphore, #tpu.memory_space<semaphore_mem>>
      %dma_start3A = arith.constant 0 : i32
      %dma_start3A_14 = tpu.memref_slice %arg5[%arg0, %mul3A_12, %dma_start3A] : memref<2x10240x16xf32, #tpu.memory_space<hbm>> -> memref<1x640x16xf32, #tpu.memory_space<hbm>>
      %dma_start3A_15 = tpu.memref_squeeze %dma_start3A_14 : memref<1x640x16xf32, #tpu.memory_space<hbm>> -> memref<640x16xf32, #tpu.memory_space<hbm>>
      %dma_start3A_16 = arith.constant 0 : i32
      %dma_start3A_17 = tpu.memref_slice %arg8[%mul3A_10, %dma_start3A_16] : memref<10240x16xf32, #tpu.memory_space<vmem_shared>> -> memref<640x16xf32, #tpu.memory_space<vmem_shared>>
      tpu.enqueue_dma source(%dma_start3A_17 : memref<640x16xf32, #tpu.memory_space<vmem_shared>>) target(%dma_start3A_15 : memref<640x16xf32, #tpu.memory_space<hbm>>) target_semaphore(%run_scoped3A_13 : memref<!tpu.dma_semaphore, #tpu.memory_space<semaphore_mem>>)
      %dma_wait3A = arith.constant 0 : i32
      %dma_wait3A_18 = tpu.memref_slice %arg5[%arg0, %mul3A_12, %dma_wait3A] : memref<2x10240x16xf32, #tpu.memory_space<hbm>> -> memref<1x640x16xf32, #tpu.memory_space<hbm>>
      %dma_wait3A_19 = tpu.memref_squeeze %dma_wait3A_18 : memref<1x640x16xf32, #tpu.memory_space<hbm>> -> memref<640x16xf32, #tpu.memory_space<hbm>>
      %dma_wait3A_20 = arith.constant 0 : i32
      %dma_wait3A_21 = tpu.memref_slice %arg8[%mul3A_10, %dma_wait3A_20] : memref<10240x16xf32, #tpu.memory_space<vmem_shared>> -> memref<640x16xf32, #tpu.memory_space<vmem_shared>>
      tpu.wait_dma2 semaphore(%run_scoped3A_13 : memref<!tpu.dma_semaphore, #tpu.memory_space<semaphore_mem>>) src(%dma_wait3A_21 : memref<640x16xf32, #tpu.memory_space<vmem_shared>>) dst(%dma_wait3A_19 : memref<640x16xf32, #tpu.memory_space<hbm>>)
      tpu.yield
    }) : () -> ()
    return
  }
}

#map = affine_map<(d0, d1) -> (0, 0)>
#map1 = affine_map<(d0, d1) -> (0, 0, 0)>
module attributes {stable_mosaic.version = 14 : i64} {
  func.func @_seg_body(%arg0: i32, %arg1: i32, %arg2: memref<10240x128xf32, #tpu.memory_space<hbm>>, %arg3: memref<32x81x128xi32, #tpu.memory_space<hbm>>, %arg4: memref<32x81x128xi32, #tpu.memory_space<hbm>>, %arg5: memref<640x128xf32, #tpu.memory_space<hbm>>, %arg6: memref<2x10240x128xf32, #tpu.memory_space<hbm>>, %arg7: memref<3x128xi32, #tpu.memory_space<vmem>>, %arg8: memref<81x128xi32, #tpu.memory_space<vmem>>, %arg9: memref<2x128x128xf32, #tpu.memory_space<vmem>>, %arg10: memref<10240x128xf32, #tpu.memory_space<vmem_shared>>, %arg11: memref<2x!tpu.dma_semaphore, #tpu.memory_space<semaphore_mem>>, %arg12: memref<!tpu.dma_semaphore, #tpu.memory_space<semaphore_mem>>, %arg13: memref<2x!tpu.dma_semaphore, #tpu.memory_space<semaphore_mem>>) attributes {dimension_semantics = [#tpu.dimension_semantics<core_parallel>, #tpu.dimension_semantics<subcore_parallel>], iteration_bounds = array<i64: 2, 16>, scalar_prefetch = 0 : i64, scratch_operands = 7 : i64, tpu.core_type = #tpu.core_type<sc_vector_subcore>, window_params = [{transform_indices = #map}, {transform_indices = #map1}, {transform_indices = #map1}, {transform_indices = #map}, {transform_indices = #map1}]} {
    %mul3A = arith.constant 2 : i32
    %mul3A_0 = arith.muli %arg1, %mul3A : i32
    %add3A = arith.addi %mul3A_0, %arg0 : i32
    "tpu.region"() ({
      %run_scoped3A_56 = tpu.sem_alloc : memref<!tpu.dma_semaphore, #tpu.memory_space<semaphore_mem>>
      %dma_start3A_57 = arith.constant 0 : i32
      %dma_start3A_58 = arith.constant 0 : i32
      %dma_start3A_59 = tpu.memref_slice %arg4[%add3A, %dma_start3A_57, %dma_start3A_58] : memref<32x81x128xi32, #tpu.memory_space<hbm>> -> memref<1x81x128xi32, #tpu.memory_space<hbm>>
      %dma_start3A_60 = tpu.memref_squeeze %dma_start3A_59 : memref<1x81x128xi32, #tpu.memory_space<hbm>> -> memref<81x128xi32, #tpu.memory_space<hbm>>
      %dma_start3A_61 = arith.constant 0 : i32
      %dma_start3A_62 = arith.constant 0 : i32
      %dma_start3A_63 = tpu.memref_slice %arg4[%add3A, %dma_start3A_61, %dma_start3A_62] : memref<32x81x128xi32, #tpu.memory_space<hbm>> -> memref<1x81x128xi32, #tpu.memory_space<hbm>>
      %dma_start3A_64 = tpu.memref_squeeze %dma_start3A_63 : memref<1x81x128xi32, #tpu.memory_space<hbm>> -> memref<81x128xi32, #tpu.memory_space<hbm>>
      tpu.enqueue_dma source(%dma_start3A_64 : memref<81x128xi32, #tpu.memory_space<hbm>>) target(%arg8 : memref<81x128xi32, #tpu.memory_space<vmem>>) target_semaphore(%run_scoped3A_56 : memref<!tpu.dma_semaphore, #tpu.memory_space<semaphore_mem>>)
      %dma_wait3A_65 = arith.constant 0 : i32
      %dma_wait3A_66 = arith.constant 0 : i32
      %dma_wait3A_67 = tpu.memref_slice %arg4[%add3A, %dma_wait3A_65, %dma_wait3A_66] : memref<32x81x128xi32, #tpu.memory_space<hbm>> -> memref<1x81x128xi32, #tpu.memory_space<hbm>>
      %dma_wait3A_68 = tpu.memref_squeeze %dma_wait3A_67 : memref<1x81x128xi32, #tpu.memory_space<hbm>> -> memref<81x128xi32, #tpu.memory_space<hbm>>
      %dma_wait3A_69 = arith.constant 0 : i32
      %dma_wait3A_70 = arith.constant 0 : i32
      %dma_wait3A_71 = tpu.memref_slice %arg4[%add3A, %dma_wait3A_69, %dma_wait3A_70] : memref<32x81x128xi32, #tpu.memory_space<hbm>> -> memref<1x81x128xi32, #tpu.memory_space<hbm>>
      %dma_wait3A_72 = tpu.memref_squeeze %dma_wait3A_71 : memref<1x81x128xi32, #tpu.memory_space<hbm>> -> memref<81x128xi32, #tpu.memory_space<hbm>>
      tpu.wait_dma2 semaphore(%run_scoped3A_56 : memref<!tpu.dma_semaphore, #tpu.memory_space<semaphore_mem>>) src(%dma_wait3A_72 : memref<81x128xi32, #tpu.memory_space<hbm>>) dst(%arg8 : memref<81x128xi32, #tpu.memory_space<vmem>>)
      tpu.yield
    }) : () -> ()
    %run_scoped3A = arith.constant 0 : i32
    %run_scoped3A_1 = arith.constant 0 : i32
    "tpu.region"() ({
      %run_scoped3A_56 = tpu.sem_alloc : memref<!tpu.dma_semaphore, #tpu.memory_space<semaphore_mem>>
      %dma_start3A_57 = arith.constant 0 : i32
      %dma_start3A_58 = tpu.memref_slice %arg7[%run_scoped3A_1, %dma_start3A_57] : memref<3x128xi32, #tpu.memory_space<vmem>> -> memref<1x128xi32, #tpu.memory_space<vmem>>
      %dma_start3A_59 = tpu.memref_squeeze %dma_start3A_58 : memref<1x128xi32, #tpu.memory_space<vmem>> -> memref<128xi32, #tpu.memory_space<vmem>>
      %dma_start3A_60 = arith.constant 0 : i32
      %dma_start3A_61 = tpu.memref_slice %arg3[%add3A, %run_scoped3A, %dma_start3A_60] : memref<32x81x128xi32, #tpu.memory_space<hbm>> -> memref<1x1x128xi32, #tpu.memory_space<hbm>>
      %dma_start3A_62 = tpu.memref_squeeze %dma_start3A_61 : memref<1x1x128xi32, #tpu.memory_space<hbm>> -> memref<128xi32, #tpu.memory_space<hbm>>
      %dma_start3A_63 = arith.constant 0 : i32
      %dma_start3A_64 = tpu.memref_slice %arg7[%run_scoped3A_1, %dma_start3A_63] : memref<3x128xi32, #tpu.memory_space<vmem>> -> memref<1x128xi32, #tpu.memory_space<vmem>>
      %dma_start3A_65 = tpu.memref_squeeze %dma_start3A_64 : memref<1x128xi32, #tpu.memory_space<vmem>> -> memref<128xi32, #tpu.memory_space<vmem>>
      %dma_start3A_66 = arith.constant 0 : i32
      %dma_start3A_67 = tpu.memref_slice %arg3[%add3A, %run_scoped3A, %dma_start3A_66] : memref<32x81x128xi32, #tpu.memory_space<hbm>> -> memref<1x1x128xi32, #tpu.memory_space<hbm>>
      %dma_start3A_68 = tpu.memref_squeeze %dma_start3A_67 : memref<1x1x128xi32, #tpu.memory_space<hbm>> -> memref<128xi32, #tpu.memory_space<hbm>>
      tpu.enqueue_dma source(%dma_start3A_68 : memref<128xi32, #tpu.memory_space<hbm>>) target(%dma_start3A_65 : memref<128xi32, #tpu.memory_space<vmem>>) target_semaphore(%run_scoped3A_56 : memref<!tpu.dma_semaphore, #tpu.memory_space<semaphore_mem>>)
      %dma_wait3A_69 = arith.constant 0 : i32
      %dma_wait3A_70 = tpu.memref_slice %arg7[%run_scoped3A_1, %dma_wait3A_69] : memref<3x128xi32, #tpu.memory_space<vmem>> -> memref<1x128xi32, #tpu.memory_space<vmem>>
      %dma_wait3A_71 = tpu.memref_squeeze %dma_wait3A_70 : memref<1x128xi32, #tpu.memory_space<vmem>> -> memref<128xi32, #tpu.memory_space<vmem>>
      %dma_wait3A_72 = arith.constant 0 : i32
      %dma_wait3A_73 = tpu.memref_slice %arg3[%add3A, %run_scoped3A, %dma_wait3A_72] : memref<32x81x128xi32, #tpu.memory_space<hbm>> -> memref<1x1x128xi32, #tpu.memory_space<hbm>>
      %dma_wait3A_74 = tpu.memref_squeeze %dma_wait3A_73 : memref<1x1x128xi32, #tpu.memory_space<hbm>> -> memref<128xi32, #tpu.memory_space<hbm>>
      %dma_wait3A_75 = arith.constant 0 : i32
      %dma_wait3A_76 = tpu.memref_slice %arg7[%run_scoped3A_1, %dma_wait3A_75] : memref<3x128xi32, #tpu.memory_space<vmem>> -> memref<1x128xi32, #tpu.memory_space<vmem>>
      %dma_wait3A_77 = tpu.memref_squeeze %dma_wait3A_76 : memref<1x128xi32, #tpu.memory_space<vmem>> -> memref<128xi32, #tpu.memory_space<vmem>>
      %dma_wait3A_78 = arith.constant 0 : i32
      %dma_wait3A_79 = tpu.memref_slice %arg3[%add3A, %run_scoped3A, %dma_wait3A_78] : memref<32x81x128xi32, #tpu.memory_space<hbm>> -> memref<1x1x128xi32, #tpu.memory_space<hbm>>
      %dma_wait3A_80 = tpu.memref_squeeze %dma_wait3A_79 : memref<1x1x128xi32, #tpu.memory_space<hbm>> -> memref<128xi32, #tpu.memory_space<hbm>>
      tpu.wait_dma2 semaphore(%run_scoped3A_56 : memref<!tpu.dma_semaphore, #tpu.memory_space<semaphore_mem>>) src(%dma_wait3A_80 : memref<128xi32, #tpu.memory_space<hbm>>) dst(%dma_wait3A_77 : memref<128xi32, #tpu.memory_space<vmem>>)
      tpu.yield
    }) : () -> ()
    %dma_start3A = arith.constant 0 : i32
    %dma_start3A_2 = arith.constant 0 : i32
    %dma_start3A_3 = arith.constant 0 : i32
    %dma_start3A_4 = arith.constant 0 : i32
    %dma_start3A_5 = arith.constant 0 : i32
    %dma_start3A_6 = tpu.memref_slice %arg9[%dma_start3A_2, %dma_start3A_4, %dma_start3A_5] : memref<2x128x128xf32, #tpu.memory_space<vmem>> -> memref<1x128x128xf32, #tpu.memory_space<vmem>>
    %dma_start3A_7 = tpu.memref_squeeze %dma_start3A_6 : memref<1x128x128xf32, #tpu.memory_space<vmem>> -> memref<128x128xf32, #tpu.memory_space<vmem>>
    %dma_start3A_8 = arith.constant 0 : i32
    %dma_start3A_9 = tpu.memref_slice %arg7[%dma_start3A, %dma_start3A_8] : memref<3x128xi32, #tpu.memory_space<vmem>> -> memref<1x128xi32, #tpu.memory_space<vmem>>
    %dma_start3A_10 = tpu.memref_squeeze %dma_start3A_9 : memref<1x128xi32, #tpu.memory_space<vmem>> -> memref<128xi32, #tpu.memory_space<vmem>>
    %dma_start3A_11 = arith.constant 0 : i32
    %dma_start3A_12 = arith.constant 0 : i32
    %dma_start3A_13 = tpu.memref_slice %arg2[%dma_start3A_11, %dma_start3A_12] : memref<10240x128xf32, #tpu.memory_space<hbm>> -> memref<10240x128xf32, #tpu.memory_space<hbm>>
    %dma_start3A_14 = tpu.memref_slice %arg11[%dma_start3A_3] : memref<2x!tpu.dma_semaphore, #tpu.memory_space<semaphore_mem>> -> memref<1x!tpu.dma_semaphore, #tpu.memory_space<semaphore_mem>>
    %dma_start3A_15 = tpu.memref_squeeze %dma_start3A_14 : memref<1x!tpu.dma_semaphore, #tpu.memory_space<semaphore_mem>> -> memref<!tpu.dma_semaphore, #tpu.memory_space<semaphore_mem>>
    tpu.enqueue_indirect_dma source(%dma_start3A_13 : memref<10240x128xf32, #tpu.memory_space<hbm>>) target(%dma_start3A_7 : memref<128x128xf32, #tpu.memory_space<vmem>>) offsets(%dma_start3A_10 : memref<128xi32, #tpu.memory_space<vmem>>) semaphore(%dma_start3A_15 : memref<!tpu.dma_semaphore, #tpu.memory_space<semaphore_mem>>)
    %dma_start3A_16 = arith.constant 1 : i32
    %dma_start3A_17 = arith.constant 1 : i32
    %dma_start3A_18 = arith.constant 0 : i32
    %dma_start3A_19 = tpu.memref_slice %arg7[%dma_start3A_17, %dma_start3A_18] : memref<3x128xi32, #tpu.memory_space<vmem>> -> memref<1x128xi32, #tpu.memory_space<vmem>>
    %dma_start3A_20 = tpu.memref_squeeze %dma_start3A_19 : memref<1x128xi32, #tpu.memory_space<vmem>> -> memref<128xi32, #tpu.memory_space<vmem>>
    %dma_start3A_21 = arith.constant 0 : i32
    %dma_start3A_22 = tpu.memref_slice %arg3[%add3A, %dma_start3A_16, %dma_start3A_21] : memref<32x81x128xi32, #tpu.memory_space<hbm>> -> memref<1x1x128xi32, #tpu.memory_space<hbm>>
    %dma_start3A_23 = tpu.memref_squeeze %dma_start3A_22 : memref<1x1x128xi32, #tpu.memory_space<hbm>> -> memref<128xi32, #tpu.memory_space<hbm>>
    %dma_start3A_24 = arith.constant 0 : i32
    %dma_start3A_25 = tpu.memref_slice %arg7[%dma_start3A_17, %dma_start3A_24] : memref<3x128xi32, #tpu.memory_space<vmem>> -> memref<1x128xi32, #tpu.memory_space<vmem>>
    %dma_start3A_26 = tpu.memref_squeeze %dma_start3A_25 : memref<1x128xi32, #tpu.memory_space<vmem>> -> memref<128xi32, #tpu.memory_space<vmem>>
    %dma_start3A_27 = arith.constant 0 : i32
    %dma_start3A_28 = tpu.memref_slice %arg3[%add3A, %dma_start3A_16, %dma_start3A_27] : memref<32x81x128xi32, #tpu.memory_space<hbm>> -> memref<1x1x128xi32, #tpu.memory_space<hbm>>
    %dma_start3A_29 = tpu.memref_squeeze %dma_start3A_28 : memref<1x1x128xi32, #tpu.memory_space<hbm>> -> memref<128xi32, #tpu.memory_space<hbm>>
    tpu.enqueue_dma source(%dma_start3A_29 : memref<128xi32, #tpu.memory_space<hbm>>) target(%dma_start3A_26 : memref<128xi32, #tpu.memory_space<vmem>>) target_semaphore(%arg12 : memref<!tpu.dma_semaphore, #tpu.memory_space<semaphore_mem>>)
    %mul3A_30 = arith.constant 640 : i32
    %mul3A_31 = arith.muli %arg1, %mul3A_30 : i32
    "tpu.region"() ({
      %run_scoped3A_56 = tpu.sem_alloc : memref<!tpu.dma_semaphore, #tpu.memory_space<semaphore_mem>>
      %dma_start3A_57 = arith.constant 0 : i32
      %dma_start3A_58 = tpu.memref_slice %arg10[%mul3A_31, %dma_start3A_57] : memref<10240x128xf32, #tpu.memory_space<vmem_shared>> -> memref<640x128xf32, #tpu.memory_space<vmem_shared>>
      tpu.enqueue_dma source(%arg5 : memref<640x128xf32, #tpu.memory_space<hbm>>) target(%dma_start3A_58 : memref<640x128xf32, #tpu.memory_space<vmem_shared>>) target_semaphore(%run_scoped3A_56 : memref<!tpu.dma_semaphore, #tpu.memory_space<semaphore_mem>>)
      %dma_wait3A_59 = arith.constant 0 : i32
      %dma_wait3A_60 = tpu.memref_slice %arg10[%mul3A_31, %dma_wait3A_59] : memref<10240x128xf32, #tpu.memory_space<vmem_shared>> -> memref<640x128xf32, #tpu.memory_space<vmem_shared>>
      tpu.wait_dma2 semaphore(%run_scoped3A_56 : memref<!tpu.dma_semaphore, #tpu.memory_space<semaphore_mem>>) src(%arg5 : memref<640x128xf32, #tpu.memory_space<hbm>>) dst(%dma_wait3A_60 : memref<640x128xf32, #tpu.memory_space<vmem_shared>>)
      tpu.yield
    }) : () -> ()
    %barrier3A = arith.constant 0 : index
    tpu.barrier barrier_id(%barrier3A)
    %scan3A = arith.constant 0 : i32
    %scan3A_32 = arith.constant 0 : i32
    %scan3A_33 = arith.constant 81 : i32
    %scan3A_34 = arith.addi %scan3A_32, %scan3A_33 : i32
    %scan3A_35 = arith.constant 1 : i32
    scf.for %scan3A_56 = %scan3A_32 to %scan3A_34 step %scan3A_35  : i32 {
      %rem3A = arith.constant 2 : i32
      %rem3A_57 = arith.remsi %scan3A_56, %rem3A : i32
      %ge3A = arith.constant 1 : i32
      %ge3A_58 = arith.cmpi sge, %scan3A_56, %ge3A : i32
      %convert_element_type3A = arith.extui %ge3A_58 : i1 to i32
      %cond3A = arith.constant 0 : i32
      %cond3A_59 = arith.cmpi ne, %convert_element_type3A, %cond3A : i32
      scf.if %cond3A_59 {
        %sub3A = arith.constant 1 : i32
        %sub3A_98 = arith.subi %sub3A, %rem3A_57 : i32
        %dma_wait3A_99 = arith.constant 0 : i32
        %dma_wait3A_100 = arith.constant 0 : i32
        %dma_wait3A_101 = arith.constant 0 : i32
        %dma_wait3A_102 = arith.constant 0 : i32
        %dma_wait3A_103 = tpu.memref_slice %arg9[%dma_wait3A_99, %dma_wait3A_101, %dma_wait3A_102] : memref<2x128x128xf32, #tpu.memory_space<vmem>> -> memref<1x128x128xf32, #tpu.memory_space<vmem>>
        %dma_wait3A_104 = tpu.memref_squeeze %dma_wait3A_103 : memref<1x128x128xf32, #tpu.memory_space<vmem>> -> memref<128x128xf32, #tpu.memory_space<vmem>>
        %dma_wait3A_105 = arith.constant 0 : i32
        %dma_wait3A_106 = tpu.memref_slice %arg8[%dma_wait3A_100, %dma_wait3A_105] : memref<81x128xi32, #tpu.memory_space<vmem>> -> memref<1x128xi32, #tpu.memory_space<vmem>>
        %dma_wait3A_107 = tpu.memref_squeeze %dma_wait3A_106 : memref<1x128xi32, #tpu.memory_space<vmem>> -> memref<128xi32, #tpu.memory_space<vmem>>
        %dma_wait3A_108 = arith.constant 0 : i32
        %dma_wait3A_109 = arith.constant 0 : i32
        %dma_wait3A_110 = tpu.memref_slice %arg10[%dma_wait3A_108, %dma_wait3A_109] : memref<10240x128xf32, #tpu.memory_space<vmem_shared>> -> memref<10240x128xf32, #tpu.memory_space<vmem_shared>>
        %dma_wait3A_111 = tpu.memref_slice %arg13[%sub3A_98] : memref<2x!tpu.dma_semaphore, #tpu.memory_space<semaphore_mem>> -> memref<1x!tpu.dma_semaphore, #tpu.memory_space<semaphore_mem>>
        %dma_wait3A_112 = tpu.memref_squeeze %dma_wait3A_111 : memref<1x!tpu.dma_semaphore, #tpu.memory_space<semaphore_mem>> -> memref<!tpu.dma_semaphore, #tpu.memory_space<semaphore_mem>>
        tpu.wait_indirect_dma semaphore(%dma_wait3A_112 : memref<!tpu.dma_semaphore, #tpu.memory_space<semaphore_mem>>) src(%dma_wait3A_104 : memref<128x128xf32, #tpu.memory_space<vmem>>) dst(%dma_wait3A_110 : memref<10240x128xf32, #tpu.memory_space<vmem_shared>>)
      } else {
      }
      %add3A_60 = arith.constant 1 : i32
      %add3A_61 = arith.addi %scan3A_56, %add3A_60 : i32
      %lt3A = arith.constant 81 : i32
      %lt3A_62 = arith.cmpi slt, %add3A_61, %lt3A : i32
      %convert_element_type3A_63 = arith.extui %lt3A_62 : i1 to i32
      %cond3A_64 = arith.constant 0 : i32
      %cond3A_65 = arith.cmpi ne, %convert_element_type3A_63, %cond3A_64 : i32
      scf.if %cond3A_65 {
        %dma_wait3A_98 = arith.constant 0 : i32
        %dma_wait3A_99 = arith.constant 0 : i32
        %dma_wait3A_100 = arith.constant 0 : i32
        %dma_wait3A_101 = tpu.memref_slice %arg7[%dma_wait3A_99, %dma_wait3A_100] : memref<3x128xi32, #tpu.memory_space<vmem>> -> memref<1x128xi32, #tpu.memory_space<vmem>>
        %dma_wait3A_102 = tpu.memref_squeeze %dma_wait3A_101 : memref<1x128xi32, #tpu.memory_space<vmem>> -> memref<128xi32, #tpu.memory_space<vmem>>
        %dma_wait3A_103 = arith.constant 0 : i32
        %dma_wait3A_104 = tpu.memref_slice %arg3[%add3A, %dma_wait3A_98, %dma_wait3A_103] : memref<32x81x128xi32, #tpu.memory_space<hbm>> -> memref<1x1x128xi32, #tpu.memory_space<hbm>>
        %dma_wait3A_105 = tpu.memref_squeeze %dma_wait3A_104 : memref<1x1x128xi32, #tpu.memory_space<hbm>> -> memref<128xi32, #tpu.memory_space<hbm>>
        %dma_wait3A_106 = arith.constant 0 : i32
        %dma_wait3A_107 = tpu.memref_slice %arg7[%dma_wait3A_99, %dma_wait3A_106] : memref<3x128xi32, #tpu.memory_space<vmem>> -> memref<1x128xi32, #tpu.memory_space<vmem>>
        %dma_wait3A_108 = tpu.memref_squeeze %dma_wait3A_107 : memref<1x128xi32, #tpu.memory_space<vmem>> -> memref<128xi32, #tpu.memory_space<vmem>>
        %dma_wait3A_109 = arith.constant 0 : i32
        %dma_wait3A_110 = tpu.memref_slice %arg3[%add3A, %dma_wait3A_98, %dma_wait3A_109] : memref<32x81x128xi32, #tpu.memory_space<hbm>> -> memref<1x1x128xi32, #tpu.memory_space<hbm>>
        %dma_wait3A_111 = tpu.memref_squeeze %dma_wait3A_110 : memref<1x1x128xi32, #tpu.memory_space<hbm>> -> memref<128xi32, #tpu.memory_space<hbm>>
        tpu.wait_dma2 semaphore(%arg12 : memref<!tpu.dma_semaphore, #tpu.memory_space<semaphore_mem>>) src(%dma_wait3A_111 : memref<128xi32, #tpu.memory_space<hbm>>) dst(%dma_wait3A_108 : memref<128xi32, #tpu.memory_space<vmem>>)
        %add3A_112 = arith.constant 1 : i32
        %add3A_113 = arith.addi %scan3A_56, %add3A_112 : i32
        %rem3A_114 = arith.constant 3 : i32
        %rem3A_115 = arith.remsi %add3A_113, %rem3A_114 : i32
        %sub3A = arith.constant 1 : i32
        %sub3A_116 = arith.subi %sub3A, %rem3A_57 : i32
        %sub3A_117 = arith.constant 1 : i32
        %sub3A_118 = arith.subi %sub3A_117, %rem3A_57 : i32
        %dma_start3A_119 = arith.constant 0 : i32
        %dma_start3A_120 = arith.constant 0 : i32
        %dma_start3A_121 = tpu.memref_slice %arg9[%sub3A_116, %dma_start3A_119, %dma_start3A_120] : memref<2x128x128xf32, #tpu.memory_space<vmem>> -> memref<1x128x128xf32, #tpu.memory_space<vmem>>
        %dma_start3A_122 = tpu.memref_squeeze %dma_start3A_121 : memref<1x128x128xf32, #tpu.memory_space<vmem>> -> memref<128x128xf32, #tpu.memory_space<vmem>>
        %dma_start3A_123 = arith.constant 0 : i32
        %dma_start3A_124 = tpu.memref_slice %arg7[%rem3A_115, %dma_start3A_123] : memref<3x128xi32, #tpu.memory_space<vmem>> -> memref<1x128xi32, #tpu.memory_space<vmem>>
        %dma_start3A_125 = tpu.memref_squeeze %dma_start3A_124 : memref<1x128xi32, #tpu.memory_space<vmem>> -> memref<128xi32, #tpu.memory_space<vmem>>
        %dma_start3A_126 = arith.constant 0 : i32
        %dma_start3A_127 = arith.constant 0 : i32
        %dma_start3A_128 = tpu.memref_slice %arg2[%dma_start3A_126, %dma_start3A_127] : memref<10240x128xf32, #tpu.memory_space<hbm>> -> memref<10240x128xf32, #tpu.memory_space<hbm>>
        %dma_start3A_129 = tpu.memref_slice %arg11[%sub3A_118] : memref<2x!tpu.dma_semaphore, #tpu.memory_space<semaphore_mem>> -> memref<1x!tpu.dma_semaphore, #tpu.memory_space<semaphore_mem>>
        %dma_start3A_130 = tpu.memref_squeeze %dma_start3A_129 : memref<1x!tpu.dma_semaphore, #tpu.memory_space<semaphore_mem>> -> memref<!tpu.dma_semaphore, #tpu.memory_space<semaphore_mem>>
        tpu.enqueue_indirect_dma source(%dma_start3A_128 : memref<10240x128xf32, #tpu.memory_space<hbm>>) target(%dma_start3A_122 : memref<128x128xf32, #tpu.memory_space<vmem>>) offsets(%dma_start3A_125 : memref<128xi32, #tpu.memory_space<vmem>>) semaphore(%dma_start3A_130 : memref<!tpu.dma_semaphore, #tpu.memory_space<semaphore_mem>>)
      } else {
      }
      %add3A_66 = arith.constant 2 : i32
      %add3A_67 = arith.addi %scan3A_56, %add3A_66 : i32
      %lt3A_68 = arith.constant 81 : i32
      %lt3A_69 = arith.cmpi slt, %add3A_67, %lt3A_68 : i32
      %convert_element_type3A_70 = arith.extui %lt3A_69 : i1 to i32
      %cond3A_71 = arith.constant 0 : i32
      %cond3A_72 = arith.cmpi ne, %convert_element_type3A_70, %cond3A_71 : i32
      scf.if %cond3A_72 {
        %add3A_98 = arith.constant 2 : i32
        %add3A_99 = arith.addi %scan3A_56, %add3A_98 : i32
        %add3A_100 = arith.constant 2 : i32
        %add3A_101 = arith.addi %scan3A_56, %add3A_100 : i32
        %rem3A_102 = arith.constant 3 : i32
        %rem3A_103 = arith.remsi %add3A_101, %rem3A_102 : i32
        %dma_start3A_104 = arith.constant 0 : i32
        %dma_start3A_105 = tpu.memref_slice %arg7[%rem3A_103, %dma_start3A_104] : memref<3x128xi32, #tpu.memory_space<vmem>> -> memref<1x128xi32, #tpu.memory_space<vmem>>
        %dma_start3A_106 = tpu.memref_squeeze %dma_start3A_105 : memref<1x128xi32, #tpu.memory_space<vmem>> -> memref<128xi32, #tpu.memory_space<vmem>>
        %dma_start3A_107 = arith.constant 0 : i32
        %dma_start3A_108 = tpu.memref_slice %arg3[%add3A, %add3A_99, %dma_start3A_107] : memref<32x81x128xi32, #tpu.memory_space<hbm>> -> memref<1x1x128xi32, #tpu.memory_space<hbm>>
        %dma_start3A_109 = tpu.memref_squeeze %dma_start3A_108 : memref<1x1x128xi32, #tpu.memory_space<hbm>> -> memref<128xi32, #tpu.memory_space<hbm>>
        %dma_start3A_110 = arith.constant 0 : i32
        %dma_start3A_111 = tpu.memref_slice %arg7[%rem3A_103, %dma_start3A_110] : memref<3x128xi32, #tpu.memory_space<vmem>> -> memref<1x128xi32, #tpu.memory_space<vmem>>
        %dma_start3A_112 = tpu.memref_squeeze %dma_start3A_111 : memref<1x128xi32, #tpu.memory_space<vmem>> -> memref<128xi32, #tpu.memory_space<vmem>>
        %dma_start3A_113 = arith.constant 0 : i32
        %dma_start3A_114 = tpu.memref_slice %arg3[%add3A, %add3A_99, %dma_start3A_113] : memref<32x81x128xi32, #tpu.memory_space<hbm>> -> memref<1x1x128xi32, #tpu.memory_space<hbm>>
        %dma_start3A_115 = tpu.memref_squeeze %dma_start3A_114 : memref<1x1x128xi32, #tpu.memory_space<hbm>> -> memref<128xi32, #tpu.memory_space<hbm>>
        tpu.enqueue_dma source(%dma_start3A_115 : memref<128xi32, #tpu.memory_space<hbm>>) target(%dma_start3A_112 : memref<128xi32, #tpu.memory_space<vmem>>) target_semaphore(%arg12 : memref<!tpu.dma_semaphore, #tpu.memory_space<semaphore_mem>>)
      } else {
      }
      %dma_wait3A_73 = arith.constant 0 : i32
      %dma_wait3A_74 = arith.constant 0 : i32
      %dma_wait3A_75 = arith.constant 0 : i32
      %dma_wait3A_76 = tpu.memref_slice %arg9[%rem3A_57, %dma_wait3A_74, %dma_wait3A_75] : memref<2x128x128xf32, #tpu.memory_space<vmem>> -> memref<1x128x128xf32, #tpu.memory_space<vmem>>
      %dma_wait3A_77 = tpu.memref_squeeze %dma_wait3A_76 : memref<1x128x128xf32, #tpu.memory_space<vmem>> -> memref<128x128xf32, #tpu.memory_space<vmem>>
      %dma_wait3A_78 = arith.constant 0 : i32
      %dma_wait3A_79 = tpu.memref_slice %arg7[%dma_wait3A_73, %dma_wait3A_78] : memref<3x128xi32, #tpu.memory_space<vmem>> -> memref<1x128xi32, #tpu.memory_space<vmem>>
      %dma_wait3A_80 = tpu.memref_squeeze %dma_wait3A_79 : memref<1x128xi32, #tpu.memory_space<vmem>> -> memref<128xi32, #tpu.memory_space<vmem>>
      %dma_wait3A_81 = arith.constant 0 : i32
      %dma_wait3A_82 = arith.constant 0 : i32
      %dma_wait3A_83 = tpu.memref_slice %arg2[%dma_wait3A_81, %dma_wait3A_82] : memref<10240x128xf32, #tpu.memory_space<hbm>> -> memref<10240x128xf32, #tpu.memory_space<hbm>>
      %dma_wait3A_84 = tpu.memref_slice %arg11[%rem3A_57] : memref<2x!tpu.dma_semaphore, #tpu.memory_space<semaphore_mem>> -> memref<1x!tpu.dma_semaphore, #tpu.memory_space<semaphore_mem>>
      %dma_wait3A_85 = tpu.memref_squeeze %dma_wait3A_84 : memref<1x!tpu.dma_semaphore, #tpu.memory_space<semaphore_mem>> -> memref<!tpu.dma_semaphore, #tpu.memory_space<semaphore_mem>>
      tpu.wait_indirect_dma semaphore(%dma_wait3A_85 : memref<!tpu.dma_semaphore, #tpu.memory_space<semaphore_mem>>) src(%dma_wait3A_83 : memref<10240x128xf32, #tpu.memory_space<hbm>>) dst(%dma_wait3A_77 : memref<128x128xf32, #tpu.memory_space<vmem>>)
      %dma_start3A_86 = arith.constant 0 : i32
      %dma_start3A_87 = arith.constant 0 : i32
      %dma_start3A_88 = tpu.memref_slice %arg9[%rem3A_57, %dma_start3A_86, %dma_start3A_87] : memref<2x128x128xf32, #tpu.memory_space<vmem>> -> memref<1x128x128xf32, #tpu.memory_space<vmem>>
      %dma_start3A_89 = tpu.memref_squeeze %dma_start3A_88 : memref<1x128x128xf32, #tpu.memory_space<vmem>> -> memref<128x128xf32, #tpu.memory_space<vmem>>
      %dma_start3A_90 = arith.constant 0 : i32
      %dma_start3A_91 = tpu.memref_slice %arg8[%scan3A_56, %dma_start3A_90] : memref<81x128xi32, #tpu.memory_space<vmem>> -> memref<1x128xi32, #tpu.memory_space<vmem>>
      %dma_start3A_92 = tpu.memref_squeeze %dma_start3A_91 : memref<1x128xi32, #tpu.memory_space<vmem>> -> memref<128xi32, #tpu.memory_space<vmem>>
      %dma_start3A_93 = arith.constant 0 : i32
      %dma_start3A_94 = arith.constant 0 : i32
      %dma_start3A_95 = tpu.memref_slice %arg10[%dma_start3A_93, %dma_start3A_94] : memref<10240x128xf32, #tpu.memory_space<vmem_shared>> -> memref<10240x128xf32, #tpu.memory_space<vmem_shared>>
      %dma_start3A_96 = tpu.memref_slice %arg13[%rem3A_57] : memref<2x!tpu.dma_semaphore, #tpu.memory_space<semaphore_mem>> -> memref<1x!tpu.dma_semaphore, #tpu.memory_space<semaphore_mem>>
      %dma_start3A_97 = tpu.memref_squeeze %dma_start3A_96 : memref<1x!tpu.dma_semaphore, #tpu.memory_space<semaphore_mem>> -> memref<!tpu.dma_semaphore, #tpu.memory_space<semaphore_mem>>
      tpu.enqueue_indirect_dma source(%dma_start3A_89 : memref<128x128xf32, #tpu.memory_space<vmem>>) target(%dma_start3A_95 : memref<10240x128xf32, #tpu.memory_space<vmem_shared>>) offsets(%dma_start3A_92 : memref<128xi32, #tpu.memory_space<vmem>>) semaphore(%dma_start3A_97 : memref<!tpu.dma_semaphore, #tpu.memory_space<semaphore_mem>>) {add = true}
    }
    %scan3A_36 = arith.constant 81 : i32
    %dma_wait3A = arith.constant 0 : i32
    %dma_wait3A_37 = arith.constant 0 : i32
    %dma_wait3A_38 = arith.constant 0 : i32
    %dma_wait3A_39 = arith.constant 0 : i32
    %dma_wait3A_40 = arith.constant 0 : i32
    %dma_wait3A_41 = tpu.memref_slice %arg9[%dma_wait3A, %dma_wait3A_39, %dma_wait3A_40] : memref<2x128x128xf32, #tpu.memory_space<vmem>> -> memref<1x128x128xf32, #tpu.memory_space<vmem>>
    %dma_wait3A_42 = tpu.memref_squeeze %dma_wait3A_41 : memref<1x128x128xf32, #tpu.memory_space<vmem>> -> memref<128x128xf32, #tpu.memory_space<vmem>>
    %dma_wait3A_43 = arith.constant 0 : i32
    %dma_wait3A_44 = tpu.memref_slice %arg8[%dma_wait3A_37, %dma_wait3A_43] : memref<81x128xi32, #tpu.memory_space<vmem>> -> memref<1x128xi32, #tpu.memory_space<vmem>>
    %dma_wait3A_45 = tpu.memref_squeeze %dma_wait3A_44 : memref<1x128xi32, #tpu.memory_space<vmem>> -> memref<128xi32, #tpu.memory_space<vmem>>
    %dma_wait3A_46 = arith.constant 0 : i32
    %dma_wait3A_47 = arith.constant 0 : i32
    %dma_wait3A_48 = tpu.memref_slice %arg10[%dma_wait3A_46, %dma_wait3A_47] : memref<10240x128xf32, #tpu.memory_space<vmem_shared>> -> memref<10240x128xf32, #tpu.memory_space<vmem_shared>>
    %dma_wait3A_49 = tpu.memref_slice %arg13[%dma_wait3A_38] : memref<2x!tpu.dma_semaphore, #tpu.memory_space<semaphore_mem>> -> memref<1x!tpu.dma_semaphore, #tpu.memory_space<semaphore_mem>>
    %dma_wait3A_50 = tpu.memref_squeeze %dma_wait3A_49 : memref<1x!tpu.dma_semaphore, #tpu.memory_space<semaphore_mem>> -> memref<!tpu.dma_semaphore, #tpu.memory_space<semaphore_mem>>
    tpu.wait_indirect_dma semaphore(%dma_wait3A_50 : memref<!tpu.dma_semaphore, #tpu.memory_space<semaphore_mem>>) src(%dma_wait3A_42 : memref<128x128xf32, #tpu.memory_space<vmem>>) dst(%dma_wait3A_48 : memref<10240x128xf32, #tpu.memory_space<vmem_shared>>)
    %barrier3A_51 = arith.constant 0 : index
    tpu.barrier barrier_id(%barrier3A_51)
    %mul3A_52 = arith.constant 640 : i32
    %mul3A_53 = arith.muli %arg1, %mul3A_52 : i32
    %mul3A_54 = arith.constant 640 : i32
    %mul3A_55 = arith.muli %arg1, %mul3A_54 : i32
    "tpu.region"() ({
      %run_scoped3A_56 = tpu.sem_alloc : memref<!tpu.dma_semaphore, #tpu.memory_space<semaphore_mem>>
      %dma_start3A_57 = arith.constant 0 : i32
      %dma_start3A_58 = tpu.memref_slice %arg6[%arg0, %mul3A_55, %dma_start3A_57] : memref<2x10240x128xf32, #tpu.memory_space<hbm>> -> memref<1x640x128xf32, #tpu.memory_space<hbm>>
      %dma_start3A_59 = tpu.memref_squeeze %dma_start3A_58 : memref<1x640x128xf32, #tpu.memory_space<hbm>> -> memref<640x128xf32, #tpu.memory_space<hbm>>
      %dma_start3A_60 = arith.constant 0 : i32
      %dma_start3A_61 = tpu.memref_slice %arg10[%mul3A_53, %dma_start3A_60] : memref<10240x128xf32, #tpu.memory_space<vmem_shared>> -> memref<640x128xf32, #tpu.memory_space<vmem_shared>>
      tpu.enqueue_dma source(%dma_start3A_61 : memref<640x128xf32, #tpu.memory_space<vmem_shared>>) target(%dma_start3A_59 : memref<640x128xf32, #tpu.memory_space<hbm>>) target_semaphore(%run_scoped3A_56 : memref<!tpu.dma_semaphore, #tpu.memory_space<semaphore_mem>>)
      %dma_wait3A_62 = arith.constant 0 : i32
      %dma_wait3A_63 = tpu.memref_slice %arg6[%arg0, %mul3A_55, %dma_wait3A_62] : memref<2x10240x128xf32, #tpu.memory_space<hbm>> -> memref<1x640x128xf32, #tpu.memory_space<hbm>>
      %dma_wait3A_64 = tpu.memref_squeeze %dma_wait3A_63 : memref<1x640x128xf32, #tpu.memory_space<hbm>> -> memref<640x128xf32, #tpu.memory_space<hbm>>
      %dma_wait3A_65 = arith.constant 0 : i32
      %dma_wait3A_66 = tpu.memref_slice %arg10[%mul3A_53, %dma_wait3A_65] : memref<10240x128xf32, #tpu.memory_space<vmem_shared>> -> memref<640x128xf32, #tpu.memory_space<vmem_shared>>
      tpu.wait_dma2 semaphore(%run_scoped3A_56 : memref<!tpu.dma_semaphore, #tpu.memory_space<semaphore_mem>>) src(%dma_wait3A_66 : memref<640x128xf32, #tpu.memory_space<vmem_shared>>) dst(%dma_wait3A_64 : memref<640x128xf32, #tpu.memory_space<hbm>>)
      tpu.yield
    }) : () -> ()
    return
  }
}

#map = affine_map<(d0, d1) -> (0, 0)>
#map1 = affine_map<(d0, d1) -> (0, 0, 0)>
module attributes {stable_mosaic.version = 14 : i64} {
  func.func @_seg_body(%arg0: i32, %arg1: i32, %arg2: memref<10240x128xf32, #tpu.memory_space<hbm>>, %arg3: memref<32x81x128xi32, #tpu.memory_space<hbm>>, %arg4: memref<32x81x128xi32, #tpu.memory_space<hbm>>, %arg5: memref<640x128xf32, #tpu.memory_space<hbm>>, %arg6: memref<2x10240x128xf32, #tpu.memory_space<hbm>>, %arg7: memref<3x128xi32, #tpu.memory_space<vmem>>, %arg8: memref<81x128xi32, #tpu.memory_space<vmem>>, %arg9: memref<2x128x128xf32, #tpu.memory_space<vmem>>, %arg10: memref<10240x128xf32, #tpu.memory_space<vmem_shared>>, %arg11: memref<2x!tpu.dma_semaphore, #tpu.memory_space<semaphore_mem>>, %arg12: memref<!tpu.dma_semaphore, #tpu.memory_space<semaphore_mem>>, %arg13: memref<2x!tpu.dma_semaphore, #tpu.memory_space<semaphore_mem>>) attributes {dimension_semantics = [#tpu.dimension_semantics<core_parallel>, #tpu.dimension_semantics<subcore_parallel>], iteration_bounds = array<i64: 2, 16>, scalar_prefetch = 0 : i64, scratch_operands = 7 : i64, tpu.core_type = #tpu.core_type<sc_vector_subcore>, window_params = [{transform_indices = #map}, {transform_indices = #map1}, {transform_indices = #map1}, {transform_indices = #map}, {transform_indices = #map1}]} {
    %mul3A = arith.constant 2 : i32
    %mul3A_0 = arith.muli %arg1, %mul3A : i32
    %add3A = arith.addi %mul3A_0, %arg0 : i32
    "tpu.region"() ({
      %run_scoped3A_56 = tpu.sem_alloc : memref<!tpu.dma_semaphore, #tpu.memory_space<semaphore_mem>>
      %dma_start3A_57 = arith.constant 0 : i32
      %dma_start3A_58 = arith.constant 0 : i32
      %dma_start3A_59 = tpu.memref_slice %arg4[%add3A, %dma_start3A_57, %dma_start3A_58] : memref<32x81x128xi32, #tpu.memory_space<hbm>> -> memref<1x81x128xi32, #tpu.memory_space<hbm>>
      %dma_start3A_60 = tpu.memref_squeeze %dma_start3A_59 : memref<1x81x128xi32, #tpu.memory_space<hbm>> -> memref<81x128xi32, #tpu.memory_space<hbm>>
      %dma_start3A_61 = arith.constant 0 : i32
      %dma_start3A_62 = arith.constant 0 : i32
      %dma_start3A_63 = tpu.memref_slice %arg4[%add3A, %dma_start3A_61, %dma_start3A_62] : memref<32x81x128xi32, #tpu.memory_space<hbm>> -> memref<1x81x128xi32, #tpu.memory_space<hbm>>
      %dma_start3A_64 = tpu.memref_squeeze %dma_start3A_63 : memref<1x81x128xi32, #tpu.memory_space<hbm>> -> memref<81x128xi32, #tpu.memory_space<hbm>>
      tpu.enqueue_dma source(%dma_start3A_64 : memref<81x128xi32, #tpu.memory_space<hbm>>) target(%arg8 : memref<81x128xi32, #tpu.memory_space<vmem>>) target_semaphore(%run_scoped3A_56 : memref<!tpu.dma_semaphore, #tpu.memory_space<semaphore_mem>>)
      %dma_wait3A_65 = arith.constant 0 : i32
      %dma_wait3A_66 = arith.constant 0 : i32
      %dma_wait3A_67 = tpu.memref_slice %arg4[%add3A, %dma_wait3A_65, %dma_wait3A_66] : memref<32x81x128xi32, #tpu.memory_space<hbm>> -> memref<1x81x128xi32, #tpu.memory_space<hbm>>
      %dma_wait3A_68 = tpu.memref_squeeze %dma_wait3A_67 : memref<1x81x128xi32, #tpu.memory_space<hbm>> -> memref<81x128xi32, #tpu.memory_space<hbm>>
      %dma_wait3A_69 = arith.constant 0 : i32
      %dma_wait3A_70 = arith.constant 0 : i32
      %dma_wait3A_71 = tpu.memref_slice %arg4[%add3A, %dma_wait3A_69, %dma_wait3A_70] : memref<32x81x128xi32, #tpu.memory_space<hbm>> -> memref<1x81x128xi32, #tpu.memory_space<hbm>>
      %dma_wait3A_72 = tpu.memref_squeeze %dma_wait3A_71 : memref<1x81x128xi32, #tpu.memory_space<hbm>> -> memref<81x128xi32, #tpu.memory_space<hbm>>
      tpu.wait_dma2 semaphore(%run_scoped3A_56 : memref<!tpu.dma_semaphore, #tpu.memory_space<semaphore_mem>>) src(%dma_wait3A_72 : memref<81x128xi32, #tpu.memory_space<hbm>>) dst(%arg8 : memref<81x128xi32, #tpu.memory_space<vmem>>)
      tpu.yield
    }) : () -> ()
    %run_scoped3A = arith.constant 0 : i32
    %run_scoped3A_1 = arith.constant 0 : i32
    "tpu.region"() ({
      %run_scoped3A_56 = tpu.sem_alloc : memref<!tpu.dma_semaphore, #tpu.memory_space<semaphore_mem>>
      %dma_start3A_57 = arith.constant 0 : i32
      %dma_start3A_58 = tpu.memref_slice %arg7[%run_scoped3A_1, %dma_start3A_57] : memref<3x128xi32, #tpu.memory_space<vmem>> -> memref<1x128xi32, #tpu.memory_space<vmem>>
      %dma_start3A_59 = tpu.memref_squeeze %dma_start3A_58 : memref<1x128xi32, #tpu.memory_space<vmem>> -> memref<128xi32, #tpu.memory_space<vmem>>
      %dma_start3A_60 = arith.constant 0 : i32
      %dma_start3A_61 = tpu.memref_slice %arg3[%add3A, %run_scoped3A, %dma_start3A_60] : memref<32x81x128xi32, #tpu.memory_space<hbm>> -> memref<1x1x128xi32, #tpu.memory_space<hbm>>
      %dma_start3A_62 = tpu.memref_squeeze %dma_start3A_61 : memref<1x1x128xi32, #tpu.memory_space<hbm>> -> memref<128xi32, #tpu.memory_space<hbm>>
      %dma_start3A_63 = arith.constant 0 : i32
      %dma_start3A_64 = tpu.memref_slice %arg7[%run_scoped3A_1, %dma_start3A_63] : memref<3x128xi32, #tpu.memory_space<vmem>> -> memref<1x128xi32, #tpu.memory_space<vmem>>
      %dma_start3A_65 = tpu.memref_squeeze %dma_start3A_64 : memref<1x128xi32, #tpu.memory_space<vmem>> -> memref<128xi32, #tpu.memory_space<vmem>>
      %dma_start3A_66 = arith.constant 0 : i32
      %dma_start3A_67 = tpu.memref_slice %arg3[%add3A, %run_scoped3A, %dma_start3A_66] : memref<32x81x128xi32, #tpu.memory_space<hbm>> -> memref<1x1x128xi32, #tpu.memory_space<hbm>>
      %dma_start3A_68 = tpu.memref_squeeze %dma_start3A_67 : memref<1x1x128xi32, #tpu.memory_space<hbm>> -> memref<128xi32, #tpu.memory_space<hbm>>
      tpu.enqueue_dma source(%dma_start3A_68 : memref<128xi32, #tpu.memory_space<hbm>>) target(%dma_start3A_65 : memref<128xi32, #tpu.memory_space<vmem>>) target_semaphore(%run_scoped3A_56 : memref<!tpu.dma_semaphore, #tpu.memory_space<semaphore_mem>>)
      %dma_wait3A_69 = arith.constant 0 : i32
      %dma_wait3A_70 = tpu.memref_slice %arg7[%run_scoped3A_1, %dma_wait3A_69] : memref<3x128xi32, #tpu.memory_space<vmem>> -> memref<1x128xi32, #tpu.memory_space<vmem>>
      %dma_wait3A_71 = tpu.memref_squeeze %dma_wait3A_70 : memref<1x128xi32, #tpu.memory_space<vmem>> -> memref<128xi32, #tpu.memory_space<vmem>>
      %dma_wait3A_72 = arith.constant 0 : i32
      %dma_wait3A_73 = tpu.memref_slice %arg3[%add3A, %run_scoped3A, %dma_wait3A_72] : memref<32x81x128xi32, #tpu.memory_space<hbm>> -> memref<1x1x128xi32, #tpu.memory_space<hbm>>
      %dma_wait3A_74 = tpu.memref_squeeze %dma_wait3A_73 : memref<1x1x128xi32, #tpu.memory_space<hbm>> -> memref<128xi32, #tpu.memory_space<hbm>>
      %dma_wait3A_75 = arith.constant 0 : i32
      %dma_wait3A_76 = tpu.memref_slice %arg7[%run_scoped3A_1, %dma_wait3A_75] : memref<3x128xi32, #tpu.memory_space<vmem>> -> memref<1x128xi32, #tpu.memory_space<vmem>>
      %dma_wait3A_77 = tpu.memref_squeeze %dma_wait3A_76 : memref<1x128xi32, #tpu.memory_space<vmem>> -> memref<128xi32, #tpu.memory_space<vmem>>
      %dma_wait3A_78 = arith.constant 0 : i32
      %dma_wait3A_79 = tpu.memref_slice %arg3[%add3A, %run_scoped3A, %dma_wait3A_78] : memref<32x81x128xi32, #tpu.memory_space<hbm>> -> memref<1x1x128xi32, #tpu.memory_space<hbm>>
      %dma_wait3A_80 = tpu.memref_squeeze %dma_wait3A_79 : memref<1x1x128xi32, #tpu.memory_space<hbm>> -> memref<128xi32, #tpu.memory_space<hbm>>
      tpu.wait_dma2 semaphore(%run_scoped3A_56 : memref<!tpu.dma_semaphore, #tpu.memory_space<semaphore_mem>>) src(%dma_wait3A_80 : memref<128xi32, #tpu.memory_space<hbm>>) dst(%dma_wait3A_77 : memref<128xi32, #tpu.memory_space<vmem>>)
      tpu.yield
    }) : () -> ()
    %dma_start3A = arith.constant 0 : i32
    %dma_start3A_2 = arith.constant 0 : i32
    %dma_start3A_3 = arith.constant 0 : i32
    %dma_start3A_4 = arith.constant 0 : i32
    %dma_start3A_5 = arith.constant 0 : i32
    %dma_start3A_6 = tpu.memref_slice %arg9[%dma_start3A_2, %dma_start3A_4, %dma_start3A_5] : memref<2x128x128xf32, #tpu.memory_space<vmem>> -> memref<1x128x128xf32, #tpu.memory_space<vmem>>
    %dma_start3A_7 = tpu.memref_squeeze %dma_start3A_6 : memref<1x128x128xf32, #tpu.memory_space<vmem>> -> memref<128x128xf32, #tpu.memory_space<vmem>>
    %dma_start3A_8 = arith.constant 0 : i32
    %dma_start3A_9 = tpu.memref_slice %arg7[%dma_start3A, %dma_start3A_8] : memref<3x128xi32, #tpu.memory_space<vmem>> -> memref<1x128xi32, #tpu.memory_space<vmem>>
    %dma_start3A_10 = tpu.memref_squeeze %dma_start3A_9 : memref<1x128xi32, #tpu.memory_space<vmem>> -> memref<128xi32, #tpu.memory_space<vmem>>
    %dma_start3A_11 = arith.constant 0 : i32
    %dma_start3A_12 = arith.constant 0 : i32
    %dma_start3A_13 = tpu.memref_slice %arg2[%dma_start3A_11, %dma_start3A_12] : memref<10240x128xf32, #tpu.memory_space<hbm>> -> memref<10240x128xf32, #tpu.memory_space<hbm>>
    %dma_start3A_14 = tpu.memref_slice %arg11[%dma_start3A_3] : memref<2x!tpu.dma_semaphore, #tpu.memory_space<semaphore_mem>> -> memref<1x!tpu.dma_semaphore, #tpu.memory_space<semaphore_mem>>
    %dma_start3A_15 = tpu.memref_squeeze %dma_start3A_14 : memref<1x!tpu.dma_semaphore, #tpu.memory_space<semaphore_mem>> -> memref<!tpu.dma_semaphore, #tpu.memory_space<semaphore_mem>>
    tpu.enqueue_indirect_dma source(%dma_start3A_13 : memref<10240x128xf32, #tpu.memory_space<hbm>>) target(%dma_start3A_7 : memref<128x128xf32, #tpu.memory_space<vmem>>) offsets(%dma_start3A_10 : memref<128xi32, #tpu.memory_space<vmem>>) semaphore(%dma_start3A_15 : memref<!tpu.dma_semaphore, #tpu.memory_space<semaphore_mem>>)
    %dma_start3A_16 = arith.constant 1 : i32
    %dma_start3A_17 = arith.constant 1 : i32
    %dma_start3A_18 = arith.constant 0 : i32
    %dma_start3A_19 = tpu.memref_slice %arg7[%dma_start3A_17, %dma_start3A_18] : memref<3x128xi32, #tpu.memory_space<vmem>> -> memref<1x128xi32, #tpu.memory_space<vmem>>
    %dma_start3A_20 = tpu.memref_squeeze %dma_start3A_19 : memref<1x128xi32, #tpu.memory_space<vmem>> -> memref<128xi32, #tpu.memory_space<vmem>>
    %dma_start3A_21 = arith.constant 0 : i32
    %dma_start3A_22 = tpu.memref_slice %arg3[%add3A, %dma_start3A_16, %dma_start3A_21] : memref<32x81x128xi32, #tpu.memory_space<hbm>> -> memref<1x1x128xi32, #tpu.memory_space<hbm>>
    %dma_start3A_23 = tpu.memref_squeeze %dma_start3A_22 : memref<1x1x128xi32, #tpu.memory_space<hbm>> -> memref<128xi32, #tpu.memory_space<hbm>>
    %dma_start3A_24 = arith.constant 0 : i32
    %dma_start3A_25 = tpu.memref_slice %arg7[%dma_start3A_17, %dma_start3A_24] : memref<3x128xi32, #tpu.memory_space<vmem>> -> memref<1x128xi32, #tpu.memory_space<vmem>>
    %dma_start3A_26 = tpu.memref_squeeze %dma_start3A_25 : memref<1x128xi32, #tpu.memory_space<vmem>> -> memref<128xi32, #tpu.memory_space<vmem>>
    %dma_start3A_27 = arith.constant 0 : i32
    %dma_start3A_28 = tpu.memref_slice %arg3[%add3A, %dma_start3A_16, %dma_start3A_27] : memref<32x81x128xi32, #tpu.memory_space<hbm>> -> memref<1x1x128xi32, #tpu.memory_space<hbm>>
    %dma_start3A_29 = tpu.memref_squeeze %dma_start3A_28 : memref<1x1x128xi32, #tpu.memory_space<hbm>> -> memref<128xi32, #tpu.memory_space<hbm>>
    tpu.enqueue_dma source(%dma_start3A_29 : memref<128xi32, #tpu.memory_space<hbm>>) target(%dma_start3A_26 : memref<128xi32, #tpu.memory_space<vmem>>) target_semaphore(%arg12 : memref<!tpu.dma_semaphore, #tpu.memory_space<semaphore_mem>>)
    %mul3A_30 = arith.constant 640 : i32
    %mul3A_31 = arith.muli %arg1, %mul3A_30 : i32
    "tpu.region"() ({
      %run_scoped3A_56 = tpu.sem_alloc : memref<!tpu.dma_semaphore, #tpu.memory_space<semaphore_mem>>
      %dma_start3A_57 = arith.constant 0 : i32
      %dma_start3A_58 = tpu.memref_slice %arg10[%mul3A_31, %dma_start3A_57] : memref<10240x128xf32, #tpu.memory_space<vmem_shared>> -> memref<640x128xf32, #tpu.memory_space<vmem_shared>>
      tpu.enqueue_dma source(%arg5 : memref<640x128xf32, #tpu.memory_space<hbm>>) target(%dma_start3A_58 : memref<640x128xf32, #tpu.memory_space<vmem_shared>>) target_semaphore(%run_scoped3A_56 : memref<!tpu.dma_semaphore, #tpu.memory_space<semaphore_mem>>)
      %dma_wait3A_59 = arith.constant 0 : i32
      %dma_wait3A_60 = tpu.memref_slice %arg10[%mul3A_31, %dma_wait3A_59] : memref<10240x128xf32, #tpu.memory_space<vmem_shared>> -> memref<640x128xf32, #tpu.memory_space<vmem_shared>>
      tpu.wait_dma2 semaphore(%run_scoped3A_56 : memref<!tpu.dma_semaphore, #tpu.memory_space<semaphore_mem>>) src(%arg5 : memref<640x128xf32, #tpu.memory_space<hbm>>) dst(%dma_wait3A_60 : memref<640x128xf32, #tpu.memory_space<vmem_shared>>)
      tpu.yield
    }) : () -> ()
    %barrier3A = arith.constant 0 : index
    tpu.barrier barrier_id(%barrier3A)
    %scan3A = arith.constant 0 : i32
    %scan3A_32 = arith.constant 0 : i32
    %scan3A_33 = arith.constant 81 : i32
    %scan3A_34 = arith.addi %scan3A_32, %scan3A_33 : i32
    %scan3A_35 = arith.constant 1 : i32
    scf.for %scan3A_56 = %scan3A_32 to %scan3A_34 step %scan3A_35  : i32 {
      %rem3A = arith.constant 2 : i32
      %rem3A_57 = arith.remsi %scan3A_56, %rem3A : i32
      %ge3A = arith.constant 1 : i32
      %ge3A_58 = arith.cmpi sge, %scan3A_56, %ge3A : i32
      %convert_element_type3A = arith.extui %ge3A_58 : i1 to i32
      %cond3A = arith.constant 0 : i32
      %cond3A_59 = arith.cmpi ne, %convert_element_type3A, %cond3A : i32
      scf.if %cond3A_59 {
        %sub3A = arith.constant 1 : i32
        %sub3A_98 = arith.subi %sub3A, %rem3A_57 : i32
        %dma_wait3A_99 = arith.constant 0 : i32
        %dma_wait3A_100 = arith.constant 0 : i32
        %dma_wait3A_101 = arith.constant 0 : i32
        %dma_wait3A_102 = arith.constant 0 : i32
        %dma_wait3A_103 = tpu.memref_slice %arg9[%dma_wait3A_99, %dma_wait3A_101, %dma_wait3A_102] : memref<2x128x128xf32, #tpu.memory_space<vmem>> -> memref<1x128x128xf32, #tpu.memory_space<vmem>>
        %dma_wait3A_104 = tpu.memref_squeeze %dma_wait3A_103 : memref<1x128x128xf32, #tpu.memory_space<vmem>> -> memref<128x128xf32, #tpu.memory_space<vmem>>
        %dma_wait3A_105 = arith.constant 0 : i32
        %dma_wait3A_106 = tpu.memref_slice %arg8[%dma_wait3A_100, %dma_wait3A_105] : memref<81x128xi32, #tpu.memory_space<vmem>> -> memref<1x128xi32, #tpu.memory_space<vmem>>
        %dma_wait3A_107 = tpu.memref_squeeze %dma_wait3A_106 : memref<1x128xi32, #tpu.memory_space<vmem>> -> memref<128xi32, #tpu.memory_space<vmem>>
        %dma_wait3A_108 = arith.constant 0 : i32
        %dma_wait3A_109 = arith.constant 0 : i32
        %dma_wait3A_110 = tpu.memref_slice %arg10[%dma_wait3A_108, %dma_wait3A_109] : memref<10240x128xf32, #tpu.memory_space<vmem_shared>> -> memref<10240x128xf32, #tpu.memory_space<vmem_shared>>
        %dma_wait3A_111 = tpu.memref_slice %arg13[%sub3A_98] : memref<2x!tpu.dma_semaphore, #tpu.memory_space<semaphore_mem>> -> memref<1x!tpu.dma_semaphore, #tpu.memory_space<semaphore_mem>>
        %dma_wait3A_112 = tpu.memref_squeeze %dma_wait3A_111 : memref<1x!tpu.dma_semaphore, #tpu.memory_space<semaphore_mem>> -> memref<!tpu.dma_semaphore, #tpu.memory_space<semaphore_mem>>
        tpu.wait_indirect_dma semaphore(%dma_wait3A_112 : memref<!tpu.dma_semaphore, #tpu.memory_space<semaphore_mem>>) src(%dma_wait3A_104 : memref<128x128xf32, #tpu.memory_space<vmem>>) dst(%dma_wait3A_110 : memref<10240x128xf32, #tpu.memory_space<vmem_shared>>)
      } else {
      }
      %add3A_60 = arith.constant 1 : i32
      %add3A_61 = arith.addi %scan3A_56, %add3A_60 : i32
      %lt3A = arith.constant 81 : i32
      %lt3A_62 = arith.cmpi slt, %add3A_61, %lt3A : i32
      %convert_element_type3A_63 = arith.extui %lt3A_62 : i1 to i32
      %cond3A_64 = arith.constant 0 : i32
      %cond3A_65 = arith.cmpi ne, %convert_element_type3A_63, %cond3A_64 : i32
      scf.if %cond3A_65 {
        %dma_wait3A_98 = arith.constant 0 : i32
        %dma_wait3A_99 = arith.constant 0 : i32
        %dma_wait3A_100 = arith.constant 0 : i32
        %dma_wait3A_101 = tpu.memref_slice %arg7[%dma_wait3A_99, %dma_wait3A_100] : memref<3x128xi32, #tpu.memory_space<vmem>> -> memref<1x128xi32, #tpu.memory_space<vmem>>
        %dma_wait3A_102 = tpu.memref_squeeze %dma_wait3A_101 : memref<1x128xi32, #tpu.memory_space<vmem>> -> memref<128xi32, #tpu.memory_space<vmem>>
        %dma_wait3A_103 = arith.constant 0 : i32
        %dma_wait3A_104 = tpu.memref_slice %arg3[%add3A, %dma_wait3A_98, %dma_wait3A_103] : memref<32x81x128xi32, #tpu.memory_space<hbm>> -> memref<1x1x128xi32, #tpu.memory_space<hbm>>
        %dma_wait3A_105 = tpu.memref_squeeze %dma_wait3A_104 : memref<1x1x128xi32, #tpu.memory_space<hbm>> -> memref<128xi32, #tpu.memory_space<hbm>>
        %dma_wait3A_106 = arith.constant 0 : i32
        %dma_wait3A_107 = tpu.memref_slice %arg7[%dma_wait3A_99, %dma_wait3A_106] : memref<3x128xi32, #tpu.memory_space<vmem>> -> memref<1x128xi32, #tpu.memory_space<vmem>>
        %dma_wait3A_108 = tpu.memref_squeeze %dma_wait3A_107 : memref<1x128xi32, #tpu.memory_space<vmem>> -> memref<128xi32, #tpu.memory_space<vmem>>
        %dma_wait3A_109 = arith.constant 0 : i32
        %dma_wait3A_110 = tpu.memref_slice %arg3[%add3A, %dma_wait3A_98, %dma_wait3A_109] : memref<32x81x128xi32, #tpu.memory_space<hbm>> -> memref<1x1x128xi32, #tpu.memory_space<hbm>>
        %dma_wait3A_111 = tpu.memref_squeeze %dma_wait3A_110 : memref<1x1x128xi32, #tpu.memory_space<hbm>> -> memref<128xi32, #tpu.memory_space<hbm>>
        tpu.wait_dma2 semaphore(%arg12 : memref<!tpu.dma_semaphore, #tpu.memory_space<semaphore_mem>>) src(%dma_wait3A_111 : memref<128xi32, #tpu.memory_space<hbm>>) dst(%dma_wait3A_108 : memref<128xi32, #tpu.memory_space<vmem>>)
        %add3A_112 = arith.constant 1 : i32
        %add3A_113 = arith.addi %scan3A_56, %add3A_112 : i32
        %rem3A_114 = arith.constant 3 : i32
        %rem3A_115 = arith.remsi %add3A_113, %rem3A_114 : i32
        %sub3A = arith.constant 1 : i32
        %sub3A_116 = arith.subi %sub3A, %rem3A_57 : i32
        %sub3A_117 = arith.constant 1 : i32
        %sub3A_118 = arith.subi %sub3A_117, %rem3A_57 : i32
        %dma_start3A_119 = arith.constant 0 : i32
        %dma_start3A_120 = arith.constant 0 : i32
        %dma_start3A_121 = tpu.memref_slice %arg9[%sub3A_116, %dma_start3A_119, %dma_start3A_120] : memref<2x128x128xf32, #tpu.memory_space<vmem>> -> memref<1x128x128xf32, #tpu.memory_space<vmem>>
        %dma_start3A_122 = tpu.memref_squeeze %dma_start3A_121 : memref<1x128x128xf32, #tpu.memory_space<vmem>> -> memref<128x128xf32, #tpu.memory_space<vmem>>
        %dma_start3A_123 = arith.constant 0 : i32
        %dma_start3A_124 = tpu.memref_slice %arg7[%rem3A_115, %dma_start3A_123] : memref<3x128xi32, #tpu.memory_space<vmem>> -> memref<1x128xi32, #tpu.memory_space<vmem>>
        %dma_start3A_125 = tpu.memref_squeeze %dma_start3A_124 : memref<1x128xi32, #tpu.memory_space<vmem>> -> memref<128xi32, #tpu.memory_space<vmem>>
        %dma_start3A_126 = arith.constant 0 : i32
        %dma_start3A_127 = arith.constant 0 : i32
        %dma_start3A_128 = tpu.memref_slice %arg2[%dma_start3A_126, %dma_start3A_127] : memref<10240x128xf32, #tpu.memory_space<hbm>> -> memref<10240x128xf32, #tpu.memory_space<hbm>>
        %dma_start3A_129 = tpu.memref_slice %arg11[%sub3A_118] : memref<2x!tpu.dma_semaphore, #tpu.memory_space<semaphore_mem>> -> memref<1x!tpu.dma_semaphore, #tpu.memory_space<semaphore_mem>>
        %dma_start3A_130 = tpu.memref_squeeze %dma_start3A_129 : memref<1x!tpu.dma_semaphore, #tpu.memory_space<semaphore_mem>> -> memref<!tpu.dma_semaphore, #tpu.memory_space<semaphore_mem>>
        tpu.enqueue_indirect_dma source(%dma_start3A_128 : memref<10240x128xf32, #tpu.memory_space<hbm>>) target(%dma_start3A_122 : memref<128x128xf32, #tpu.memory_space<vmem>>) offsets(%dma_start3A_125 : memref<128xi32, #tpu.memory_space<vmem>>) semaphore(%dma_start3A_130 : memref<!tpu.dma_semaphore, #tpu.memory_space<semaphore_mem>>)
      } else {
      }
      %add3A_66 = arith.constant 2 : i32
      %add3A_67 = arith.addi %scan3A_56, %add3A_66 : i32
      %lt3A_68 = arith.constant 81 : i32
      %lt3A_69 = arith.cmpi slt, %add3A_67, %lt3A_68 : i32
      %convert_element_type3A_70 = arith.extui %lt3A_69 : i1 to i32
      %cond3A_71 = arith.constant 0 : i32
      %cond3A_72 = arith.cmpi ne, %convert_element_type3A_70, %cond3A_71 : i32
      scf.if %cond3A_72 {
        %add3A_98 = arith.constant 2 : i32
        %add3A_99 = arith.addi %scan3A_56, %add3A_98 : i32
        %add3A_100 = arith.constant 2 : i32
        %add3A_101 = arith.addi %scan3A_56, %add3A_100 : i32
        %rem3A_102 = arith.constant 3 : i32
        %rem3A_103 = arith.remsi %add3A_101, %rem3A_102 : i32
        %dma_start3A_104 = arith.constant 0 : i32
        %dma_start3A_105 = tpu.memref_slice %arg7[%rem3A_103, %dma_start3A_104] : memref<3x128xi32, #tpu.memory_space<vmem>> -> memref<1x128xi32, #tpu.memory_space<vmem>>
        %dma_start3A_106 = tpu.memref_squeeze %dma_start3A_105 : memref<1x128xi32, #tpu.memory_space<vmem>> -> memref<128xi32, #tpu.memory_space<vmem>>
        %dma_start3A_107 = arith.constant 0 : i32
        %dma_start3A_108 = tpu.memref_slice %arg3[%add3A, %add3A_99, %dma_start3A_107] : memref<32x81x128xi32, #tpu.memory_space<hbm>> -> memref<1x1x128xi32, #tpu.memory_space<hbm>>
        %dma_start3A_109 = tpu.memref_squeeze %dma_start3A_108 : memref<1x1x128xi32, #tpu.memory_space<hbm>> -> memref<128xi32, #tpu.memory_space<hbm>>
        %dma_start3A_110 = arith.constant 0 : i32
        %dma_start3A_111 = tpu.memref_slice %arg7[%rem3A_103, %dma_start3A_110] : memref<3x128xi32, #tpu.memory_space<vmem>> -> memref<1x128xi32, #tpu.memory_space<vmem>>
        %dma_start3A_112 = tpu.memref_squeeze %dma_start3A_111 : memref<1x128xi32, #tpu.memory_space<vmem>> -> memref<128xi32, #tpu.memory_space<vmem>>
        %dma_start3A_113 = arith.constant 0 : i32
        %dma_start3A_114 = tpu.memref_slice %arg3[%add3A, %add3A_99, %dma_start3A_113] : memref<32x81x128xi32, #tpu.memory_space<hbm>> -> memref<1x1x128xi32, #tpu.memory_space<hbm>>
        %dma_start3A_115 = tpu.memref_squeeze %dma_start3A_114 : memref<1x1x128xi32, #tpu.memory_space<hbm>> -> memref<128xi32, #tpu.memory_space<hbm>>
        tpu.enqueue_dma source(%dma_start3A_115 : memref<128xi32, #tpu.memory_space<hbm>>) target(%dma_start3A_112 : memref<128xi32, #tpu.memory_space<vmem>>) target_semaphore(%arg12 : memref<!tpu.dma_semaphore, #tpu.memory_space<semaphore_mem>>)
      } else {
      }
      %dma_wait3A_73 = arith.constant 0 : i32
      %dma_wait3A_74 = arith.constant 0 : i32
      %dma_wait3A_75 = arith.constant 0 : i32
      %dma_wait3A_76 = tpu.memref_slice %arg9[%rem3A_57, %dma_wait3A_74, %dma_wait3A_75] : memref<2x128x128xf32, #tpu.memory_space<vmem>> -> memref<1x128x128xf32, #tpu.memory_space<vmem>>
      %dma_wait3A_77 = tpu.memref_squeeze %dma_wait3A_76 : memref<1x128x128xf32, #tpu.memory_space<vmem>> -> memref<128x128xf32, #tpu.memory_space<vmem>>
      %dma_wait3A_78 = arith.constant 0 : i32
      %dma_wait3A_79 = tpu.memref_slice %arg7[%dma_wait3A_73, %dma_wait3A_78] : memref<3x128xi32, #tpu.memory_space<vmem>> -> memref<1x128xi32, #tpu.memory_space<vmem>>
      %dma_wait3A_80 = tpu.memref_squeeze %dma_wait3A_79 : memref<1x128xi32, #tpu.memory_space<vmem>> -> memref<128xi32, #tpu.memory_space<vmem>>
      %dma_wait3A_81 = arith.constant 0 : i32
      %dma_wait3A_82 = arith.constant 0 : i32
      %dma_wait3A_83 = tpu.memref_slice %arg2[%dma_wait3A_81, %dma_wait3A_82] : memref<10240x128xf32, #tpu.memory_space<hbm>> -> memref<10240x128xf32, #tpu.memory_space<hbm>>
      %dma_wait3A_84 = tpu.memref_slice %arg11[%rem3A_57] : memref<2x!tpu.dma_semaphore, #tpu.memory_space<semaphore_mem>> -> memref<1x!tpu.dma_semaphore, #tpu.memory_space<semaphore_mem>>
      %dma_wait3A_85 = tpu.memref_squeeze %dma_wait3A_84 : memref<1x!tpu.dma_semaphore, #tpu.memory_space<semaphore_mem>> -> memref<!tpu.dma_semaphore, #tpu.memory_space<semaphore_mem>>
      tpu.wait_indirect_dma semaphore(%dma_wait3A_85 : memref<!tpu.dma_semaphore, #tpu.memory_space<semaphore_mem>>) src(%dma_wait3A_83 : memref<10240x128xf32, #tpu.memory_space<hbm>>) dst(%dma_wait3A_77 : memref<128x128xf32, #tpu.memory_space<vmem>>)
      %dma_start3A_86 = arith.constant 0 : i32
      %dma_start3A_87 = arith.constant 0 : i32
      %dma_start3A_88 = tpu.memref_slice %arg9[%rem3A_57, %dma_start3A_86, %dma_start3A_87] : memref<2x128x128xf32, #tpu.memory_space<vmem>> -> memref<1x128x128xf32, #tpu.memory_space<vmem>>
      %dma_start3A_89 = tpu.memref_squeeze %dma_start3A_88 : memref<1x128x128xf32, #tpu.memory_space<vmem>> -> memref<128x128xf32, #tpu.memory_space<vmem>>
      %dma_start3A_90 = arith.constant 0 : i32
      %dma_start3A_91 = tpu.memref_slice %arg8[%scan3A_56, %dma_start3A_90] : memref<81x128xi32, #tpu.memory_space<vmem>> -> memref<1x128xi32, #tpu.memory_space<vmem>>
      %dma_start3A_92 = tpu.memref_squeeze %dma_start3A_91 : memref<1x128xi32, #tpu.memory_space<vmem>> -> memref<128xi32, #tpu.memory_space<vmem>>
      %dma_start3A_93 = arith.constant 0 : i32
      %dma_start3A_94 = arith.constant 0 : i32
      %dma_start3A_95 = tpu.memref_slice %arg10[%dma_start3A_93, %dma_start3A_94] : memref<10240x128xf32, #tpu.memory_space<vmem_shared>> -> memref<10240x128xf32, #tpu.memory_space<vmem_shared>>
      %dma_start3A_96 = tpu.memref_slice %arg13[%rem3A_57] : memref<2x!tpu.dma_semaphore, #tpu.memory_space<semaphore_mem>> -> memref<1x!tpu.dma_semaphore, #tpu.memory_space<semaphore_mem>>
      %dma_start3A_97 = tpu.memref_squeeze %dma_start3A_96 : memref<1x!tpu.dma_semaphore, #tpu.memory_space<semaphore_mem>> -> memref<!tpu.dma_semaphore, #tpu.memory_space<semaphore_mem>>
      tpu.enqueue_indirect_dma source(%dma_start3A_89 : memref<128x128xf32, #tpu.memory_space<vmem>>) target(%dma_start3A_95 : memref<10240x128xf32, #tpu.memory_space<vmem_shared>>) offsets(%dma_start3A_92 : memref<128xi32, #tpu.memory_space<vmem>>) semaphore(%dma_start3A_97 : memref<!tpu.dma_semaphore, #tpu.memory_space<semaphore_mem>>) {add = true}
    }
    %scan3A_36 = arith.constant 81 : i32
    %dma_wait3A = arith.constant 0 : i32
    %dma_wait3A_37 = arith.constant 0 : i32
    %dma_wait3A_38 = arith.constant 0 : i32
    %dma_wait3A_39 = arith.constant 0 : i32
    %dma_wait3A_40 = arith.constant 0 : i32
    %dma_wait3A_41 = tpu.memref_slice %arg9[%dma_wait3A, %dma_wait3A_39, %dma_wait3A_40] : memref<2x128x128xf32, #tpu.memory_space<vmem>> -> memref<1x128x128xf32, #tpu.memory_space<vmem>>
    %dma_wait3A_42 = tpu.memref_squeeze %dma_wait3A_41 : memref<1x128x128xf32, #tpu.memory_space<vmem>> -> memref<128x128xf32, #tpu.memory_space<vmem>>
    %dma_wait3A_43 = arith.constant 0 : i32
    %dma_wait3A_44 = tpu.memref_slice %arg8[%dma_wait3A_37, %dma_wait3A_43] : memref<81x128xi32, #tpu.memory_space<vmem>> -> memref<1x128xi32, #tpu.memory_space<vmem>>
    %dma_wait3A_45 = tpu.memref_squeeze %dma_wait3A_44 : memref<1x128xi32, #tpu.memory_space<vmem>> -> memref<128xi32, #tpu.memory_space<vmem>>
    %dma_wait3A_46 = arith.constant 0 : i32
    %dma_wait3A_47 = arith.constant 0 : i32
    %dma_wait3A_48 = tpu.memref_slice %arg10[%dma_wait3A_46, %dma_wait3A_47] : memref<10240x128xf32, #tpu.memory_space<vmem_shared>> -> memref<10240x128xf32, #tpu.memory_space<vmem_shared>>
    %dma_wait3A_49 = tpu.memref_slice %arg13[%dma_wait3A_38] : memref<2x!tpu.dma_semaphore, #tpu.memory_space<semaphore_mem>> -> memref<1x!tpu.dma_semaphore, #tpu.memory_space<semaphore_mem>>
    %dma_wait3A_50 = tpu.memref_squeeze %dma_wait3A_49 : memref<1x!tpu.dma_semaphore, #tpu.memory_space<semaphore_mem>> -> memref<!tpu.dma_semaphore, #tpu.memory_space<semaphore_mem>>
    tpu.wait_indirect_dma semaphore(%dma_wait3A_50 : memref<!tpu.dma_semaphore, #tpu.memory_space<semaphore_mem>>) src(%dma_wait3A_42 : memref<128x128xf32, #tpu.memory_space<vmem>>) dst(%dma_wait3A_48 : memref<10240x128xf32, #tpu.memory_space<vmem_shared>>)
    %barrier3A_51 = arith.constant 0 : index
    tpu.barrier barrier_id(%barrier3A_51)
    %mul3A_52 = arith.constant 640 : i32
    %mul3A_53 = arith.muli %arg1, %mul3A_52 : i32
    %mul3A_54 = arith.constant 640 : i32
    %mul3A_55 = arith.muli %arg1, %mul3A_54 : i32
    "tpu.region"() ({
      %run_scoped3A_56 = tpu.sem_alloc : memref<!tpu.dma_semaphore, #tpu.memory_space<semaphore_mem>>
      %dma_start3A_57 = arith.constant 0 : i32
      %dma_start3A_58 = tpu.memref_slice %arg6[%arg0, %mul3A_55, %dma_start3A_57] : memref<2x10240x128xf32, #tpu.memory_space<hbm>> -> memref<1x640x128xf32, #tpu.memory_space<hbm>>
      %dma_start3A_59 = tpu.memref_squeeze %dma_start3A_58 : memref<1x640x128xf32, #tpu.memory_space<hbm>> -> memref<640x128xf32, #tpu.memory_space<hbm>>
      %dma_start3A_60 = arith.constant 0 : i32
      %dma_start3A_61 = tpu.memref_slice %arg10[%mul3A_53, %dma_start3A_60] : memref<10240x128xf32, #tpu.memory_space<vmem_shared>> -> memref<640x128xf32, #tpu.memory_space<vmem_shared>>
      tpu.enqueue_dma source(%dma_start3A_61 : memref<640x128xf32, #tpu.memory_space<vmem_shared>>) target(%dma_start3A_59 : memref<640x128xf32, #tpu.memory_space<hbm>>) target_semaphore(%run_scoped3A_56 : memref<!tpu.dma_semaphore, #tpu.memory_space<semaphore_mem>>)
      %dma_wait3A_62 = arith.constant 0 : i32
      %dma_wait3A_63 = tpu.memref_slice %arg6[%arg0, %mul3A_55, %dma_wait3A_62] : memref<2x10240x128xf32, #tpu.memory_space<hbm>> -> memref<1x640x128xf32, #tpu.memory_space<hbm>>
      %dma_wait3A_64 = tpu.memref_squeeze %dma_wait3A_63 : memref<1x640x128xf32, #tpu.memory_space<hbm>> -> memref<640x128xf32, #tpu.memory_space<hbm>>
      %dma_wait3A_65 = arith.constant 0 : i32
      %dma_wait3A_66 = tpu.memref_slice %arg10[%mul3A_53, %dma_wait3A_65] : memref<10240x128xf32, #tpu.memory_space<vmem_shared>> -> memref<640x128xf32, #tpu.memory_space<vmem_shared>>
      tpu.wait_dma2 semaphore(%run_scoped3A_56 : memref<!tpu.dma_semaphore, #tpu.memory_space<semaphore_mem>>) src(%dma_wait3A_66 : memref<640x128xf32, #tpu.memory_space<vmem_shared>>) dst(%dma_wait3A_64 : memref<640x128xf32, #tpu.memory_space<hbm>>)
      tpu.yield
    }) : () -> ()
    return
  }
}

#map = affine_map<(d0, d1) -> (0, 0)>
#map1 = affine_map<(d0, d1) -> (0, 0, 0)>
module attributes {stable_mosaic.version = 14 : i64} {
  func.func @_seg_body(%arg0: i32, %arg1: i32, %arg2: memref<10240x128xf32, #tpu.memory_space<hbm>>, %arg3: memref<32x81x128xi32, #tpu.memory_space<hbm>>, %arg4: memref<32x81x128xi32, #tpu.memory_space<hbm>>, %arg5: memref<640x128xf32, #tpu.memory_space<hbm>>, %arg6: memref<2x10240x128xf32, #tpu.memory_space<hbm>>, %arg7: memref<3x128xi32, #tpu.memory_space<vmem>>, %arg8: memref<81x128xi32, #tpu.memory_space<vmem>>, %arg9: memref<2x128x128xf32, #tpu.memory_space<vmem>>, %arg10: memref<10240x128xf32, #tpu.memory_space<vmem_shared>>, %arg11: memref<2x!tpu.dma_semaphore, #tpu.memory_space<semaphore_mem>>, %arg12: memref<!tpu.dma_semaphore, #tpu.memory_space<semaphore_mem>>, %arg13: memref<2x!tpu.dma_semaphore, #tpu.memory_space<semaphore_mem>>) attributes {dimension_semantics = [#tpu.dimension_semantics<core_parallel>, #tpu.dimension_semantics<subcore_parallel>], iteration_bounds = array<i64: 2, 16>, scalar_prefetch = 0 : i64, scratch_operands = 7 : i64, tpu.core_type = #tpu.core_type<sc_vector_subcore>, window_params = [{transform_indices = #map}, {transform_indices = #map1}, {transform_indices = #map1}, {transform_indices = #map}, {transform_indices = #map1}]} {
    %mul3A = arith.constant 2 : i32
    %mul3A_0 = arith.muli %arg1, %mul3A : i32
    %add3A = arith.addi %mul3A_0, %arg0 : i32
    "tpu.region"() ({
      %run_scoped3A_56 = tpu.sem_alloc : memref<!tpu.dma_semaphore, #tpu.memory_space<semaphore_mem>>
      %dma_start3A_57 = arith.constant 0 : i32
      %dma_start3A_58 = arith.constant 0 : i32
      %dma_start3A_59 = tpu.memref_slice %arg4[%add3A, %dma_start3A_57, %dma_start3A_58] : memref<32x81x128xi32, #tpu.memory_space<hbm>> -> memref<1x81x128xi32, #tpu.memory_space<hbm>>
      %dma_start3A_60 = tpu.memref_squeeze %dma_start3A_59 : memref<1x81x128xi32, #tpu.memory_space<hbm>> -> memref<81x128xi32, #tpu.memory_space<hbm>>
      %dma_start3A_61 = arith.constant 0 : i32
      %dma_start3A_62 = arith.constant 0 : i32
      %dma_start3A_63 = tpu.memref_slice %arg4[%add3A, %dma_start3A_61, %dma_start3A_62] : memref<32x81x128xi32, #tpu.memory_space<hbm>> -> memref<1x81x128xi32, #tpu.memory_space<hbm>>
      %dma_start3A_64 = tpu.memref_squeeze %dma_start3A_63 : memref<1x81x128xi32, #tpu.memory_space<hbm>> -> memref<81x128xi32, #tpu.memory_space<hbm>>
      tpu.enqueue_dma source(%dma_start3A_64 : memref<81x128xi32, #tpu.memory_space<hbm>>) target(%arg8 : memref<81x128xi32, #tpu.memory_space<vmem>>) target_semaphore(%run_scoped3A_56 : memref<!tpu.dma_semaphore, #tpu.memory_space<semaphore_mem>>)
      %dma_wait3A_65 = arith.constant 0 : i32
      %dma_wait3A_66 = arith.constant 0 : i32
      %dma_wait3A_67 = tpu.memref_slice %arg4[%add3A, %dma_wait3A_65, %dma_wait3A_66] : memref<32x81x128xi32, #tpu.memory_space<hbm>> -> memref<1x81x128xi32, #tpu.memory_space<hbm>>
      %dma_wait3A_68 = tpu.memref_squeeze %dma_wait3A_67 : memref<1x81x128xi32, #tpu.memory_space<hbm>> -> memref<81x128xi32, #tpu.memory_space<hbm>>
      %dma_wait3A_69 = arith.constant 0 : i32
      %dma_wait3A_70 = arith.constant 0 : i32
      %dma_wait3A_71 = tpu.memref_slice %arg4[%add3A, %dma_wait3A_69, %dma_wait3A_70] : memref<32x81x128xi32, #tpu.memory_space<hbm>> -> memref<1x81x128xi32, #tpu.memory_space<hbm>>
      %dma_wait3A_72 = tpu.memref_squeeze %dma_wait3A_71 : memref<1x81x128xi32, #tpu.memory_space<hbm>> -> memref<81x128xi32, #tpu.memory_space<hbm>>
      tpu.wait_dma2 semaphore(%run_scoped3A_56 : memref<!tpu.dma_semaphore, #tpu.memory_space<semaphore_mem>>) src(%dma_wait3A_72 : memref<81x128xi32, #tpu.memory_space<hbm>>) dst(%arg8 : memref<81x128xi32, #tpu.memory_space<vmem>>)
      tpu.yield
    }) : () -> ()
    %run_scoped3A = arith.constant 0 : i32
    %run_scoped3A_1 = arith.constant 0 : i32
    "tpu.region"() ({
      %run_scoped3A_56 = tpu.sem_alloc : memref<!tpu.dma_semaphore, #tpu.memory_space<semaphore_mem>>
      %dma_start3A_57 = arith.constant 0 : i32
      %dma_start3A_58 = tpu.memref_slice %arg7[%run_scoped3A_1, %dma_start3A_57] : memref<3x128xi32, #tpu.memory_space<vmem>> -> memref<1x128xi32, #tpu.memory_space<vmem>>
      %dma_start3A_59 = tpu.memref_squeeze %dma_start3A_58 : memref<1x128xi32, #tpu.memory_space<vmem>> -> memref<128xi32, #tpu.memory_space<vmem>>
      %dma_start3A_60 = arith.constant 0 : i32
      %dma_start3A_61 = tpu.memref_slice %arg3[%add3A, %run_scoped3A, %dma_start3A_60] : memref<32x81x128xi32, #tpu.memory_space<hbm>> -> memref<1x1x128xi32, #tpu.memory_space<hbm>>
      %dma_start3A_62 = tpu.memref_squeeze %dma_start3A_61 : memref<1x1x128xi32, #tpu.memory_space<hbm>> -> memref<128xi32, #tpu.memory_space<hbm>>
      %dma_start3A_63 = arith.constant 0 : i32
      %dma_start3A_64 = tpu.memref_slice %arg7[%run_scoped3A_1, %dma_start3A_63] : memref<3x128xi32, #tpu.memory_space<vmem>> -> memref<1x128xi32, #tpu.memory_space<vmem>>
      %dma_start3A_65 = tpu.memref_squeeze %dma_start3A_64 : memref<1x128xi32, #tpu.memory_space<vmem>> -> memref<128xi32, #tpu.memory_space<vmem>>
      %dma_start3A_66 = arith.constant 0 : i32
      %dma_start3A_67 = tpu.memref_slice %arg3[%add3A, %run_scoped3A, %dma_start3A_66] : memref<32x81x128xi32, #tpu.memory_space<hbm>> -> memref<1x1x128xi32, #tpu.memory_space<hbm>>
      %dma_start3A_68 = tpu.memref_squeeze %dma_start3A_67 : memref<1x1x128xi32, #tpu.memory_space<hbm>> -> memref<128xi32, #tpu.memory_space<hbm>>
      tpu.enqueue_dma source(%dma_start3A_68 : memref<128xi32, #tpu.memory_space<hbm>>) target(%dma_start3A_65 : memref<128xi32, #tpu.memory_space<vmem>>) target_semaphore(%run_scoped3A_56 : memref<!tpu.dma_semaphore, #tpu.memory_space<semaphore_mem>>)
      %dma_wait3A_69 = arith.constant 0 : i32
      %dma_wait3A_70 = tpu.memref_slice %arg7[%run_scoped3A_1, %dma_wait3A_69] : memref<3x128xi32, #tpu.memory_space<vmem>> -> memref<1x128xi32, #tpu.memory_space<vmem>>
      %dma_wait3A_71 = tpu.memref_squeeze %dma_wait3A_70 : memref<1x128xi32, #tpu.memory_space<vmem>> -> memref<128xi32, #tpu.memory_space<vmem>>
      %dma_wait3A_72 = arith.constant 0 : i32
      %dma_wait3A_73 = tpu.memref_slice %arg3[%add3A, %run_scoped3A, %dma_wait3A_72] : memref<32x81x128xi32, #tpu.memory_space<hbm>> -> memref<1x1x128xi32, #tpu.memory_space<hbm>>
      %dma_wait3A_74 = tpu.memref_squeeze %dma_wait3A_73 : memref<1x1x128xi32, #tpu.memory_space<hbm>> -> memref<128xi32, #tpu.memory_space<hbm>>
      %dma_wait3A_75 = arith.constant 0 : i32
      %dma_wait3A_76 = tpu.memref_slice %arg7[%run_scoped3A_1, %dma_wait3A_75] : memref<3x128xi32, #tpu.memory_space<vmem>> -> memref<1x128xi32, #tpu.memory_space<vmem>>
      %dma_wait3A_77 = tpu.memref_squeeze %dma_wait3A_76 : memref<1x128xi32, #tpu.memory_space<vmem>> -> memref<128xi32, #tpu.memory_space<vmem>>
      %dma_wait3A_78 = arith.constant 0 : i32
      %dma_wait3A_79 = tpu.memref_slice %arg3[%add3A, %run_scoped3A, %dma_wait3A_78] : memref<32x81x128xi32, #tpu.memory_space<hbm>> -> memref<1x1x128xi32, #tpu.memory_space<hbm>>
      %dma_wait3A_80 = tpu.memref_squeeze %dma_wait3A_79 : memref<1x1x128xi32, #tpu.memory_space<hbm>> -> memref<128xi32, #tpu.memory_space<hbm>>
      tpu.wait_dma2 semaphore(%run_scoped3A_56 : memref<!tpu.dma_semaphore, #tpu.memory_space<semaphore_mem>>) src(%dma_wait3A_80 : memref<128xi32, #tpu.memory_space<hbm>>) dst(%dma_wait3A_77 : memref<128xi32, #tpu.memory_space<vmem>>)
      tpu.yield
    }) : () -> ()
    %dma_start3A = arith.constant 0 : i32
    %dma_start3A_2 = arith.constant 0 : i32
    %dma_start3A_3 = arith.constant 0 : i32
    %dma_start3A_4 = arith.constant 0 : i32
    %dma_start3A_5 = arith.constant 0 : i32
    %dma_start3A_6 = tpu.memref_slice %arg9[%dma_start3A_2, %dma_start3A_4, %dma_start3A_5] : memref<2x128x128xf32, #tpu.memory_space<vmem>> -> memref<1x128x128xf32, #tpu.memory_space<vmem>>
    %dma_start3A_7 = tpu.memref_squeeze %dma_start3A_6 : memref<1x128x128xf32, #tpu.memory_space<vmem>> -> memref<128x128xf32, #tpu.memory_space<vmem>>
    %dma_start3A_8 = arith.constant 0 : i32
    %dma_start3A_9 = tpu.memref_slice %arg7[%dma_start3A, %dma_start3A_8] : memref<3x128xi32, #tpu.memory_space<vmem>> -> memref<1x128xi32, #tpu.memory_space<vmem>>
    %dma_start3A_10 = tpu.memref_squeeze %dma_start3A_9 : memref<1x128xi32, #tpu.memory_space<vmem>> -> memref<128xi32, #tpu.memory_space<vmem>>
    %dma_start3A_11 = arith.constant 0 : i32
    %dma_start3A_12 = arith.constant 0 : i32
    %dma_start3A_13 = tpu.memref_slice %arg2[%dma_start3A_11, %dma_start3A_12] : memref<10240x128xf32, #tpu.memory_space<hbm>> -> memref<10240x128xf32, #tpu.memory_space<hbm>>
    %dma_start3A_14 = tpu.memref_slice %arg11[%dma_start3A_3] : memref<2x!tpu.dma_semaphore, #tpu.memory_space<semaphore_mem>> -> memref<1x!tpu.dma_semaphore, #tpu.memory_space<semaphore_mem>>
    %dma_start3A_15 = tpu.memref_squeeze %dma_start3A_14 : memref<1x!tpu.dma_semaphore, #tpu.memory_space<semaphore_mem>> -> memref<!tpu.dma_semaphore, #tpu.memory_space<semaphore_mem>>
    tpu.enqueue_indirect_dma source(%dma_start3A_13 : memref<10240x128xf32, #tpu.memory_space<hbm>>) target(%dma_start3A_7 : memref<128x128xf32, #tpu.memory_space<vmem>>) offsets(%dma_start3A_10 : memref<128xi32, #tpu.memory_space<vmem>>) semaphore(%dma_start3A_15 : memref<!tpu.dma_semaphore, #tpu.memory_space<semaphore_mem>>)
    %dma_start3A_16 = arith.constant 1 : i32
    %dma_start3A_17 = arith.constant 1 : i32
    %dma_start3A_18 = arith.constant 0 : i32
    %dma_start3A_19 = tpu.memref_slice %arg7[%dma_start3A_17, %dma_start3A_18] : memref<3x128xi32, #tpu.memory_space<vmem>> -> memref<1x128xi32, #tpu.memory_space<vmem>>
    %dma_start3A_20 = tpu.memref_squeeze %dma_start3A_19 : memref<1x128xi32, #tpu.memory_space<vmem>> -> memref<128xi32, #tpu.memory_space<vmem>>
    %dma_start3A_21 = arith.constant 0 : i32
    %dma_start3A_22 = tpu.memref_slice %arg3[%add3A, %dma_start3A_16, %dma_start3A_21] : memref<32x81x128xi32, #tpu.memory_space<hbm>> -> memref<1x1x128xi32, #tpu.memory_space<hbm>>
    %dma_start3A_23 = tpu.memref_squeeze %dma_start3A_22 : memref<1x1x128xi32, #tpu.memory_space<hbm>> -> memref<128xi32, #tpu.memory_space<hbm>>
    %dma_start3A_24 = arith.constant 0 : i32
    %dma_start3A_25 = tpu.memref_slice %arg7[%dma_start3A_17, %dma_start3A_24] : memref<3x128xi32, #tpu.memory_space<vmem>> -> memref<1x128xi32, #tpu.memory_space<vmem>>
    %dma_start3A_26 = tpu.memref_squeeze %dma_start3A_25 : memref<1x128xi32, #tpu.memory_space<vmem>> -> memref<128xi32, #tpu.memory_space<vmem>>
    %dma_start3A_27 = arith.constant 0 : i32
    %dma_start3A_28 = tpu.memref_slice %arg3[%add3A, %dma_start3A_16, %dma_start3A_27] : memref<32x81x128xi32, #tpu.memory_space<hbm>> -> memref<1x1x128xi32, #tpu.memory_space<hbm>>
    %dma_start3A_29 = tpu.memref_squeeze %dma_start3A_28 : memref<1x1x128xi32, #tpu.memory_space<hbm>> -> memref<128xi32, #tpu.memory_space<hbm>>
    tpu.enqueue_dma source(%dma_start3A_29 : memref<128xi32, #tpu.memory_space<hbm>>) target(%dma_start3A_26 : memref<128xi32, #tpu.memory_space<vmem>>) target_semaphore(%arg12 : memref<!tpu.dma_semaphore, #tpu.memory_space<semaphore_mem>>)
    %mul3A_30 = arith.constant 640 : i32
    %mul3A_31 = arith.muli %arg1, %mul3A_30 : i32
    "tpu.region"() ({
      %run_scoped3A_56 = tpu.sem_alloc : memref<!tpu.dma_semaphore, #tpu.memory_space<semaphore_mem>>
      %dma_start3A_57 = arith.constant 0 : i32
      %dma_start3A_58 = tpu.memref_slice %arg10[%mul3A_31, %dma_start3A_57] : memref<10240x128xf32, #tpu.memory_space<vmem_shared>> -> memref<640x128xf32, #tpu.memory_space<vmem_shared>>
      tpu.enqueue_dma source(%arg5 : memref<640x128xf32, #tpu.memory_space<hbm>>) target(%dma_start3A_58 : memref<640x128xf32, #tpu.memory_space<vmem_shared>>) target_semaphore(%run_scoped3A_56 : memref<!tpu.dma_semaphore, #tpu.memory_space<semaphore_mem>>)
      %dma_wait3A_59 = arith.constant 0 : i32
      %dma_wait3A_60 = tpu.memref_slice %arg10[%mul3A_31, %dma_wait3A_59] : memref<10240x128xf32, #tpu.memory_space<vmem_shared>> -> memref<640x128xf32, #tpu.memory_space<vmem_shared>>
      tpu.wait_dma2 semaphore(%run_scoped3A_56 : memref<!tpu.dma_semaphore, #tpu.memory_space<semaphore_mem>>) src(%arg5 : memref<640x128xf32, #tpu.memory_space<hbm>>) dst(%dma_wait3A_60 : memref<640x128xf32, #tpu.memory_space<vmem_shared>>)
      tpu.yield
    }) : () -> ()
    %barrier3A = arith.constant 0 : index
    tpu.barrier barrier_id(%barrier3A)
    %scan3A = arith.constant 0 : i32
    %scan3A_32 = arith.constant 0 : i32
    %scan3A_33 = arith.constant 81 : i32
    %scan3A_34 = arith.addi %scan3A_32, %scan3A_33 : i32
    %scan3A_35 = arith.constant 1 : i32
    scf.for %scan3A_56 = %scan3A_32 to %scan3A_34 step %scan3A_35  : i32 {
      %rem3A = arith.constant 2 : i32
      %rem3A_57 = arith.remsi %scan3A_56, %rem3A : i32
      %ge3A = arith.constant 1 : i32
      %ge3A_58 = arith.cmpi sge, %scan3A_56, %ge3A : i32
      %convert_element_type3A = arith.extui %ge3A_58 : i1 to i32
      %cond3A = arith.constant 0 : i32
      %cond3A_59 = arith.cmpi ne, %convert_element_type3A, %cond3A : i32
      scf.if %cond3A_59 {
        %sub3A = arith.constant 1 : i32
        %sub3A_98 = arith.subi %sub3A, %rem3A_57 : i32
        %dma_wait3A_99 = arith.constant 0 : i32
        %dma_wait3A_100 = arith.constant 0 : i32
        %dma_wait3A_101 = arith.constant 0 : i32
        %dma_wait3A_102 = arith.constant 0 : i32
        %dma_wait3A_103 = tpu.memref_slice %arg9[%dma_wait3A_99, %dma_wait3A_101, %dma_wait3A_102] : memref<2x128x128xf32, #tpu.memory_space<vmem>> -> memref<1x128x128xf32, #tpu.memory_space<vmem>>
        %dma_wait3A_104 = tpu.memref_squeeze %dma_wait3A_103 : memref<1x128x128xf32, #tpu.memory_space<vmem>> -> memref<128x128xf32, #tpu.memory_space<vmem>>
        %dma_wait3A_105 = arith.constant 0 : i32
        %dma_wait3A_106 = tpu.memref_slice %arg8[%dma_wait3A_100, %dma_wait3A_105] : memref<81x128xi32, #tpu.memory_space<vmem>> -> memref<1x128xi32, #tpu.memory_space<vmem>>
        %dma_wait3A_107 = tpu.memref_squeeze %dma_wait3A_106 : memref<1x128xi32, #tpu.memory_space<vmem>> -> memref<128xi32, #tpu.memory_space<vmem>>
        %dma_wait3A_108 = arith.constant 0 : i32
        %dma_wait3A_109 = arith.constant 0 : i32
        %dma_wait3A_110 = tpu.memref_slice %arg10[%dma_wait3A_108, %dma_wait3A_109] : memref<10240x128xf32, #tpu.memory_space<vmem_shared>> -> memref<10240x128xf32, #tpu.memory_space<vmem_shared>>
        %dma_wait3A_111 = tpu.memref_slice %arg13[%sub3A_98] : memref<2x!tpu.dma_semaphore, #tpu.memory_space<semaphore_mem>> -> memref<1x!tpu.dma_semaphore, #tpu.memory_space<semaphore_mem>>
        %dma_wait3A_112 = tpu.memref_squeeze %dma_wait3A_111 : memref<1x!tpu.dma_semaphore, #tpu.memory_space<semaphore_mem>> -> memref<!tpu.dma_semaphore, #tpu.memory_space<semaphore_mem>>
        tpu.wait_indirect_dma semaphore(%dma_wait3A_112 : memref<!tpu.dma_semaphore, #tpu.memory_space<semaphore_mem>>) src(%dma_wait3A_104 : memref<128x128xf32, #tpu.memory_space<vmem>>) dst(%dma_wait3A_110 : memref<10240x128xf32, #tpu.memory_space<vmem_shared>>)
      } else {
      }
      %add3A_60 = arith.constant 1 : i32
      %add3A_61 = arith.addi %scan3A_56, %add3A_60 : i32
      %lt3A = arith.constant 81 : i32
      %lt3A_62 = arith.cmpi slt, %add3A_61, %lt3A : i32
      %convert_element_type3A_63 = arith.extui %lt3A_62 : i1 to i32
      %cond3A_64 = arith.constant 0 : i32
      %cond3A_65 = arith.cmpi ne, %convert_element_type3A_63, %cond3A_64 : i32
      scf.if %cond3A_65 {
        %dma_wait3A_98 = arith.constant 0 : i32
        %dma_wait3A_99 = arith.constant 0 : i32
        %dma_wait3A_100 = arith.constant 0 : i32
        %dma_wait3A_101 = tpu.memref_slice %arg7[%dma_wait3A_99, %dma_wait3A_100] : memref<3x128xi32, #tpu.memory_space<vmem>> -> memref<1x128xi32, #tpu.memory_space<vmem>>
        %dma_wait3A_102 = tpu.memref_squeeze %dma_wait3A_101 : memref<1x128xi32, #tpu.memory_space<vmem>> -> memref<128xi32, #tpu.memory_space<vmem>>
        %dma_wait3A_103 = arith.constant 0 : i32
        %dma_wait3A_104 = tpu.memref_slice %arg3[%add3A, %dma_wait3A_98, %dma_wait3A_103] : memref<32x81x128xi32, #tpu.memory_space<hbm>> -> memref<1x1x128xi32, #tpu.memory_space<hbm>>
        %dma_wait3A_105 = tpu.memref_squeeze %dma_wait3A_104 : memref<1x1x128xi32, #tpu.memory_space<hbm>> -> memref<128xi32, #tpu.memory_space<hbm>>
        %dma_wait3A_106 = arith.constant 0 : i32
        %dma_wait3A_107 = tpu.memref_slice %arg7[%dma_wait3A_99, %dma_wait3A_106] : memref<3x128xi32, #tpu.memory_space<vmem>> -> memref<1x128xi32, #tpu.memory_space<vmem>>
        %dma_wait3A_108 = tpu.memref_squeeze %dma_wait3A_107 : memref<1x128xi32, #tpu.memory_space<vmem>> -> memref<128xi32, #tpu.memory_space<vmem>>
        %dma_wait3A_109 = arith.constant 0 : i32
        %dma_wait3A_110 = tpu.memref_slice %arg3[%add3A, %dma_wait3A_98, %dma_wait3A_109] : memref<32x81x128xi32, #tpu.memory_space<hbm>> -> memref<1x1x128xi32, #tpu.memory_space<hbm>>
        %dma_wait3A_111 = tpu.memref_squeeze %dma_wait3A_110 : memref<1x1x128xi32, #tpu.memory_space<hbm>> -> memref<128xi32, #tpu.memory_space<hbm>>
        tpu.wait_dma2 semaphore(%arg12 : memref<!tpu.dma_semaphore, #tpu.memory_space<semaphore_mem>>) src(%dma_wait3A_111 : memref<128xi32, #tpu.memory_space<hbm>>) dst(%dma_wait3A_108 : memref<128xi32, #tpu.memory_space<vmem>>)
        %add3A_112 = arith.constant 1 : i32
        %add3A_113 = arith.addi %scan3A_56, %add3A_112 : i32
        %rem3A_114 = arith.constant 3 : i32
        %rem3A_115 = arith.remsi %add3A_113, %rem3A_114 : i32
        %sub3A = arith.constant 1 : i32
        %sub3A_116 = arith.subi %sub3A, %rem3A_57 : i32
        %sub3A_117 = arith.constant 1 : i32
        %sub3A_118 = arith.subi %sub3A_117, %rem3A_57 : i32
        %dma_start3A_119 = arith.constant 0 : i32
        %dma_start3A_120 = arith.constant 0 : i32
        %dma_start3A_121 = tpu.memref_slice %arg9[%sub3A_116, %dma_start3A_119, %dma_start3A_120] : memref<2x128x128xf32, #tpu.memory_space<vmem>> -> memref<1x128x128xf32, #tpu.memory_space<vmem>>
        %dma_start3A_122 = tpu.memref_squeeze %dma_start3A_121 : memref<1x128x128xf32, #tpu.memory_space<vmem>> -> memref<128x128xf32, #tpu.memory_space<vmem>>
        %dma_start3A_123 = arith.constant 0 : i32
        %dma_start3A_124 = tpu.memref_slice %arg7[%rem3A_115, %dma_start3A_123] : memref<3x128xi32, #tpu.memory_space<vmem>> -> memref<1x128xi32, #tpu.memory_space<vmem>>
        %dma_start3A_125 = tpu.memref_squeeze %dma_start3A_124 : memref<1x128xi32, #tpu.memory_space<vmem>> -> memref<128xi32, #tpu.memory_space<vmem>>
        %dma_start3A_126 = arith.constant 0 : i32
        %dma_start3A_127 = arith.constant 0 : i32
        %dma_start3A_128 = tpu.memref_slice %arg2[%dma_start3A_126, %dma_start3A_127] : memref<10240x128xf32, #tpu.memory_space<hbm>> -> memref<10240x128xf32, #tpu.memory_space<hbm>>
        %dma_start3A_129 = tpu.memref_slice %arg11[%sub3A_118] : memref<2x!tpu.dma_semaphore, #tpu.memory_space<semaphore_mem>> -> memref<1x!tpu.dma_semaphore, #tpu.memory_space<semaphore_mem>>
        %dma_start3A_130 = tpu.memref_squeeze %dma_start3A_129 : memref<1x!tpu.dma_semaphore, #tpu.memory_space<semaphore_mem>> -> memref<!tpu.dma_semaphore, #tpu.memory_space<semaphore_mem>>
        tpu.enqueue_indirect_dma source(%dma_start3A_128 : memref<10240x128xf32, #tpu.memory_space<hbm>>) target(%dma_start3A_122 : memref<128x128xf32, #tpu.memory_space<vmem>>) offsets(%dma_start3A_125 : memref<128xi32, #tpu.memory_space<vmem>>) semaphore(%dma_start3A_130 : memref<!tpu.dma_semaphore, #tpu.memory_space<semaphore_mem>>)
      } else {
      }
      %add3A_66 = arith.constant 2 : i32
      %add3A_67 = arith.addi %scan3A_56, %add3A_66 : i32
      %lt3A_68 = arith.constant 81 : i32
      %lt3A_69 = arith.cmpi slt, %add3A_67, %lt3A_68 : i32
      %convert_element_type3A_70 = arith.extui %lt3A_69 : i1 to i32
      %cond3A_71 = arith.constant 0 : i32
      %cond3A_72 = arith.cmpi ne, %convert_element_type3A_70, %cond3A_71 : i32
      scf.if %cond3A_72 {
        %add3A_98 = arith.constant 2 : i32
        %add3A_99 = arith.addi %scan3A_56, %add3A_98 : i32
        %add3A_100 = arith.constant 2 : i32
        %add3A_101 = arith.addi %scan3A_56, %add3A_100 : i32
        %rem3A_102 = arith.constant 3 : i32
        %rem3A_103 = arith.remsi %add3A_101, %rem3A_102 : i32
        %dma_start3A_104 = arith.constant 0 : i32
        %dma_start3A_105 = tpu.memref_slice %arg7[%rem3A_103, %dma_start3A_104] : memref<3x128xi32, #tpu.memory_space<vmem>> -> memref<1x128xi32, #tpu.memory_space<vmem>>
        %dma_start3A_106 = tpu.memref_squeeze %dma_start3A_105 : memref<1x128xi32, #tpu.memory_space<vmem>> -> memref<128xi32, #tpu.memory_space<vmem>>
        %dma_start3A_107 = arith.constant 0 : i32
        %dma_start3A_108 = tpu.memref_slice %arg3[%add3A, %add3A_99, %dma_start3A_107] : memref<32x81x128xi32, #tpu.memory_space<hbm>> -> memref<1x1x128xi32, #tpu.memory_space<hbm>>
        %dma_start3A_109 = tpu.memref_squeeze %dma_start3A_108 : memref<1x1x128xi32, #tpu.memory_space<hbm>> -> memref<128xi32, #tpu.memory_space<hbm>>
        %dma_start3A_110 = arith.constant 0 : i32
        %dma_start3A_111 = tpu.memref_slice %arg7[%rem3A_103, %dma_start3A_110] : memref<3x128xi32, #tpu.memory_space<vmem>> -> memref<1x128xi32, #tpu.memory_space<vmem>>
        %dma_start3A_112 = tpu.memref_squeeze %dma_start3A_111 : memref<1x128xi32, #tpu.memory_space<vmem>> -> memref<128xi32, #tpu.memory_space<vmem>>
        %dma_start3A_113 = arith.constant 0 : i32
        %dma_start3A_114 = tpu.memref_slice %arg3[%add3A, %add3A_99, %dma_start3A_113] : memref<32x81x128xi32, #tpu.memory_space<hbm>> -> memref<1x1x128xi32, #tpu.memory_space<hbm>>
        %dma_start3A_115 = tpu.memref_squeeze %dma_start3A_114 : memref<1x1x128xi32, #tpu.memory_space<hbm>> -> memref<128xi32, #tpu.memory_space<hbm>>
        tpu.enqueue_dma source(%dma_start3A_115 : memref<128xi32, #tpu.memory_space<hbm>>) target(%dma_start3A_112 : memref<128xi32, #tpu.memory_space<vmem>>) target_semaphore(%arg12 : memref<!tpu.dma_semaphore, #tpu.memory_space<semaphore_mem>>)
      } else {
      }
      %dma_wait3A_73 = arith.constant 0 : i32
      %dma_wait3A_74 = arith.constant 0 : i32
      %dma_wait3A_75 = arith.constant 0 : i32
      %dma_wait3A_76 = tpu.memref_slice %arg9[%rem3A_57, %dma_wait3A_74, %dma_wait3A_75] : memref<2x128x128xf32, #tpu.memory_space<vmem>> -> memref<1x128x128xf32, #tpu.memory_space<vmem>>
      %dma_wait3A_77 = tpu.memref_squeeze %dma_wait3A_76 : memref<1x128x128xf32, #tpu.memory_space<vmem>> -> memref<128x128xf32, #tpu.memory_space<vmem>>
      %dma_wait3A_78 = arith.constant 0 : i32
      %dma_wait3A_79 = tpu.memref_slice %arg7[%dma_wait3A_73, %dma_wait3A_78] : memref<3x128xi32, #tpu.memory_space<vmem>> -> memref<1x128xi32, #tpu.memory_space<vmem>>
      %dma_wait3A_80 = tpu.memref_squeeze %dma_wait3A_79 : memref<1x128xi32, #tpu.memory_space<vmem>> -> memref<128xi32, #tpu.memory_space<vmem>>
      %dma_wait3A_81 = arith.constant 0 : i32
      %dma_wait3A_82 = arith.constant 0 : i32
      %dma_wait3A_83 = tpu.memref_slice %arg2[%dma_wait3A_81, %dma_wait3A_82] : memref<10240x128xf32, #tpu.memory_space<hbm>> -> memref<10240x128xf32, #tpu.memory_space<hbm>>
      %dma_wait3A_84 = tpu.memref_slice %arg11[%rem3A_57] : memref<2x!tpu.dma_semaphore, #tpu.memory_space<semaphore_mem>> -> memref<1x!tpu.dma_semaphore, #tpu.memory_space<semaphore_mem>>
      %dma_wait3A_85 = tpu.memref_squeeze %dma_wait3A_84 : memref<1x!tpu.dma_semaphore, #tpu.memory_space<semaphore_mem>> -> memref<!tpu.dma_semaphore, #tpu.memory_space<semaphore_mem>>
      tpu.wait_indirect_dma semaphore(%dma_wait3A_85 : memref<!tpu.dma_semaphore, #tpu.memory_space<semaphore_mem>>) src(%dma_wait3A_83 : memref<10240x128xf32, #tpu.memory_space<hbm>>) dst(%dma_wait3A_77 : memref<128x128xf32, #tpu.memory_space<vmem>>)
      %dma_start3A_86 = arith.constant 0 : i32
      %dma_start3A_87 = arith.constant 0 : i32
      %dma_start3A_88 = tpu.memref_slice %arg9[%rem3A_57, %dma_start3A_86, %dma_start3A_87] : memref<2x128x128xf32, #tpu.memory_space<vmem>> -> memref<1x128x128xf32, #tpu.memory_space<vmem>>
      %dma_start3A_89 = tpu.memref_squeeze %dma_start3A_88 : memref<1x128x128xf32, #tpu.memory_space<vmem>> -> memref<128x128xf32, #tpu.memory_space<vmem>>
      %dma_start3A_90 = arith.constant 0 : i32
      %dma_start3A_91 = tpu.memref_slice %arg8[%scan3A_56, %dma_start3A_90] : memref<81x128xi32, #tpu.memory_space<vmem>> -> memref<1x128xi32, #tpu.memory_space<vmem>>
      %dma_start3A_92 = tpu.memref_squeeze %dma_start3A_91 : memref<1x128xi32, #tpu.memory_space<vmem>> -> memref<128xi32, #tpu.memory_space<vmem>>
      %dma_start3A_93 = arith.constant 0 : i32
      %dma_start3A_94 = arith.constant 0 : i32
      %dma_start3A_95 = tpu.memref_slice %arg10[%dma_start3A_93, %dma_start3A_94] : memref<10240x128xf32, #tpu.memory_space<vmem_shared>> -> memref<10240x128xf32, #tpu.memory_space<vmem_shared>>
      %dma_start3A_96 = tpu.memref_slice %arg13[%rem3A_57] : memref<2x!tpu.dma_semaphore, #tpu.memory_space<semaphore_mem>> -> memref<1x!tpu.dma_semaphore, #tpu.memory_space<semaphore_mem>>
      %dma_start3A_97 = tpu.memref_squeeze %dma_start3A_96 : memref<1x!tpu.dma_semaphore, #tpu.memory_space<semaphore_mem>> -> memref<!tpu.dma_semaphore, #tpu.memory_space<semaphore_mem>>
      tpu.enqueue_indirect_dma source(%dma_start3A_89 : memref<128x128xf32, #tpu.memory_space<vmem>>) target(%dma_start3A_95 : memref<10240x128xf32, #tpu.memory_space<vmem_shared>>) offsets(%dma_start3A_92 : memref<128xi32, #tpu.memory_space<vmem>>) semaphore(%dma_start3A_97 : memref<!tpu.dma_semaphore, #tpu.memory_space<semaphore_mem>>) {add = true}
    }
    %scan3A_36 = arith.constant 81 : i32
    %dma_wait3A = arith.constant 0 : i32
    %dma_wait3A_37 = arith.constant 0 : i32
    %dma_wait3A_38 = arith.constant 0 : i32
    %dma_wait3A_39 = arith.constant 0 : i32
    %dma_wait3A_40 = arith.constant 0 : i32
    %dma_wait3A_41 = tpu.memref_slice %arg9[%dma_wait3A, %dma_wait3A_39, %dma_wait3A_40] : memref<2x128x128xf32, #tpu.memory_space<vmem>> -> memref<1x128x128xf32, #tpu.memory_space<vmem>>
    %dma_wait3A_42 = tpu.memref_squeeze %dma_wait3A_41 : memref<1x128x128xf32, #tpu.memory_space<vmem>> -> memref<128x128xf32, #tpu.memory_space<vmem>>
    %dma_wait3A_43 = arith.constant 0 : i32
    %dma_wait3A_44 = tpu.memref_slice %arg8[%dma_wait3A_37, %dma_wait3A_43] : memref<81x128xi32, #tpu.memory_space<vmem>> -> memref<1x128xi32, #tpu.memory_space<vmem>>
    %dma_wait3A_45 = tpu.memref_squeeze %dma_wait3A_44 : memref<1x128xi32, #tpu.memory_space<vmem>> -> memref<128xi32, #tpu.memory_space<vmem>>
    %dma_wait3A_46 = arith.constant 0 : i32
    %dma_wait3A_47 = arith.constant 0 : i32
    %dma_wait3A_48 = tpu.memref_slice %arg10[%dma_wait3A_46, %dma_wait3A_47] : memref<10240x128xf32, #tpu.memory_space<vmem_shared>> -> memref<10240x128xf32, #tpu.memory_space<vmem_shared>>
    %dma_wait3A_49 = tpu.memref_slice %arg13[%dma_wait3A_38] : memref<2x!tpu.dma_semaphore, #tpu.memory_space<semaphore_mem>> -> memref<1x!tpu.dma_semaphore, #tpu.memory_space<semaphore_mem>>
    %dma_wait3A_50 = tpu.memref_squeeze %dma_wait3A_49 : memref<1x!tpu.dma_semaphore, #tpu.memory_space<semaphore_mem>> -> memref<!tpu.dma_semaphore, #tpu.memory_space<semaphore_mem>>
    tpu.wait_indirect_dma semaphore(%dma_wait3A_50 : memref<!tpu.dma_semaphore, #tpu.memory_space<semaphore_mem>>) src(%dma_wait3A_42 : memref<128x128xf32, #tpu.memory_space<vmem>>) dst(%dma_wait3A_48 : memref<10240x128xf32, #tpu.memory_space<vmem_shared>>)
    %barrier3A_51 = arith.constant 0 : index
    tpu.barrier barrier_id(%barrier3A_51)
    %mul3A_52 = arith.constant 640 : i32
    %mul3A_53 = arith.muli %arg1, %mul3A_52 : i32
    %mul3A_54 = arith.constant 640 : i32
    %mul3A_55 = arith.muli %arg1, %mul3A_54 : i32
    "tpu.region"() ({
      %run_scoped3A_56 = tpu.sem_alloc : memref<!tpu.dma_semaphore, #tpu.memory_space<semaphore_mem>>
      %dma_start3A_57 = arith.constant 0 : i32
      %dma_start3A_58 = tpu.memref_slice %arg6[%arg0, %mul3A_55, %dma_start3A_57] : memref<2x10240x128xf32, #tpu.memory_space<hbm>> -> memref<1x640x128xf32, #tpu.memory_space<hbm>>
      %dma_start3A_59 = tpu.memref_squeeze %dma_start3A_58 : memref<1x640x128xf32, #tpu.memory_space<hbm>> -> memref<640x128xf32, #tpu.memory_space<hbm>>
      %dma_start3A_60 = arith.constant 0 : i32
      %dma_start3A_61 = tpu.memref_slice %arg10[%mul3A_53, %dma_start3A_60] : memref<10240x128xf32, #tpu.memory_space<vmem_shared>> -> memref<640x128xf32, #tpu.memory_space<vmem_shared>>
      tpu.enqueue_dma source(%dma_start3A_61 : memref<640x128xf32, #tpu.memory_space<vmem_shared>>) target(%dma_start3A_59 : memref<640x128xf32, #tpu.memory_space<hbm>>) target_semaphore(%run_scoped3A_56 : memref<!tpu.dma_semaphore, #tpu.memory_space<semaphore_mem>>)
      %dma_wait3A_62 = arith.constant 0 : i32
      %dma_wait3A_63 = tpu.memref_slice %arg6[%arg0, %mul3A_55, %dma_wait3A_62] : memref<2x10240x128xf32, #tpu.memory_space<hbm>> -> memref<1x640x128xf32, #tpu.memory_space<hbm>>
      %dma_wait3A_64 = tpu.memref_squeeze %dma_wait3A_63 : memref<1x640x128xf32, #tpu.memory_space<hbm>> -> memref<640x128xf32, #tpu.memory_space<hbm>>
      %dma_wait3A_65 = arith.constant 0 : i32
      %dma_wait3A_66 = tpu.memref_slice %arg10[%mul3A_53, %dma_wait3A_65] : memref<10240x128xf32, #tpu.memory_space<vmem_shared>> -> memref<640x128xf32, #tpu.memory_space<vmem_shared>>
      tpu.wait_dma2 semaphore(%run_scoped3A_56 : memref<!tpu.dma_semaphore, #tpu.memory_space<semaphore_mem>>) src(%dma_wait3A_66 : memref<640x128xf32, #tpu.memory_space<vmem_shared>>) dst(%dma_wait3A_64 : memref<640x128xf32, #tpu.memory_space<hbm>>)
      tpu.yield
    }) : () -> ()
    return
  }
}

module attributes {stable_mosaic.version = 14 : i64} {
  func.func @_tc_b_body(%arg0: i32, %arg1: memref<2x512x128xf32, #tpu.memory_space<vmem>>, %arg2: memref<512x128xf32, #tpu.memory_space<vmem>>, %arg3: memref<128xf32, #tpu.memory_space<vmem>>, %arg4: memref<128x128xf32, #tpu.memory_space<vmem>>, %arg5: memref<512x128xf32, #tpu.memory_space<vmem>>) attributes {dimension_semantics = [#tpu.dimension_semantics<arbitrary>], iteration_bounds = array<i64: 20>, scalar_prefetch = 0 : i64, scratch_operands = 0 : i64, tpu.core_type = #tpu.core_type<tc>, window_params = [{transform_indices = @transform_0, window_bounds = array<i64: 2, 512, 128>}, {transform_indices = @transform_1, window_bounds = array<i64: 512, 128>}, {pipeline_mode = #tpu.pipeline_mode<synchronous>, transform_indices = @transform_2, window_bounds = array<i64: 128>}, {pipeline_mode = #tpu.pipeline_mode<synchronous>, transform_indices = @transform_3, window_bounds = array<i64: 128, 128>}, {transform_indices = @transform_4, window_bounds = array<i64: 512, 128>}]} {
    %get3A = arith.constant 0 : index
    %get3A_0 = arith.constant 0 : index
    %get3A_1 = vector.load %arg2[%get3A, %get3A_0] : memref<512x128xf32, #tpu.memory_space<vmem>>, vector<512x128xf32>
    %get3A_2 = arith.constant 0 : index
    %get3A_3 = arith.constant 0 : index
    %get3A_4 = arith.constant 0 : index
    %get3A_5 = vector.load %arg1[%get3A_2, %get3A_3, %get3A_4] : memref<2x512x128xf32, #tpu.memory_space<vmem>>, vector<1x512x128xf32>
    %get3A_6 = vector.shape_cast %get3A_5 : vector<1x512x128xf32> to vector<512x128xf32>
    %get3A_7 = arith.constant 1 : index
    %get3A_8 = arith.constant 0 : index
    %get3A_9 = arith.constant 0 : index
    %get3A_10 = vector.load %arg1[%get3A_7, %get3A_8, %get3A_9] : memref<2x512x128xf32, #tpu.memory_space<vmem>>, vector<1x512x128xf32>
    %get3A_11 = vector.shape_cast %get3A_10 : vector<1x512x128xf32> to vector<512x128xf32>
    %add3A = arith.addf %get3A_6, %get3A_11 : vector<512x128xf32>
    %mul3A = arith.mulf %get3A_1, %add3A : vector<512x128xf32>
    %get3A_12 = arith.constant 0 : index
    %get3A_13 = vector.load %arg3[%get3A_12] : memref<128xf32, #tpu.memory_space<vmem>>, vector<128xf32>
    %broadcast_in_dim3A = vector.shape_cast %get3A_13 : vector<128xf32> to vector<1x128xf32>
    %add3A_14 = vector.broadcast %broadcast_in_dim3A : vector<1x128xf32> to vector<512x128xf32>
    %add3A_15 = arith.addf %mul3A, %add3A_14 : vector<512x128xf32>
    %max3A = arith.constant 0.000000e+00 : f32
    %max3A_16 = vector.broadcast %max3A : f32 to vector<512x128xf32>
    %max3A_17 = arith.maximumf %add3A_15, %max3A_16 : vector<512x128xf32>
    %get3A_18 = arith.constant 0 : index
    %get3A_19 = arith.constant 0 : index
    %get3A_20 = vector.load %arg4[%get3A_18, %get3A_19] : memref<128x128xf32, #tpu.memory_space<vmem>>, vector<128x128xf32>
    %dot_general3A = arith.constant dense<0.000000e+00> : vector<512x128xf32>
    %dot_general3A_21 = tpu.matmul %max3A_17, %get3A_20, %dot_general3A {dimension_numbers = #tpu.dot_dimension_numbers<[1], [0], [0], [1], [0, 0, 1, 1], [], []>, transpose_lhs_hint = false} : vector<512x128xf32>, vector<128x128xf32>, vector<512x128xf32> -> vector<512x128xf32>
    %mul3A_22 = arith.mulf %dot_general3A_21, %get3A_1 : vector<512x128xf32>
    %swap3A = arith.constant 0 : index
    %swap3A_23 = arith.constant 0 : index
    %swap3A_24 = vector.load %arg5[%swap3A, %swap3A_23] : memref<512x128xf32, #tpu.memory_space<vmem>>, vector<512x128xf32>
    tpu.vector_store %arg5[%swap3A, %swap3A_23], %mul3A_22 {strides = array<i32>} : memref<512x128xf32, #tpu.memory_space<vmem>>, vector<512x128xf32>,
    return
  }
  func.func @transform_0(%arg0: i32) -> (i32, i32, i32) {
    %c0_i32 = arith.constant 0 : i32
    %c0_i32_0 = arith.constant 0 : i32
    %c0_i32_1 = arith.constant 0 : i32
    return %c0_i32, %arg0, %c0_i32_0 : i32, i32, i32
  }
  func.func @transform_1(%arg0: i32) -> (i32, i32) {
    %c0_i32 = arith.constant 0 : i32
    %c0_i32_0 = arith.constant 0 : i32
    return %arg0, %c0_i32 : i32, i32
  }
  func.func @transform_2(%arg0: i32) -> i32 {
    %c0_i32 = arith.constant 0 : i32
    %c0_i32_0 = arith.constant 0 : i32
    return %c0_i32 : i32
  }
  func.func @transform_3(%arg0: i32) -> (i32, i32) {
    %c0_i32 = arith.constant 0 : i32
    %c0_i32_0 = arith.constant 0 : i32
    %c0_i32_1 = arith.constant 0 : i32
    return %c0_i32, %c0_i32_0 : i32, i32
  }
  func.func @transform_4(%arg0: i32) -> (i32, i32) {
    %c0_i32 = arith.constant 0 : i32
    %c0_i32_0 = arith.constant 0 : i32
    return %arg0, %c0_i32 : i32, i32
  }
}

module attributes {stable_mosaic.version = 14 : i64} {
  func.func @_tc_dis_body(%arg0: i32, %arg1: memref<2x512x16xf32, #tpu.memory_space<vmem>>, %arg2: memref<512x128xf32, #tpu.memory_space<vmem>>, %arg3: memref<128x128xf32, #tpu.memory_space<vmem>>, %arg4: memref<512x128xf32, #tpu.memory_space<vmem>>, %arg5: memref<512x128xf32, #tpu.memory_space<vmem>>) attributes {dimension_semantics = [#tpu.dimension_semantics<arbitrary>], iteration_bounds = array<i64: 20>, scalar_prefetch = 0 : i64, scratch_operands = 0 : i64, tpu.core_type = #tpu.core_type<tc>, window_params = [{transform_indices = @transform_0, window_bounds = array<i64: 2, 512, 16>}, {transform_indices = @transform_1, window_bounds = array<i64: 512, 128>}, {pipeline_mode = #tpu.pipeline_mode<synchronous>, transform_indices = @transform_2, window_bounds = array<i64: 128, 128>}, {transform_indices = @transform_3, window_bounds = array<i64: 512, 128>}, {transform_indices = @transform_4, window_bounds = array<i64: 512, 128>}]} {
    %get3A = arith.constant 0 : index
    %get3A_0 = arith.constant 0 : index
    %get3A_1 = arith.constant 0 : index
    %get3A_2 = vector.load %arg1[%get3A, %get3A_0, %get3A_1] : memref<2x512x16xf32, #tpu.memory_space<vmem>>, vector<1x512x1xf32>
    %get3A_3 = vector.shape_cast %get3A_2 : vector<1x512x1xf32> to vector<512xf32>
    %get3A_4 = arith.constant 1 : index
    %get3A_5 = arith.constant 0 : index
    %get3A_6 = arith.constant 0 : index
    %get3A_7 = vector.load %arg1[%get3A_4, %get3A_5, %get3A_6] : memref<2x512x16xf32, #tpu.memory_space<vmem>>, vector<1x512x1xf32>
    %get3A_8 = vector.shape_cast %get3A_7 : vector<1x512x1xf32> to vector<512xf32>
    %add3A = arith.addf %get3A_3, %get3A_8 : vector<512xf32>
    %gt3A = arith.constant 0.000000e+00 : f32
    %gt3A_9 = vector.broadcast %gt3A : f32 to vector<512xf32>
    %gt3A_10 = arith.cmpf ogt, %add3A, %gt3A_9 : vector<512xf32>
    %rsqrt3A = math.rsqrt %add3A : vector<512xf32>
    %jit3A = arith.constant 0.000000e+00 : f32
    %broadcast_in_dim3A = vector.broadcast %jit3A : f32 to vector<512xf32>
    %select_n3A = arith.select %gt3A_10, %rsqrt3A, %broadcast_in_dim3A : vector<512xi1>, vector<512xf32>
    %broadcast_in_dim3A_11 = vector.shape_cast %select_n3A : vector<512xf32> to vector<512x1xf32>
    %broadcast_in_dim3A_12 = vector.shape_cast %broadcast_in_dim3A_11 : vector<512x1xf32> to vector<512x1xf32>
    %broadcast_in_dim3A_13 = vector.broadcast %broadcast_in_dim3A_12 : vector<512x1xf32> to vector<512x128xf32>
    %swap3A = arith.constant 0 : index
    %swap3A_14 = arith.constant 0 : index
    %swap3A_15 = vector.load %arg4[%swap3A, %swap3A_14] : memref<512x128xf32, #tpu.memory_space<vmem>>, vector<512x128xf32>
    tpu.vector_store %arg4[%swap3A, %swap3A_14], %broadcast_in_dim3A_13 {strides = array<i32>} : memref<512x128xf32, #tpu.memory_space<vmem>>, vector<512x128xf32>,
    %get3A_16 = arith.constant 0 : index
    %get3A_17 = arith.constant 0 : index
    %get3A_18 = vector.load %arg2[%get3A_16, %get3A_17] : memref<512x128xf32, #tpu.memory_space<vmem>>, vector<512x128xf32>
    %get3A_19 = arith.constant 0 : index
    %get3A_20 = arith.constant 0 : index
    %get3A_21 = vector.load %arg3[%get3A_19, %get3A_20] : memref<128x128xf32, #tpu.memory_space<vmem>>, vector<128x128xf32>
    %dot_general3A = arith.constant dense<0.000000e+00> : vector<512x128xf32>
    %dot_general3A_22 = tpu.matmul %get3A_18, %get3A_21, %dot_general3A {dimension_numbers = #tpu.dot_dimension_numbers<[1], [0], [0], [1], [0, 0, 1, 1], [], []>, transpose_lhs_hint = false} : vector<512x128xf32>, vector<128x128xf32>, vector<512x128xf32> -> vector<512x128xf32>
    %mul3A = vector.broadcast %broadcast_in_dim3A_11 : vector<512x1xf32> to vector<512x128xf32>
    %mul3A_23 = arith.mulf %dot_general3A_22, %mul3A : vector<512x128xf32>
    %swap3A_24 = arith.constant 0 : index
    %swap3A_25 = arith.constant 0 : index
    %swap3A_26 = vector.load %arg5[%swap3A_24, %swap3A_25] : memref<512x128xf32, #tpu.memory_space<vmem>>, vector<512x128xf32>
    tpu.vector_store %arg5[%swap3A_24, %swap3A_25], %mul3A_23 {strides = array<i32>} : memref<512x128xf32, #tpu.memory_space<vmem>>, vector<512x128xf32>,
    return
  }
  func.func @transform_0(%arg0: i32) -> (i32, i32, i32) {
    %c0_i32 = arith.constant 0 : i32
    %c0_i32_0 = arith.constant 0 : i32
    %c0_i32_1 = arith.constant 0 : i32
    return %c0_i32, %arg0, %c0_i32_0 : i32, i32, i32
  }
  func.func @transform_1(%arg0: i32) -> (i32, i32) {
    %c0_i32 = arith.constant 0 : i32
    %c0_i32_0 = arith.constant 0 : i32
    return %arg0, %c0_i32 : i32, i32
  }
  func.func @transform_2(%arg0: i32) -> (i32, i32) {
    %c0_i32 = arith.constant 0 : i32
    %c0_i32_0 = arith.constant 0 : i32
    %c0_i32_1 = arith.constant 0 : i32
    return %c0_i32, %c0_i32_0 : i32, i32
  }
  func.func @transform_3(%arg0: i32) -> (i32, i32) {
    %c0_i32 = arith.constant 0 : i32
    %c0_i32_0 = arith.constant 0 : i32
    return %arg0, %c0_i32 : i32, i32
  }
  func.func @transform_4(%arg0: i32) -> (i32, i32) {
    %c0_i32 = arith.constant 0 : i32
    %c0_i32_0 = arith.constant 0 : i32
    return %arg0, %c0_i32 : i32, i32
  }
}

module attributes {stable_mosaic.version = 14 : i64} {
  func.func @_tc_c_body(%arg0: i32, %arg1: memref<2x512x128xf32, #tpu.memory_space<vmem>>, %arg2: memref<512x128xf32, #tpu.memory_space<vmem>>, %arg3: memref<128xf32, #tpu.memory_space<vmem>>, %arg4: memref<128x128xf32, #tpu.memory_space<vmem>>, %arg5: memref<128xf32, #tpu.memory_space<vmem>>, %arg6: memref<512x128xf32, #tpu.memory_space<vmem>>) attributes {dimension_semantics = [#tpu.dimension_semantics<arbitrary>], iteration_bounds = array<i64: 20>, scalar_prefetch = 0 : i64, scratch_operands = 0 : i64, tpu.core_type = #tpu.core_type<tc>, window_params = [{transform_indices = @transform_0, window_bounds = array<i64: 2, 512, 128>}, {transform_indices = @transform_1, window_bounds = array<i64: 512, 128>}, {pipeline_mode = #tpu.pipeline_mode<synchronous>, transform_indices = @transform_2, window_bounds = array<i64: 128>}, {pipeline_mode = #tpu.pipeline_mode<synchronous>, transform_indices = @transform_3, window_bounds = array<i64: 128, 128>}, {pipeline_mode = #tpu.pipeline_mode<synchronous>, transform_indices = @transform_4, window_bounds = array<i64: 128>}, {transform_indices = @transform_5, window_bounds = array<i64: 512, 128>}]} {
    %get3A = arith.constant 0 : index
    %get3A_0 = arith.constant 0 : index
    %get3A_1 = vector.load %arg2[%get3A, %get3A_0] : memref<512x128xf32, #tpu.memory_space<vmem>>, vector<512x128xf32>
    %get3A_2 = arith.constant 0 : index
    %get3A_3 = arith.constant 0 : index
    %get3A_4 = arith.constant 0 : index
    %get3A_5 = vector.load %arg1[%get3A_2, %get3A_3, %get3A_4] : memref<2x512x128xf32, #tpu.memory_space<vmem>>, vector<1x512x128xf32>
    %get3A_6 = vector.shape_cast %get3A_5 : vector<1x512x128xf32> to vector<512x128xf32>
    %get3A_7 = arith.constant 1 : index
    %get3A_8 = arith.constant 0 : index
    %get3A_9 = arith.constant 0 : index
    %get3A_10 = vector.load %arg1[%get3A_7, %get3A_8, %get3A_9] : memref<2x512x128xf32, #tpu.memory_space<vmem>>, vector<1x512x128xf32>
    %get3A_11 = vector.shape_cast %get3A_10 : vector<1x512x128xf32> to vector<512x128xf32>
    %add3A = arith.addf %get3A_6, %get3A_11 : vector<512x128xf32>
    %mul3A = arith.mulf %get3A_1, %add3A : vector<512x128xf32>
    %get3A_12 = arith.constant 0 : index
    %get3A_13 = vector.load %arg3[%get3A_12] : memref<128xf32, #tpu.memory_space<vmem>>, vector<128xf32>
    %broadcast_in_dim3A = vector.shape_cast %get3A_13 : vector<128xf32> to vector<1x128xf32>
    %add3A_14 = vector.broadcast %broadcast_in_dim3A : vector<1x128xf32> to vector<512x128xf32>
    %add3A_15 = arith.addf %mul3A, %add3A_14 : vector<512x128xf32>
    %max3A = arith.constant 0.000000e+00 : f32
    %max3A_16 = vector.broadcast %max3A : f32 to vector<512x128xf32>
    %max3A_17 = arith.maximumf %add3A_15, %max3A_16 : vector<512x128xf32>
    %get3A_18 = arith.constant 0 : index
    %get3A_19 = arith.constant 0 : index
    %get3A_20 = vector.load %arg4[%get3A_18, %get3A_19] : memref<128x128xf32, #tpu.memory_space<vmem>>, vector<128x128xf32>
    %dot_general3A = arith.constant dense<0.000000e+00> : vector<512x128xf32>
    %dot_general3A_21 = tpu.matmul %max3A_17, %get3A_20, %dot_general3A {dimension_numbers = #tpu.dot_dimension_numbers<[1], [0], [0], [1], [0, 0, 1, 1], [], []>, transpose_lhs_hint = false} : vector<512x128xf32>, vector<128x128xf32>, vector<512x128xf32> -> vector<512x128xf32>
    %get3A_22 = arith.constant 0 : index
    %get3A_23 = vector.load %arg5[%get3A_22] : memref<128xf32, #tpu.memory_space<vmem>>, vector<128xf32>
    %broadcast_in_dim3A_24 = vector.shape_cast %get3A_23 : vector<128xf32> to vector<1x128xf32>
    %add3A_25 = vector.broadcast %broadcast_in_dim3A_24 : vector<1x128xf32> to vector<512x128xf32>
    %add3A_26 = arith.addf %dot_general3A_21, %add3A_25 : vector<512x128xf32>
    %swap3A = arith.constant 0 : index
    %swap3A_27 = arith.constant 0 : index
    %swap3A_28 = vector.load %arg6[%swap3A, %swap3A_27] : memref<512x128xf32, #tpu.memory_space<vmem>>, vector<512x128xf32>
    tpu.vector_store %arg6[%swap3A, %swap3A_27], %add3A_26 {strides = array<i32>} : memref<512x128xf32, #tpu.memory_space<vmem>>, vector<512x128xf32>,
    return
  }
  func.func @transform_0(%arg0: i32) -> (i32, i32, i32) {
    %c0_i32 = arith.constant 0 : i32
    %c0_i32_0 = arith.constant 0 : i32
    %c0_i32_1 = arith.constant 0 : i32
    return %c0_i32, %arg0, %c0_i32_0 : i32, i32, i32
  }
  func.func @transform_1(%arg0: i32) -> (i32, i32) {
    %c0_i32 = arith.constant 0 : i32
    %c0_i32_0 = arith.constant 0 : i32
    return %arg0, %c0_i32 : i32, i32
  }
  func.func @transform_2(%arg0: i32) -> i32 {
    %c0_i32 = arith.constant 0 : i32
    %c0_i32_0 = arith.constant 0 : i32
    return %c0_i32 : i32
  }
  func.func @transform_3(%arg0: i32) -> (i32, i32) {
    %c0_i32 = arith.constant 0 : i32
    %c0_i32_0 = arith.constant 0 : i32
    %c0_i32_1 = arith.constant 0 : i32
    return %c0_i32, %c0_i32_0 : i32, i32
  }
  func.func @transform_4(%arg0: i32) -> i32 {
    %c0_i32 = arith.constant 0 : i32
    %c0_i32_0 = arith.constant 0 : i32
    return %c0_i32 : i32
  }
  func.func @transform_5(%arg0: i32) -> (i32, i32) {
    %c0_i32 = arith.constant 0 : i32
    %c0_i32_0 = arith.constant 0 : i32
    return %arg0, %c0_i32 : i32, i32
  }
}

</mosaic_0001>

<sc_bundles>
// kernel: kernel.10.cloned.1.call-start
scs
__scs_entry_jumppad:
0x0: {  	(pc) =	sbr.rel $0x88, $3  }
0x1: {  	(tag) =	ssettag $0x0;
	lr =	simm.s32 $0x1  }
0x2: {  	[smem:$0x3F97] =	sst lr;
	_ =	strace $0xD0000000  }
0x3: {  	_ = 	snop  }
0x4: {  	_ = 	snop  }
0x5: {  	_ = 	snop  }
0x6: {  	_ = 	snop  }
0x7: {  	_ = 	snop  }
__scs_overlays_trampoline_lowered:
0x8: {  	[smem:$0x3FA6] =	sst s0  }
0x9: {  	[smem:$0x3FA7] =	sst s1  }
0xa: {  	[smem:$0x3FA8] =	sst s2  }
0xb: {  	[smem:$0x3FA9] =	sst s3  }
0xc: {  	[smem:$0x3FAA] =	sst s4  }
0xd: {  	[smem:$0x3FAB] =	sst s5  }
0xe: {  	[smem:$0x3FAC] =	sst s6  }
0xf: {  	[smem:$0x3FAD] =	sst s7  }
0x10: {  	[smem:$0x3FAE] =	sst s8  }
0x11: {  	[smem:$0x3FAF] =	sst s9;
	s0 =	simm.s32 @!p0 $0x0  }
0x12: {  	s1 =	sld [smem:$0x3F95];
	s0 =	simm.s32 @p0 $0x1  }
0x13: {  	[smem:$0x3FB0] =	sst s0;
	s0 =	simm.s32 @!p1 $0x0  }
0x14: {  	s2 =	sld [smem:$0x3F94];
	s0 =	simm.s32 @p1 $0x1  }
0x15: {  	[smem:$0x3FB1] =	sst s0;
	s0 =	simm.s32 @!p2 $0x0  }
0x16: {  	s3 =	sld [smem:$0x3FDB];
	s0 =	simm.s32 @p2 $0x1  }
0x17: {  	s4 =	simm.s32 $0x1BF5;
	[smem:$0x3FB3] =	sst s0  }
0x18: {  	s0 =	sld [smem:$0x3F96];
	_ =	swait.ge [sflag:s4], $0x0  }
0x19: {  	s7 =	sld [smem:$0x3F97]  }
0x1a: {  	s8 =	sadd.s32 $0xFFFFE003, lr  }
0x1b: {  	s9 =	sadd.s32 $0xFFFFFEF7, lr;
	s5 =	simm.s32 $0xFFFFFFFF;
	p2 =	slt.u32 s8, $0xFFFFF086  }
0x1c: {  	p1 =	slt.u32 s9, $0xF7A;
	s5 =	simm.s32 @!p2 $0x0  }
0x1d: {  	s5 =	simm.s32 @p1 $0x1;
	p0 =	seq.s32 s7, s2  }
0x1e: {  	s7 =	smul.u32 @!p0 $0xF7A, s2;
	p2 =	seq.s32 @!p0 s5, $0x0  }
0x1f: {  	s9 =	smul.u32 $0xF7A, s1;
	s8 =	simm.s32 @!p0 $0x1BF5;
	p2 =	por !p2, p0  }
0x20: {  	[sflag:s8] =	ssyncset.s32 @!p0 $0xFFFFF086;
	s6 =	sadd.s32 @!p0 s3, s7;
	s7 =	simm.s32 @!p0 $0x108  }
0x21: {  	s3 =	sadd.s32 s3, s9;
	s6 =	sadd.s32 @!p0 $0x88, s6;
	s7 =	simm.s32 @p2 $0x1082  }
0x22: {  	[simem:s7], [sflag:s8] =	dma.local @!p0 [hbm:s6], $0xF7A  }
0x23: {  	s9 =	sor.u32 $0xD0000000, s2;
	s6 =	simm.s32 $0x108;
	_ =	swait.ge @!p0 [sflag:s8], $0x0  }
0x24: {  	s3 =	sadd.s32 $0x88, s3;
	s6 =	simm.s32 @!p1 $0x1082;
	[sflag:s4] =	ssyncset.s32 $0xFFFFF086  }
0x25: {  	[simem:s6], [sflag:s4] =	dma.local [hbm:s3], $0xF7A  }
0x26: {  	[smem:$0x3F97] =	sst s1;
	(tag) =	ssettag s2;
	_ =	strace s9  }
0x27: {  	s1 =	sld [smem:$0x3FA7]  }
0x28: {  	s2 =	sld [smem:$0x3FA8]  }
0x29: {  	s4 =	sld [smem:$0x3FAA]  }
0x2a: {  	p0 =	seq.s32 s5, $0x0;
	s5 =	sld [smem:$0x3FAB]  }
0x2b: {  	s6 =	sld [smem:$0x3FAC]  }
0x2c: {  	s7 =	sld [smem:$0x3FAD]  }
0x2d: {  	s3 =	simm.s32 $0x108;
	s8 =	sld [smem:$0x3FAE]  }
0x2e: {  	s3 =	simm.s32 @!p0 $0x1082;
	s9 =	sld [smem:$0x3FAF]  }
0x2f: {  	lr =	sadd.s32 s0, s3;
	s0 =	sld [smem:$0x3FA6]  }
0x30: {  	s3 =	sld [smem:$0x3FA9]  }
0x31: {  	[smem:$0x3FB2] =	sst s10  }
0x32: {  	s10 =	sld [smem:$0x3FB0];
	_ =	sdelay $0x3  }
0x33: {  	p0 =	seq.s32 s10, $0x1;
	s10 =	sld [smem:$0x3FB2];
	_ =	sdelay $0x3  }
0x34: {  	[smem:$0x3FB2] =	sst s10  }
0x35: {  	s10 =	sld [smem:$0x3FB1];
	_ =	sdelay $0x3  }
0x36: {  	p1 =	seq.s32 s10, $0x1;
	s10 =	sld [smem:$0x3FB2];
	_ =	sdelay $0x3  }
0x37: {  	[smem:$0x3FB2] =	sst s10  }
0x38: {  	s10 =	sld [smem:$0x3FB3]  }
0x39: {  	_ = 	snop;
	(pc) =	sbr.ind lr, $3  }
0x3a: {  	_ = 	snop  }
0x3b: {  	_ = 	snop  }
0x3c: {  	p2 =	seq.s32 s10, $0x1;
	s10 =	sld [smem:$0x3FB2]  }
0x3d: {  	_ =	shalt  }
0x3e: {  	_ =	shalt  }
0x3f: {  	_ =	shalt  }
0x40: {  	_ =	shalt  }
0x41: {  	_ =	shalt  }
0x42: {  	_ =	shalt  }
0x43: {  	_ =	shalt  }
0x44: {  	_ =	shalt  }
0x45: {  	_ =	shalt  }
0x46: {  	_ =	shalt  }
0x47: {  	_ =	shalt  }
0x48: {  	_ =	shalt  }
0x49: {  	_ =	shalt  }
0x4a: {  	_ =	shalt  }
0x4b: {  	_ =	shalt  }
0x4c: {  	_ =	shalt  }
0x4d: {  	_ =	shalt  }
0x4e: {  	_ =	shalt  }
0x4f: {  	_ =	shalt  }
0x50: {  	_ =	shalt  }
0x51: {  	_ =	shalt  }
0x52: {  	_ =	shalt  }
0x53: {  	_ =	shalt  }
0x54: {  	_ =	shalt  }
0x55: {  	_ =	shalt  }
0x56: {  	_ =	shalt  }
0x57: {  	_ =	shalt  }
0x58: {  	_ =	shalt  }
0x59: {  	_ =	shalt  }
0x5a: {  	_ =	shalt  }
0x5b: {  	_ =	shalt  }
0x5c: {  	_ =	shalt  }
0x5d: {  	_ =	shalt  }
0x5e: {  	_ =	shalt  }
0x5f: {  	_ =	shalt  }
0x60: {  	_ =	shalt  }
0x61: {  	_ =	shalt  }
0x62: {  	_ =	shalt  }
0x63: {  	_ =	shalt  }
0x64: {  	_ =	shalt  }
0x65: {  	_ =	shalt  }
0x66: {  	_ =	shalt  }
0x67: {  	_ =	shalt  }
0x68: {  	_ =	shalt  }
0x69: {  	_ =	shalt  }
0x6a: {  	_ =	shalt  }
0x6b: {  	_ =	shalt  }
0x6c: {  	_ =	shalt  }
0x6d: {  	_ =	shalt  }
0x6e: {  	_ =	shalt  }
0x6f: {  	_ =	shalt  }
0x70: {  	_ =	shalt  }
0x71: {  	_ =	shalt  }
0x72: {  	_ =	shalt  }
0x73: {  	_ =	shalt  }
0x74: {  	_ =	shalt  }
0x75: {  	_ =	shalt  }
0x76: {  	_ =	shalt  }
0x77: {  	_ =	shalt  }
0x78: {  	_ =	shalt  }
0x79: {  	_ =	shalt  }
0x7a: {  	_ =	shalt  }
0x7b: {  	_ =	shalt  }
0x7c: {  	_ =	shalt  }
0x7d: {  	_ =	shalt  }
0x7e: {  	_ =	shalt  }
0x7f: {  	_ =	shalt  }
0x80: {  	_ =	shalt  }
0x81: {  	_ =	shalt  }
0x82: {  	_ =	shalt  }
0x83: {  	_ =	shalt  }
0x84: {  	_ =	shalt  }
0x85: {  	_ =	shalt  }
0x86: {  	_ =	shalt  }
0x87: {  	_ =	shalt  }
.Lfunc_end0:
.L_simem_size_0:
called_computation_lowered:
.L_overlay_start_0:
0x88: {  	s2 =	sld [smem:$0x3FD9]  }
0x89: {  	s3 =	sld [smem:$0x3FFE];
	_ =	sdelay $0x1  }
0x8a: {  	s1 =	srdreg.scid  }
0x8b: {  	s0 =	sand.u32 $0x1, s1  }
0x8c: {  	s16 =	sshll.u32 s0, $0xA;
	s2 =	sadd.s32 s3, s2  }
0x8d: {  	s2 =	sadd.s32 s2, s16  }
0x8e: {  	[smem:$0x3FBE] =	sst s2  }
0x8f: {  	_ = 	snop  }
0x90: {  	(tm) =	ssettm $0x1  }
0x91: {  	s17 =	sld [smem:$0x3FFB];
	_ =	sdelay $0x3  }
0x92: {  	_ =	strace s17  }
0x93: {  	s2 =	sld [smem:$0x3FFC];
	_ =	sdelay $0x3  }
0x94: {  	_ =	strace s2  }
0x95: {  	s2 =	sld [smem:$0x3FFD];
	_ =	sdelay $0x3  }
0x96: {  	_ =	strace s2  }
0x97: {  	_ =	strace $0x8FFFFFFF  }
0x98: {  	s18 =	sld [smem:$0x3FDB];
	_ =	sdelay $0x1  }
0x99: {  	s19 =	simm.s32 $_scs_section_size  }
0x9a: {  	s4 =	simm.s32 $_size__tile_overlayer_lowered;
	s5 =	simm.s32 $_tile_overlayer_lowered  }
0x9b: {  	s22 =	simm.s32 $0x1BFF;
	s21 =	sshll.u32 s5, $0x1;
	s2 =	sadd.s32 s19, s18  }
0x9c: {  	s6 =	simm.s32 $0x0;
	s20 =	sshll.u32 s4, $0x1;
	s4 =	sadd.s32 s21, s2  }
0x9d: {  	[timem:s6], [sflag:s22] =	dma.local [hbm:s4], s20  }
0x9e: {  	_ =	swait.ge [sflag:s22], s20  }
0x9f: {  	s3 =	ssub.s32 $0x0, s20;
	[sflag:s22] =	ssyncset.done $0x0  }
0xa0: {  	[sflag:s22] =	ssyncadd.s32 s3;
	_ =	sdelay $0x1  }
0xa1: {  	s23 =	simm.s32 $0x1B8B  }
0xa2: {  	_ =	swait.ge [sflag:s23], $0x1  }
0xa3: {  	[sflag:s23] =	ssyncset.done $0x0  }
0xa4: {  	s25 =	simm.s32 $0x1B8E;
	s24 =	sld [smem:$0x3FFE];
	[sflag:s23] =	ssyncadd.s32 $0xFFFFFFFF  }
0xa5: {  	s26 =	simm.s32 $execute0_lowered;
	[smem:$0x3FD2] =	sst s25  }
0xa6: {  	s4 =	sshll.u32 s26, $0x1;
	_ =	strace $0x80000046;
	[dreg:$0x1] =	wrdreg $0xFFFFFFFF  }
0xa7: {  	s28 =	simm.s32 $_size_execute0_lowered;
	s2 =	sadd.s32 s2, s4;
	[dreg:$0x0] =	wrdreg $0x0  }
0xa8: {  	s4 =	sshll.u32 s28, $0x1;
	[dreg:$0x2] =	wrdreg s2  }
0xa9: {  	[dreg:$0x3] =	wrdreg s4  }
0xaa: {  	[dreg:$0x4] =	wrdreg $0xC0  }
0xab: {  	_ =	task [dreg:s6], $0x5FFFF  }
0xac: {  	[dreg:$0x1] =	wrdreg $0xFFFFFFFF  }
0xad: {  	[dreg:$0x0] =	wrdreg $0x60  }
0xae: {  	[dreg:$0x2] =	wrdreg s24  }
0xaf: {  	[dreg:$0x3] =	wrdreg $0x30800  }
0xb0: {  	[dreg:$0x4] =	wrdreg $0x9  }
0xb1: {  	_ =	task.clear_ibuf [dreg:s6], $0x5FFFF;
	_ =	strace $0x90000046  }
0xb2: {  	s29 =	simm.s32 $0x9;
	_ =	strace $0x80000048  }
0xb3: {  	_ =	swait.ge [sflag:s29], $0x1  }
0xb4: {  	[sflag:s29] =	ssyncadd.s32 $0xFFFFFFFF  }
0xb5: {  	_ =	strace $0x90000048  }
0xb6: {  	_ =	sfence  }
0xb7: {  	s30 =	sld [smem:$0x0];
	_ =	sdelay $0x2  }
0xb8: {  	s31 =	sshll.u32 s1, $0xD;
	s1 =	sshrl.u32 s1, $0x2  }
0xb9: {  	s3 =	sand.u32 $0x4000, s31;
	s1 =	sadd.s32 s1, s30  }
0xba: {  	s0 =	sor.u32 s3, s0;
	s1 =	sshll.u32 s1, $0x11  }
0xbb: {  	s0 =	sor.u32 s1, s0  }
0xbc: {  	s0 =	sadd.s32 $0x8F2B, s0  }
0xbd: {  	[sflag:s0] =	ssyncadd.remote.s32 $0x1  }
0xbe: {  	_ =	sfence.sel $0xFFFF  }
0xbf: {  	[dreg:$0x0] =	wrdreg $0xFFFFFFFF;
	(pc) =	sbr.abs _section_cstart, $3  }
0xc0: {  	[dreg:$0x1] =	wrdreg $0xFFFFFFFF  }
0xc1: {  	_ =	task.clear_ibuf [dreg:s6], $0x2FFFF;
	_ =	strace $0x9FFFFFFF  }
0xc2: {  	(tm) =	ssettm $0x7FFFFFFF  }
0xc3: {  	_ =	shalt  }
tec
execute0_lowered:
.L_overlay_start_1:
0x0: {  	(tag) =	ssettag $0x1  }
0x1: {  	s1 =	srdreg.scid  }
0x2: {  	s0 =	stileid.u32;
	s6 =	rddreg [dreg:$0x0]  }
0x3: {  	s2 =	rddreg [dreg:$0x1];
	s3 =	simm.s32 $0x0;
	s13 =	simm.s32 $0x80  }
0x4: {  	s14 =	simm.s32 $0x1;
	s15 =	simm.s32 $0x2800;
	s16 =	simm.s32 $0x0  }
0x5: {  	s5 =	sand.u32 $0x1, s1;
	s30 =	sshll.u32 s0, $0x1;
	s7 =	smul.u32 $0x2800, s0  }
0x6: {  	[smem:$0x7FF] =	sst s3;
	s31 =	sshll.u32 s0, $0x6;
	s1 =	sor.u32 s5, s30  }
0x7: {  	s8 =	smul.u32 $0x28000, s5;
	s10 =	ssub.s32 $0x2, s5;
	s5 =	sadd.s32 $0xCE00, s6  }
0x8: {  	s4 =	smul.u32 $0x510, s1;
	s1 =	rddreg [dreg:$0x2];
	_ =	strace $0x80000047  }
0x9: {  	s11 =	sshrl.u32 s10, $0x1;
	s12 =	sadd.s32 s7, s2;
	s8 =	sadd.s32 s7, s8  }
0xa: {  	s10 =	ssub.s32 s10, s11;
	s11 =	sor.u32 $0x1C02, s31;
	s12 =	sshrl.u32 s12, $0x3  }
0xb: {  	s9 =	sadd.s32 s4, s6;
	s4 =	sadd.s32 $0xCC00, s6;
	s8 =	sshrl.u32 s8, $0x3  }
0xc: {  	s8 =	sadd.s32 s8, s6;
	s6 =	sadd.s32 $0x2A00, s9;
	s9 =	simm.s32 $0x2  }
0xd: {  	s7 =	sadd.s32 $0xD400, s8;
	s8 =	smax.u32 s10, $0x1;
	s10 =	simm.s32 $0x2880  }
.LBB2_1:
0xe: {  	[tilespmem:s3], [sflag:$0x2] =	stream.linear.gather [hbm4b:s6+s3], $0x2880, $0x38;
	[tilespmem:$0x5880] =	vst v63  }
0xf: {  	_ =	swait.ge [sflag:s9], $0x2880  }
0x10: {  	[sflag:s9] =	ssyncset.done $0x0  }
0x11: {  	[sflag:s9] =	ssyncadd.s32 $0xFFFFD780  }
0x12: {  	[tilespmem:s10], [sflag:$0x2] =	stream.linear.gather [hbm4b:s4+s3], $0x800, $0x38;
	[tilespmem:$0x5880] =	vst v63  }
0x13: {  	_ =	swait.ge [sflag:s9], $0x800  }
0x14: {  	[sflag:s9] =	ssyncset.done $0x0  }
0x15: {  	[sflag:s9] =	ssyncadd.s32 $0xFFFFF800  }
0x16: {  	[spmem:s12], [sflag:s11] =	dma.local [hbm:s5], $0x500  }
0x17: {  	_ =	swait.ge [sflag:s9], $0x500  }
0x18: {  	[sflag:s9] =	ssyncset.done $0x0  }
0x19: {  	[sflag:s9] =	ssyncadd.s32 $0xFFFFFB00  }
0x1a: {  	s17 =	simm.s32 $0x0;
	[bflag:$0x0] =	sbarrier.arrive $0xFFFF  }
0x1b: {  	[spmem:s2] =	stream.indirect.scatter.add.f32 [tilespmem:s10], [sflag:$0x1], $0x10, s17, s13, $0xb8;
	[tilespmem:$0x5880] =	vst v63  }
0x1c: {  	s24 =	simm.s32 $0x80  }
0x1d: {  	[spmem:s2] =	stream.indirect.scatter.add.f32 [tilespmem:s10], [sflag:$0x1], $0x10, s24, s13, $0xb8;
	[tilespmem:$0x5880] =	vst v63  }
0x1e: {  	s25 =	simm.s32 $0x100  }
0x1f: {  	[spmem:s2] =	stream.indirect.scatter.add.f32 [tilespmem:s10], [sflag:$0x1], $0x10, s25, s13, $0xb8;
	[tilespmem:$0x5880] =	vst v63  }
0x20: {  	s26 =	simm.s32 $0x180  }
0x21: {  	[spmem:s2] =	stream.indirect.scatter.add.f32 [tilespmem:s10], [sflag:$0x1], $0x10, s26, s13, $0xb8;
	[tilespmem:$0x5880] =	vst v63  }
0x22: {  	s28 =	simm.s32 $0x200  }
0x23: {  	[spmem:s2] =	stream.indirect.scatter.add.f32 [tilespmem:s10], [sflag:$0x1], $0x10, s28, s13, $0xb8;
	[tilespmem:$0x5880] =	vst v63  }
0x24: {  	s29 =	simm.s32 $0x280  }
0x25: {  	[spmem:s2] =	stream.indirect.scatter.add.f32 [tilespmem:s10], [sflag:$0x1], $0x10, s29, s13, $0xb8;
	[tilespmem:$0x5880] =	vst v63  }
0x26: {  	s30 =	simm.s32 $0x300  }
0x27: {  	[spmem:s2] =	stream.indirect.scatter.add.f32 [tilespmem:s10], [sflag:$0x1], $0x10, s30, s13, $0xb8;
	[tilespmem:$0x5880] =	vst v63  }
0x28: {  	s31 =	simm.s32 $0x380  }
0x29: {  	[spmem:s2] =	stream.indirect.scatter.add.f32 [tilespmem:s10], [sflag:$0x1], $0x10, s31, s13, $0xb8;
	[tilespmem:$0x5880] =	vst v63  }
0x2a: {  	_ =	swait.ge [sflag:s14], $0x800  }
0x2b: {  	[sflag:s14] =	ssyncset.done $0x0  }
0x2c: {  	[sflag:s14] =	ssyncadd.s32 $0xFFFFF800  }
0x2d: {  	_ =	swait.ge [sflag:s14], $0x800  }
0x2e: {  	[sflag:s14] =	ssyncset.done $0x0  }
0x2f: {  	[sflag:s14] =	ssyncadd.s32 $0xFFFFF800  }
0x30: {  	_ =	swait.ge [sflag:s14], $0x800  }
0x31: {  	[sflag:s14] =	ssyncset.done $0x0  }
0x32: {  	[sflag:s14] =	ssyncadd.s32 $0xFFFFF800  }
0x33: {  	_ =	swait.ge [sflag:s14], $0x800  }
0x34: {  	[sflag:s14] =	ssyncset.done $0x0  }
0x35: {  	[sflag:s14] =	ssyncadd.s32 $0xFFFFF800  }
0x36: {  	_ =	swait.ge [sflag:s14], $0x800  }
0x37: {  	[sflag:s14] =	ssyncset.done $0x0  }
0x38: {  	[sflag:s14] =	ssyncadd.s32 $0xFFFFF800  }
0x39: {  	_ =	swait.ge [sflag:s14], $0x800  }
0x3a: {  	[sflag:s14] =	ssyncset.done $0x0  }
0x3b: {  	[sflag:s14] =	ssyncadd.s32 $0xFFFFF800  }
0x3c: {  	_ =	swait.ge [sflag:s14], $0x800  }
0x3d: {  	[sflag:s14] =	ssyncset.done $0x0  }
0x3e: {  	[sflag:s14] =	ssyncadd.s32 $0xFFFFF800  }
0x3f: {  	_ =	swait.ge [sflag:s14], $0x800  }
0x40: {  	s19 =	simm.s32 $0x2000;
	s17 =	simm.s32 $0x1000;
	[sflag:s14] =	ssyncset.done $0x0  }
.LBB2_2:
0x41: {  	s20 =	sshra.s32 s17, $0x2  }
0x42: {  	[sflag:s14] =	ssyncadd.s32 $0xFFFFF800;
	s17 =	smov.u32 s19;
	s18 =	sadd.s32 $0x1000, s19  }
0x43: {  	[spmem:s2] =	stream.indirect.scatter.add.f32 [tilespmem:s10], [sflag:$0x1], $0x10, s20, s13, $0xb8;
	[tilespmem:$0x5880] =	vst v63  }
0x44: {  	p0 =	sne.s32 s19, $0x9000;
	s19 =	sadd.s32 $0x80, s20  }
0x45: {  	[spmem:s2] =	stream.indirect.scatter.add.f32 [tilespmem:s10], [sflag:$0x1], $0x10, s19, s13, $0xb8;
	[tilespmem:$0x5880] =	vst v63  }
0x46: {  	s19 =	sadd.s32 $0x100, s20  }
0x47: {  	[spmem:s2] =	stream.indirect.scatter.add.f32 [tilespmem:s10], [sflag:$0x1], $0x10, s19, s13, $0xb8;
	[tilespmem:$0x5880] =	vst v63  }
0x48: {  	s19 =	sadd.s32 $0x180, s20  }
0x49: {  	[spmem:s2] =	stream.indirect.scatter.add.f32 [tilespmem:s10], [sflag:$0x1], $0x10, s19, s13, $0xb8;
	[tilespmem:$0x5880] =	vst v63  }
0x4a: {  	s19 =	sadd.s32 $0x200, s20  }
0x4b: {  	[spmem:s2] =	stream.indirect.scatter.add.f32 [tilespmem:s10], [sflag:$0x1], $0x10, s19, s13, $0xb8;
	[tilespmem:$0x5880] =	vst v63  }
0x4c: {  	s19 =	sadd.s32 $0x280, s20  }
0x4d: {  	[spmem:s2] =	stream.indirect.scatter.add.f32 [tilespmem:s10], [sflag:$0x1], $0x10, s19, s13, $0xb8;
	[tilespmem:$0x5880] =	vst v63  }
0x4e: {  	s19 =	sadd.s32 $0x300, s20  }
0x4f: {  	[spmem:s2] =	stream.indirect.scatter.add.f32 [tilespmem:s10], [sflag:$0x1], $0x10, s19, s13, $0xb8;
	[tilespmem:$0x5880] =	vst v63  }
0x50: {  	s19 =	sadd.s32 $0x380, s20  }
0x51: {  	[spmem:s2] =	stream.indirect.scatter.add.f32 [tilespmem:s10], [sflag:$0x1], $0x10, s19, s13, $0xb8;
	[tilespmem:$0x5880] =	vst v63  }
0x52: {  	_ =	swait.ge [sflag:s14], $0x800  }
0x53: {  	[sflag:s14] =	ssyncset.done $0x0  }
0x54: {  	[sflag:s14] =	ssyncadd.s32 $0xFFFFF800  }
0x55: {  	_ =	swait.ge [sflag:s14], $0x800  }
0x56: {  	[sflag:s14] =	ssyncset.done $0x0  }
0x57: {  	[sflag:s14] =	ssyncadd.s32 $0xFFFFF800  }
0x58: {  	_ =	swait.ge [sflag:s14], $0x800  }
0x59: {  	[sflag:s14] =	ssyncset.done $0x0  }
0x5a: {  	[sflag:s14] =	ssyncadd.s32 $0xFFFFF800  }
0x5b: {  	_ =	swait.ge [sflag:s14], $0x800  }
0x5c: {  	[sflag:s14] =	ssyncset.done $0x0  }
0x5d: {  	[sflag:s14] =	ssyncadd.s32 $0xFFFFF800  }
0x5e: {  	_ =	swait.ge [sflag:s14], $0x800  }
0x5f: {  	[sflag:s14] =	ssyncset.done $0x0  }
0x60: {  	[sflag:s14] =	ssyncadd.s32 $0xFFFFF800  }
0x61: {  	_ =	swait.ge [sflag:s14], $0x800  }
0x62: {  	[sflag:s14] =	ssyncset.done $0x0  }
0x63: {  	[sflag:s14] =	ssyncadd.s32 $0xFFFFF800  }
.Ltmp0:
0x64: {  	_ =	swait.ge [sflag:s14], $0x800;
	(pc) =	sbr.rel @p0 .LBB2_2-.Ltmp0, $4  }
0x65: {  	[sflag:s14] =	ssyncset.done $0x0  }
0x66: {  	[sflag:s14] =	ssyncadd.s32 $0xFFFFF800  }
0x67: {  	_ =	swait.ge [sflag:s14], $0x800  }
0x68: {  	s19 =	smov.u32 s18;
	[sflag:s14] =	ssyncset.done $0x0  }
0x69: {  	s17 =	sshra.s32 s17, $0x2;
	[sflag:s14] =	ssyncadd.s32 $0xFFFFF800  }
0x6a: {  	[spmem:s2] =	stream.indirect.scatter.add.f32 [tilespmem:s10], [sflag:$0x1], $0x10, s17, s13, $0xb8;
	[tilespmem:$0x5880] =	vst v63  }
0x6b: {  	s18 =	sadd.s32 $0x80, s17  }
0x6c: {  	[spmem:s2] =	stream.indirect.scatter.add.f32 [tilespmem:s10], [sflag:$0x1], $0x10, s18, s13, $0xb8;
	[tilespmem:$0x5880] =	vst v63  }
0x6d: {  	s26 =	sadd.s32 $0x100, s17  }
0x6e: {  	[spmem:s2] =	stream.indirect.scatter.add.f32 [tilespmem:s10], [sflag:$0x1], $0x10, s26, s13, $0xb8;
	[tilespmem:$0x5880] =	vst v63  }
0x6f: {  	s28 =	sadd.s32 $0x180, s17  }
0x70: {  	[spmem:s2] =	stream.indirect.scatter.add.f32 [tilespmem:s10], [sflag:$0x1], $0x10, s28, s13, $0xb8;
	[tilespmem:$0x5880] =	vst v63  }
0x71: {  	s29 =	sadd.s32 $0x200, s17  }
0x72: {  	[spmem:s2] =	stream.indirect.scatter.add.f32 [tilespmem:s10], [sflag:$0x1], $0x10, s29, s13, $0xb8;
	[tilespmem:$0x5880] =	vst v63  }
0x73: {  	s30 =	sadd.s32 $0x280, s17  }
0x74: {  	[spmem:s2] =	stream.indirect.scatter.add.f32 [tilespmem:s10], [sflag:$0x1], $0x10, s30, s13, $0xb8;
	[tilespmem:$0x5880] =	vst v63  }
0x75: {  	s31 =	sadd.s32 $0x300, s17  }
0x76: {  	[spmem:s2] =	stream.indirect.scatter.add.f32 [tilespmem:s10], [sflag:$0x1], $0x10, s31, s13, $0xb8;
	[tilespmem:$0x5880] =	vst v63  }
0x77: {  	s17 =	sadd.s32 $0x380, s17  }
0x78: {  	[spmem:s2] =	stream.indirect.scatter.add.f32 [tilespmem:s10], [sflag:$0x1], $0x10, s17, s13, $0xb8;
	[tilespmem:$0x5880] =	vst v63  }
0x79: {  	_ =	swait.ge [sflag:s14], $0x800  }
0x7a: {  	[sflag:s14] =	ssyncset.done $0x0  }
0x7b: {  	[sflag:s14] =	ssyncadd.s32 $0xFFFFF800  }
0x7c: {  	_ =	swait.ge [sflag:s14], $0x800  }
0x7d: {  	[sflag:s14] =	ssyncset.done $0x0  }
0x7e: {  	[sflag:s14] =	ssyncadd.s32 $0xFFFFF800  }
0x7f: {  	_ =	swait.ge [sflag:s14], $0x800  }
0x80: {  	[sflag:s14] =	ssyncset.done $0x0  }
0x81: {  	[sflag:s14] =	ssyncadd.s32 $0xFFFFF800  }
0x82: {  	_ =	swait.ge [sflag:s14], $0x800  }
0x83: {  	[sflag:s14] =	ssyncset.done $0x0  }
0x84: {  	[sflag:s14] =	ssyncadd.s32 $0xFFFFF800  }
0x85: {  	_ =	swait.ge [sflag:s14], $0x800  }
0x86: {  	[sflag:s14] =	ssyncset.done $0x0  }
0x87: {  	[sflag:s14] =	ssyncadd.s32 $0xFFFFF800  }
0x88: {  	_ =	swait.ge [sflag:s14], $0x800  }
0x89: {  	[sflag:s14] =	ssyncset.done $0x0  }
0x8a: {  	[sflag:s14] =	ssyncadd.s32 $0xFFFFF800  }
0x8b: {  	_ =	swait.ge [sflag:s14], $0x800  }
0x8c: {  	[sflag:s14] =	ssyncset.done $0x0  }
0x8d: {  	[sflag:s14] =	ssyncadd.s32 $0xFFFFF800  }
0x8e: {  	_ =	swait.ge [sflag:s14], $0x800  }
0x8f: {  	[sflag:s14] =	ssyncset.done $0x0  }
0x90: {  	[sflag:s14] =	ssyncadd.s32 $0xFFFFF800  }
0x91: {  	[spmem:s2] =	stream.indirect.scatter.add.f32 [tilespmem:s10], [sflag:$0x2], $0x10, s15, s13, $0xb8;
	[tilespmem:$0x5880] =	vst v63  }
0x92: {  	_ =	swait.ge [sflag:s9], $0x800  }
0x93: {  	s16 =	sadd.s32 $0x1, s16;
	[sflag:s9] =	ssyncset.done $0x0  }
0x94: {  	p0 =	sne.s32 s16, s8;
	[sflag:s9] =	ssyncadd.s32 $0xFFFFF800  }
.Ltmp1:
0x95: {  	[bflag:$0x0] =	sbarrier.arrive $0xFFFF;
	(pc) =	sbr.rel @p0 .LBB2_1-.Ltmp1, $4  }
0x96: {  	[hbm:s7], [sflag:s11] =	dma.local [spmem:s12], $0x500  }
0x97: {  	_ =	swait.ge [sflag:s9], $0x500  }
0x98: {  	[sflag:s9] =	ssyncset.done $0x0  }
0x99: {  	[sflag:s9] =	ssyncadd.s32 $0xFFFFFB00  }
0x9a: {  	_ =	sfence.sel $0x180000  }
0x9b: {  	[bflag:$0x0] =	sbarrier.arrive $0xFFFF  }
0x9c: {  	p0 =	sne.s32 s0, $0x0;
	_ =	strace $0x90000047  }
0x9d: {  	s0 =	sadd.s32 @!p0 $0x100000, s1;
	[bflag:$0x2] =	sbarrier.arrive $0xFFFF  }
0x9e: {  	[sflag:s0] =	ssyncadd.tile.s32 @!p0 $0x1;
	_ =	shalt  }
.Lfunc_end2:
_tile_overlayer_lowered:
.L_overlay_start_2:
0x9f: {  	(tag) =	ssettag $0x2  }
0xa0: {  	s0 =	rddreg [dreg:$0x0];
	s2 =	stileid.u32  }
0xa1: {  	s1 =	rddreg [dreg:$0x1];
	p0 =	sne.s32 s2, $0x0  }
0xa2: {  	s3 =	rddreg [dreg:$0x2];
	[bflag:$0x3] =	sbarrier.arrive $0xFFFF;
	s2 =	simm.s32 @!p0 $0x1C02  }
0xa3: {  	[timem:s3], [sflag:s2] =	dma.local @!p0 [hbm:s0], s1  }
0xa4: {  	s0 =	simm.s32 @!p0 $0x2  }
0xa5: {  	_ =	swait.ge @!p0 [sflag:s0], s1  }
0xa6: {  	s1 =	ssub.s32 @!p0 $0x0, s1;
	[sflag:s0] =	ssyncset.done @!p0 $0x0  }
0xa7: {  	[sflag:s0] =	ssyncadd.s32 @!p0 s1  }
0xa8: {  	[bflag:$0x3] =	sbarrier.arrive $0xFFFF  }
0xa9: {  	_ =	shalt  }

// kernel: kernel.13.cloned.1.call-start
scs
__scs_entry_jumppad:
0x0: {  	(pc) =	sbr.rel $0x88, $3  }
0x1: {  	(tag) =	ssettag $0x0;
	lr =	simm.s32 $0x1  }
0x2: {  	[smem:$0x3F97] =	sst lr;
	_ =	strace $0xD0000000  }
0x3: {  	_ = 	snop  }
0x4: {  	_ = 	snop  }
0x5: {  	_ = 	snop  }
0x6: {  	_ = 	snop  }
0x7: {  	_ = 	snop  }
__scs_overlays_trampoline_lowered:
0x8: {  	[smem:$0x3FA6] =	sst s0  }
0x9: {  	[smem:$0x3FA7] =	sst s1  }
0xa: {  	[smem:$0x3FA8] =	sst s2  }
0xb: {  	[smem:$0x3FA9] =	sst s3  }
0xc: {  	[smem:$0x3FAA] =	sst s4  }
0xd: {  	[smem:$0x3FAB] =	sst s5  }
0xe: {  	[smem:$0x3FAC] =	sst s6  }
0xf: {  	[smem:$0x3FAD] =	sst s7  }
0x10: {  	[smem:$0x3FAE] =	sst s8  }
0x11: {  	[smem:$0x3FAF] =	sst s9;
	s0 =	simm.s32 @!p0 $0x0  }
0x12: {  	s1 =	sld [smem:$0x3F95];
	s0 =	simm.s32 @p0 $0x1  }
0x13: {  	[smem:$0x3FB0] =	sst s0;
	s0 =	simm.s32 @!p1 $0x0  }
0x14: {  	s2 =	sld [smem:$0x3F94];
	s0 =	simm.s32 @p1 $0x1  }
0x15: {  	[smem:$0x3FB1] =	sst s0;
	s0 =	simm.s32 @!p2 $0x0  }
0x16: {  	s3 =	sld [smem:$0x3FDB];
	s0 =	simm.s32 @p2 $0x1  }
0x17: {  	s4 =	simm.s32 $0x1BF5;
	[smem:$0x3FB3] =	sst s0  }
0x18: {  	s0 =	sld [smem:$0x3F96];
	_ =	swait.ge [sflag:s4], $0x0  }
0x19: {  	s7 =	sld [smem:$0x3F97]  }
0x1a: {  	s8 =	sadd.s32 $0xFFFFE003, lr  }
0x1b: {  	s9 =	sadd.s32 $0xFFFFFEF7, lr;
	s5 =	simm.s32 $0xFFFFFFFF;
	p2 =	slt.u32 s8, $0xFFFFF086  }
0x1c: {  	p1 =	slt.u32 s9, $0xF7A;
	s5 =	simm.s32 @!p2 $0x0  }
0x1d: {  	s5 =	simm.s32 @p1 $0x1;
	p0 =	seq.s32 s7, s2  }
0x1e: {  	s7 =	smul.u32 @!p0 $0xF7A, s2;
	p2 =	seq.s32 @!p0 s5, $0x0  }
0x1f: {  	s9 =	smul.u32 $0xF7A, s1;
	s8 =	simm.s32 @!p0 $0x1BF5;
	p2 =	por !p2, p0  }
0x20: {  	[sflag:s8] =	ssyncset.s32 @!p0 $0xFFFFF086;
	s6 =	sadd.s32 @!p0 s3, s7;
	s7 =	simm.s32 @!p0 $0x108  }
0x21: {  	s3 =	sadd.s32 s3, s9;
	s6 =	sadd.s32 @!p0 $0x88, s6;
	s7 =	simm.s32 @p2 $0x1082  }
0x22: {  	[simem:s7], [sflag:s8] =	dma.local @!p0 [hbm:s6], $0xF7A  }
0x23: {  	s9 =	sor.u32 $0xD0000000, s2;
	s6 =	simm.s32 $0x108;
	_ =	swait.ge @!p0 [sflag:s8], $0x0  }
0x24: {  	s3 =	sadd.s32 $0x88, s3;
	s6 =	simm.s32 @!p1 $0x1082;
	[sflag:s4] =	ssyncset.s32 $0xFFFFF086  }
0x25: {  	[simem:s6], [sflag:s4] =	dma.local [hbm:s3], $0xF7A  }
0x26: {  	[smem:$0x3F97] =	sst s1;
	(tag) =	ssettag s2;
	_ =	strace s9  }
0x27: {  	s1 =	sld [smem:$0x3FA7]  }
0x28: {  	s2 =	sld [smem:$0x3FA8]  }
0x29: {  	s4 =	sld [smem:$0x3FAA]  }
0x2a: {  	p0 =	seq.s32 s5, $0x0;
	s5 =	sld [smem:$0x3FAB]  }
0x2b: {  	s6 =	sld [smem:$0x3FAC]  }
0x2c: {  	s7 =	sld [smem:$0x3FAD]  }
0x2d: {  	s3 =	simm.s32 $0x108;
	s8 =	sld [smem:$0x3FAE]  }
0x2e: {  	s3 =	simm.s32 @!p0 $0x1082;
	s9 =	sld [smem:$0x3FAF]  }
0x2f: {  	lr =	sadd.s32 s0, s3;
	s0 =	sld [smem:$0x3FA6]  }
0x30: {  	s3 =	sld [smem:$0x3FA9]  }
0x31: {  	[smem:$0x3FB2] =	sst s10  }
0x32: {  	s10 =	sld [smem:$0x3FB0];
	_ =	sdelay $0x3  }
0x33: {  	p0 =	seq.s32 s10, $0x1;
	s10 =	sld [smem:$0x3FB2];
	_ =	sdelay $0x3  }
0x34: {  	[smem:$0x3FB2] =	sst s10  }
0x35: {  	s10 =	sld [smem:$0x3FB1];
	_ =	sdelay $0x3  }
0x36: {  	p1 =	seq.s32 s10, $0x1;
	s10 =	sld [smem:$0x3FB2];
	_ =	sdelay $0x3  }
0x37: {  	[smem:$0x3FB2] =	sst s10  }
0x38: {  	s10 =	sld [smem:$0x3FB3]  }
0x39: {  	_ = 	snop;
	(pc) =	sbr.ind lr, $3  }
0x3a: {  	_ = 	snop  }
0x3b: {  	_ = 	snop  }
0x3c: {  	p2 =	seq.s32 s10, $0x1;
	s10 =	sld [smem:$0x3FB2]  }
0x3d: {  	_ =	shalt  }
0x3e: {  	_ =	shalt  }
0x3f: {  	_ =	shalt  }
0x40: {  	_ =	shalt  }
0x41: {  	_ =	shalt  }
0x42: {  	_ =	shalt  }
0x43: {  	_ =	shalt  }
0x44: {  	_ =	shalt  }
0x45: {  	_ =	shalt  }
0x46: {  	_ =	shalt  }
0x47: {  	_ =	shalt  }
0x48: {  	_ =	shalt  }
0x49: {  	_ =	shalt  }
0x4a: {  	_ =	shalt  }
0x4b: {  	_ =	shalt  }
0x4c: {  	_ =	shalt  }
0x4d: {  	_ =	shalt  }
0x4e: {  	_ =	shalt  }
0x4f: {  	_ =	shalt  }
0x50: {  	_ =	shalt  }
0x51: {  	_ =	shalt  }
0x52: {  	_ =	shalt  }
0x53: {  	_ =	shalt  }
0x54: {  	_ =	shalt  }
0x55: {  	_ =	shalt  }
0x56: {  	_ =	shalt  }
0x57: {  	_ =	shalt  }
0x58: {  	_ =	shalt  }
0x59: {  	_ =	shalt  }
0x5a: {  	_ =	shalt  }
0x5b: {  	_ =	shalt  }
0x5c: {  	_ =	shalt  }
0x5d: {  	_ =	shalt  }
0x5e: {  	_ =	shalt  }
0x5f: {  	_ =	shalt  }
0x60: {  	_ =	shalt  }
0x61: {  	_ =	shalt  }
0x62: {  	_ =	shalt  }
0x63: {  	_ =	shalt  }
0x64: {  	_ =	shalt  }
0x65: {  	_ =	shalt  }
0x66: {  	_ =	shalt  }
0x67: {  	_ =	shalt  }
0x68: {  	_ =	shalt  }
0x69: {  	_ =	shalt  }
0x6a: {  	_ =	shalt  }
0x6b: {  	_ =	shalt  }
0x6c: {  	_ =	shalt  }
0x6d: {  	_ =	shalt  }
0x6e: {  	_ =	shalt  }
0x6f: {  	_ =	shalt  }
0x70: {  	_ =	shalt  }
0x71: {  	_ =	shalt  }
0x72: {  	_ =	shalt  }
0x73: {  	_ =	shalt  }
0x74: {  	_ =	shalt  }
0x75: {  	_ =	shalt  }
0x76: {  	_ =	shalt  }
0x77: {  	_ =	shalt  }
0x78: {  	_ =	shalt  }
0x79: {  	_ =	shalt  }
0x7a: {  	_ =	shalt  }
0x7b: {  	_ =	shalt  }
0x7c: {  	_ =	shalt  }
0x7d: {  	_ =	shalt  }
0x7e: {  	_ =	shalt  }
0x7f: {  	_ =	shalt  }
0x80: {  	_ =	shalt  }
0x81: {  	_ =	shalt  }
0x82: {  	_ =	shalt  }
0x83: {  	_ =	shalt  }
0x84: {  	_ =	shalt  }
0x85: {  	_ =	shalt  }
0x86: {  	_ =	shalt  }
0x87: {  	_ =	shalt  }
.Lfunc_end0:
.L_simem_size_0:
called_computation.1_lowered:
.L_overlay_start_0:
0x88: {  	s2 =	sld [smem:$0x3FD9]  }
0x89: {  	s3 =	sld [smem:$0x3FFE];
	_ =	sdelay $0x1  }
0x8a: {  	s1 =	srdreg.scid  }
0x8b: {  	s0 =	sand.u32 $0x1, s1  }
0x8c: {  	s17 =	sshll.u32 s0, $0xA;
	s2 =	sadd.s32 s3, s2  }
0x8d: {  	s2 =	sadd.s32 s2, s17  }
0x8e: {  	[smem:$0x3FBE] =	sst s2  }
0x8f: {  	_ = 	snop  }
0x90: {  	s2 =	sld [smem:$0x3FD0];
	(tm) =	ssettm $0x1  }
0x91: {  	s18 =	sld [smem:$0x3FFB];
	_ =	sdelay $0x3  }
0x92: {  	_ =	strace s18  }
0x93: {  	s3 =	sld [smem:$0x3FFC];
	_ =	sdelay $0x3  }
0x94: {  	_ =	strace s3  }
0x95: {  	s3 =	sld [smem:$0x3FFD];
	_ =	sdelay $0x3  }
0x96: {  	_ =	strace s3  }
0x97: {  	_ =	strace $0x8FFFFFFF  }
0x98: {  	s19 =	sld [smem:$0x3FDB];
	_ =	sdelay $0x1  }
0x99: {  	s4 =	simm.s32 $_scs_section_size  }
0x9a: {  	s5 =	simm.s32 $_size__tile_overlayer_lowered;
	s6 =	simm.s32 $_tile_overlayer_lowered  }
0x9b: {  	s22 =	simm.s32 $0x1BFF;
	s21 =	sshll.u32 s6, $0x1;
	s3 =	sadd.s32 s4, s19  }
0x9c: {  	s7 =	simm.s32 $0x0;
	s20 =	sshll.u32 s5, $0x1;
	s5 =	sadd.s32 s21, s3  }
0x9d: {  	[timem:s7], [sflag:s22] =	dma.local [hbm:s5], s20  }
0x9e: {  	_ =	swait.ge [sflag:s22], s20  }
0x9f: {  	s4 =	ssub.s32 $0x0, s20;
	[sflag:s22] =	ssyncset.done $0x0  }
0xa0: {  	[sflag:s22] =	ssyncadd.s32 s4;
	_ =	sdelay $0x1  }
0xa1: {  	s23 =	simm.s32 $0x1B8B  }
0xa2: {  	_ =	swait.ge [sflag:s23], $0x1  }
0xa3: {  	[sflag:s23] =	ssyncset.done $0x0  }
0xa4: {  	s25 =	simm.s32 $0x1B8E;
	s24 =	sld [smem:$0x3FFE];
	[sflag:s23] =	ssyncadd.s32 $0xFFFFFFFF  }
0xa5: {  	s26 =	simm.s32 $execute0_lowered;
	[smem:$0x3FD2] =	sst s25  }
0xa6: {  	s5 =	sshll.u32 s26, $0x1;
	_ =	strace $0x80000049;
	[dreg:$0x1] =	wrdreg $0xFFFFFFFF  }
0xa7: {  	s28 =	simm.s32 $_size_execute0_lowered;
	s3 =	sadd.s32 s3, s5;
	[dreg:$0x0] =	wrdreg $0x0  }
0xa8: {  	s5 =	sshll.u32 s28, $0x1;
	[dreg:$0x2] =	wrdreg s3  }
0xa9: {  	[dreg:$0x3] =	wrdreg s5  }
0xaa: {  	[dreg:$0x4] =	wrdreg $0xC0  }
0xab: {  	_ =	task [dreg:s7], $0x5FFFF  }
0xac: {  	[dreg:$0x1] =	wrdreg $0xFFFFFFFF  }
0xad: {  	[dreg:$0x0] =	wrdreg $0x60  }
0xae: {  	[dreg:$0x2] =	wrdreg s24  }
0xaf: {  	[dreg:$0x3] =	wrdreg s2  }
0xb0: {  	[dreg:$0x4] =	wrdreg $0xAE000  }
0xb1: {  	[dreg:$0x5] =	wrdreg $0x9  }
0xb2: {  	_ =	task.clear_ibuf [dreg:s7], $0x6FFFF;
	_ =	strace $0x90000049  }
0xb3: {  	s29 =	simm.s32 $0x9;
	_ =	strace $0x8000004B  }
0xb4: {  	_ =	swait.ge [sflag:s29], $0x1  }
0xb5: {  	[sflag:s29] =	ssyncadd.s32 $0xFFFFFFFF  }
0xb6: {  	_ =	strace $0x9000004B  }
0xb7: {  	_ =	sfence  }
0xb8: {  	s30 =	sld [smem:$0x0];
	_ =	sdelay $0x2  }
0xb9: {  	s31 =	sshll.u32 s1, $0xD;
	s1 =	sshrl.u32 s1, $0x2  }
0xba: {  	s3 =	sand.u32 $0x4000, s31;
	s1 =	sadd.s32 s1, s30  }
0xbb: {  	s0 =	sor.u32 s3, s0;
	s1 =	sshll.u32 s1, $0x11  }
0xbc: {  	s0 =	sor.u32 s1, s0  }
0xbd: {  	s0 =	sadd.s32 $0x8F2B, s0  }
0xbe: {  	[sflag:s0] =	ssyncadd.remote.s32 $0x1  }
0xbf: {  	_ =	sfence.sel $0xFFFF  }
0xc0: {  	[dreg:$0x0] =	wrdreg $0xFFFFFFFF;
	(pc) =	sbr.abs _section_cstart, $3  }
0xc1: {  	[dreg:$0x1] =	wrdreg $0xFFFFFFFF  }
0xc2: {  	_ =	task.clear_ibuf [dreg:s7], $0x2FFFF;
	_ =	strace $0x9FFFFFFF  }
0xc3: {  	(tm) =	ssettm $0x7FFFFFFF  }
tec
execute0_lowered:
.L_overlay_start_1:
0x0: {  	(tag) =	ssettag $0x1  }
0x1: {  	s8 =	rddreg [dreg:$0x0]  }
0x2: {  	s1 =	srdreg.scid;
	s2 =	rddreg [dreg:$0x1]  }
0x3: {  	s0 =	stileid.u32;
	s3 =	rddreg [dreg:$0x2]  }
0x4: {  	s5 =	simm.s32 $0x0;
	s16 =	simm.s32 $0x2E00;
	s19 =	simm.s32 $0x4  }
0x5: {  	s20 =	simm.s32 $0x3;
	s21 =	simm.s32 $0x0;
	s7 =	sand.u32 $0x1, s1  }
0x6: {  	s28 =	sshll.u32 s0, $0x1;
	[smem:$0x7FF] =	sst s5;
	s10 =	smul.u32 $0x14000, s0  }
0x7: {  	s6 =	sadd.s32 $0x22400, s8;
	s13 =	smul.u32 $0x50000, s0;
	s17 =	sshll.u32 s0, $0x6  }
0x8: {  	s1 =	sor.u32 s7, s28;
	s9 =	smul.u32 $0x140000, s7;
	s29 =	ssub.s32 $0x2, s7  }
0x9: {  	s7 =	sadd.s32 $0x2A00, s8;
	s17 =	sor.u32 $0x1C06, s17;
	s4 =	smul.u32 $0x2C00, s1  }
0xa: {  	s1 =	rddreg [dreg:$0x3];
	_ =	strace $0x8000004A;
	s30 =	sshrl.u32 s29, $0x1  }
0xb: {  	s31 =	sshrl.u32 s13, $0x2;
	s13 =	simm.s32 $0x200;
	s9 =	sadd.s32 s10, s9  }
.Ltmp0:
0xc: {  	s15 =	ssub.s32 s29, s30;
	s18 =	sadd.s32 s31, s3;
	(pc) =	sbr.rel .LBB2_1-.Ltmp0, $4  }
0xd: {  	s11 =	sshrl.u32 s4, $0x3;
	s9 =	sshrl.u32 s9, $0x3;
	s18 =	sshrl.u32 s18, $0x3  }
0xe: {  	s12 =	sadd.s32 s11, s8;
	s14 =	sadd.s32 s9, s8;
	s8 =	sadd.s32 s2, s11  }
0xf: {  	s9 =	sadd.s32 $0x17400, s12;
	s10 =	sadd.s32 $0x10, s8;
	s11 =	sadd.s32 $0x4A400, s14  }
0x10: {  	s12 =	smax.u32 s15, $0x1;
	s14 =	simm.s32 $0x6;
	s15 =	simm.s32 $0x80  }
.LBB2_5:
0x11: {  	_ =	swait.ge [sflag:s19], $0x4000  }
0x12: {  	s21 =	sadd.s32 $0x1, s21;
	[sflag:s19] =	ssyncset.done $0x0  }
0x13: {  	p0 =	sne.s32 s21, s12;
	[sflag:s19] =	ssyncadd.s32 $0xFFFFC000  }
.Ltmp1:
0x14: {  	[bflag:$0x0] =	sbarrier.arrive $0xFFFF;
	(pc) =	sbr.rel @!p0 .LBB2_6-.Ltmp1, $4  }
0x15: {  	[hbm:s11], [sflag:s17] =	dma.local [spmem:s18], $0x2800  }
0x16: {  	_ =	swait.ge [sflag:s14], $0x2800  }
0x17: {  	[sflag:s14] =	ssyncset.done $0x0  }
0x18: {  	[sflag:s14] =	ssyncadd.s32 $0xFFFFD800  }
.LBB2_1:
0x19: {  	[tilespmem:s13], [sflag:$0x6] =	stream.linear.gather [hbm4b:s9+s5], $0x2880, $0x38;
	[tilespmem:$0x1EE00] =	vst v63  }
0x1a: {  	_ =	swait.ge [sflag:s14], $0x2880  }
0x1b: {  	[sflag:s14] =	ssyncset.done $0x0  }
0x1c: {  	[sflag:s14] =	ssyncadd.s32 $0xFFFFD780  }
0x1d: {  	[tilespmem:s5], [sflag:$0x6] =	stream.linear.gather [hbm4b:s8+s5], $0x80, $0x38;
	[tilespmem:$0x1EE00] =	vst v63  }
0x1e: {  	_ =	swait.ge [sflag:s14], $0x80  }
0x1f: {  	[sflag:s14] =	ssyncset.done $0x0  }
0x20: {  	[sflag:s14] =	ssyncadd.s32 $0xFFFFFF80  }
0x21: {  	[tilespmem:s16], [sflag:$0x1] =	stream.indirect.gather [hbm4b:s6+s15], $0x80, s5, s15, $0xb8;
	[tilespmem:$0x1EE00] =	vst v63  }
0x22: {  	_ = 	snop  }
0x23: {  	[tilespmem:s15], [sflag:$0x3] =	stream.linear.gather [hbm4b:s10+s5], $0x80, $0x38;
	[tilespmem:$0x1EE00] =	vst v63  }
0x24: {  	[spmem:s18], [sflag:s17] =	dma.local [hbm:s7], $0x2800  }
.Ltmp2:
0x25: {  	_ =	swait.ge [sflag:s14], $0x2800;
	(pc) =	sbr.rel .LBB2_2-.Ltmp2, $4  }
0x26: {  	[sflag:s14] =	ssyncset.done $0x0  }
0x27: {  	[sflag:s14] =	ssyncadd.s32 $0xFFFFD800  }
0x28: {  	[bflag:$0x0] =	sbarrier.arrive $0xFFFF  }
0x29: {  	s23 =	simm.s32 $0x0  }
.LBB2_4:
0x2a: {  	s25 =	sadd.s32 $0x1, s22;
	s26 =	sshll.u32 s22, $0xE;
	p0 =	slt.u32 s24, $0x51  }
.Ltmp3:
0x2b: {  	s23 =	sshll.u32 s23, $0x7;
	_ =	swait.ge [sflag:s25], $0x4000;
	(pc) =	sbr.rel @!p0 .LBB2_5-.Ltmp3, $4  }
0x2c: {  	s31 =	sor.u32 $0x4, s22;
	s23 =	sand.u32 $0x3FFFFF80, s23;
	[sflag:s25] =	ssyncset.done $0x0  }
0x2d: {  	s26 =	sor.u32 $0x2E00, s26;
	s23 =	sadd.s32 $0x200, s23;
	[sflag:s25] =	ssyncadd.s32 $0xFFFFC000  }
0x2e: {  	[spmem:s3] =	stream.indirect.scatter.add.f32 [tilespmem:s26], [sflag:s31], $0x80, s23, s15, $0xb8;
	[tilespmem:$0x1EE00] =	vst v63  }
0x2f: {  	s23 =	smov.u32 s24  }
.LBB2_2:
0x30: {  	p0 =	seq.s32 s23, $0x0  }
0x31: {  	p1 =	seq.s32 @!p0 s23, $0x50  }
0x32: {  	s22 =	sand.u32 $0x1, s23;
	p1 =	por p0, !p1  }
.Ltmp4:
0x33: {  	s25 =	sxor.u32 @!p0 $0x1, s22;
	(pc) =	sbr.rel @!p1 .LBB2_4-.Ltmp4, $4  }
0x34: {  	s24 =	sor.u32 @!p0 $0x4, s25  }
0x35: {  	_ =	swait.ge @!p0 [sflag:s24], $0x4000  }
0x36: {  	[sflag:s24] =	ssyncset.done @!p0 $0x0  }
0x37: {  	[sflag:s24] =	ssyncadd.s32 @!p0 $0xFFFFC000;
	s24 =	simm.s32 @!p0 $0x51  }
0x38: {  	s24 =	sadd.s32 @!p0 $0x1, s23  }
0x39: {  	s24 =	simm.s32 @p0 $0x1  }
0x3a: {  	s26 =	smul.u32 $0xAB, s24;
	_ =	sdelay $0x1  }
0x3b: {  	s26 =	sshrl.u32 s26, $0x9  }
0x3c: {  	s26 =	sand.u32 $0x7F, s26  }
0x3d: {  	_ =	swait.ge [sflag:s20], $0x80;
	s25 =	simm.s32 @p0 $0x1;
	s26 =	smul.u32 $0x3, s26  }
0x3e: {  	[sflag:s20] =	ssyncset.done $0x0;
	s28 =	sshll.u32 s25, $0xE  }
0x3f: {  	p0 =	sgt.u32 s23, $0x4E;
	s25 =	sadd.s32 $0x1, s25;
	s26 =	ssub.s32 s24, s26  }
0x40: {  	[sflag:s20] =	ssyncadd.s32 $0xFFFFFF80;
	s29 =	sadd.s32 @!p0 $0x2, s23;
	s26 =	sand.u32 $0xFF, s26  }
0x41: {  	s28 =	sor.u32 $0x2E00, s28;
	s30 =	smul.u32 @!p0 $0xAB, s29;
	s26 =	sshll.u32 s26, $0x7  }
0x42: {  	[tilespmem:s28], [sflag:s25] =	stream.indirect.gather [hbm4b:s6+s15], $0x80, s26, s15, $0xb8;
	[tilespmem:$0x1EE00] =	vst v63  }
0x43: {  	s25 =	sshrl.u32 @!p0 s30, $0x9  }
0x44: {  	s26 =	sshll.u32 @!p0 s29, $0x7;
	s25 =	sand.u32 @!p0 $0x7F, s25  }
0x45: {  	s28 =	sand.u32 @!p0 $0x7C00, s26;
	s25 =	smul.u32 @!p0 $0x3, s25  }
.Ltmp5:
0x46: {  	s26 =	sand.u32 @!p0 $0x380, s26;
	s28 =	sadd.s32 @!p0 s4, s28;
	(pc) =	sbr.rel .LBB2_4-.Ltmp5, $4  }
0x47: {  	s26 =	sor.u32 @!p0 s26, s28;
	s25 =	ssub.s32 @!p0 s29, s25  }
0x48: {  	s26 =	sshrl.u32 @!p0 s26, $0x3;
	s25 =	sand.u32 @!p0 $0xFF, s25  }
0x49: {  	s28 =	simm.s32 @!p0 $0x0;
	s26 =	sadd.s32 @!p0 s2, s26;
	s25 =	sshll.u32 @!p0 s25, $0x7  }
0x4a: {  	[tilespmem:s25], [sflag:$0x3] =	stream.linear.gather @!p0 [hbm4b:s26+s28], $0x80, $0x38;
	[tilespmem:$0x1EE00] =	vst v63  }
.LBB2_6:
0x4b: {  	_ =	sfence.sel $0x180000  }
0x4c: {  	[bflag:$0x0] =	sbarrier.arrive $0xFFFF  }
0x4d: {  	p0 =	sne.s32 s0, $0x0;
	_ =	strace $0x9000004A  }
0x4e: {  	s0 =	sadd.s32 @!p0 $0x100000, s1;
	[bflag:$0x2] =	sbarrier.arrive $0xFFFF  }
0x4f: {  	[sflag:s0] =	ssyncadd.tile.s32 @!p0 $0x1;
	_ =	shalt  }
.Lfunc_end2:
_tile_overlayer_lowered:
.L_overlay_start_2:
0x50: {  	(tag) =	ssettag $0x2  }
0x51: {  	s0 =	rddreg [dreg:$0x0];
	s2 =	stileid.u32  }
0x52: {  	s1 =	rddreg [dreg:$0x1];
	p0 =	sne.s32 s2, $0x0  }
0x53: {  	s3 =	rddreg [dreg:$0x2];
	[bflag:$0x3] =	sbarrier.arrive $0xFFFF;
	s2 =	simm.s32 @!p0 $0x1C06  }
0x54: {  	[timem:s3], [sflag:s2] =	dma.local @!p0 [hbm:s0], s1  }
0x55: {  	s0 =	simm.s32 @!p0 $0x6  }
0x56: {  	_ =	swait.ge @!p0 [sflag:s0], s1  }
0x57: {  	s1 =	ssub.s32 @!p0 $0x0, s1;
	[sflag:s0] =	ssyncset.done @!p0 $0x0  }
0x58: {  	[sflag:s0] =	ssyncadd.s32 @!p0 s1  }
0x59: {  	[bflag:$0x3] =	sbarrier.arrive $0xFFFF  }
0x5a: {  	_ =	shalt  }

// kernel: kernel.16.cloned.1.call-start
scs
__scs_entry_jumppad:
0x0: {  	(pc) =	sbr.rel $0x88, $3  }
0x1: {  	(tag) =	ssettag $0x0;
	lr =	simm.s32 $0x1  }
0x2: {  	[smem:$0x3F97] =	sst lr;
	_ =	strace $0xD0000000  }
0x3: {  	_ = 	snop  }
0x4: {  	_ = 	snop  }
0x5: {  	_ = 	snop  }
0x6: {  	_ = 	snop  }
0x7: {  	_ = 	snop  }
__scs_overlays_trampoline_lowered:
0x8: {  	[smem:$0x3FA6] =	sst s0  }
0x9: {  	[smem:$0x3FA7] =	sst s1  }
0xa: {  	[smem:$0x3FA8] =	sst s2  }
0xb: {  	[smem:$0x3FA9] =	sst s3  }
0xc: {  	[smem:$0x3FAA] =	sst s4  }
0xd: {  	[smem:$0x3FAB] =	sst s5  }
0xe: {  	[smem:$0x3FAC] =	sst s6  }
0xf: {  	[smem:$0x3FAD] =	sst s7  }
0x10: {  	[smem:$0x3FAE] =	sst s8  }
0x11: {  	[smem:$0x3FAF] =	sst s9;
	s0 =	simm.s32 @!p0 $0x0  }
0x12: {  	s1 =	sld [smem:$0x3F95];
	s0 =	simm.s32 @p0 $0x1  }
0x13: {  	[smem:$0x3FB0] =	sst s0;
	s0 =	simm.s32 @!p1 $0x0  }
0x14: {  	s2 =	sld [smem:$0x3F94];
	s0 =	simm.s32 @p1 $0x1  }
0x15: {  	[smem:$0x3FB1] =	sst s0;
	s0 =	simm.s32 @!p2 $0x0  }
0x16: {  	s3 =	sld [smem:$0x3FDB];
	s0 =	simm.s32 @p2 $0x1  }
0x17: {  	s4 =	simm.s32 $0x1BF5;
	[smem:$0x3FB3] =	sst s0  }
0x18: {  	s0 =	sld [smem:$0x3F96];
	_ =	swait.ge [sflag:s4], $0x0  }
0x19: {  	s7 =	sld [smem:$0x3F97]  }
0x1a: {  	s8 =	sadd.s32 $0xFFFFE003, lr  }
0x1b: {  	s9 =	sadd.s32 $0xFFFFFEF7, lr;
	s5 =	simm.s32 $0xFFFFFFFF;
	p2 =	slt.u32 s8, $0xFFFFF086  }
0x1c: {  	p1 =	slt.u32 s9, $0xF7A;
	s5 =	simm.s32 @!p2 $0x0  }
0x1d: {  	s5 =	simm.s32 @p1 $0x1;
	p0 =	seq.s32 s7, s2  }
0x1e: {  	s7 =	smul.u32 @!p0 $0xF7A, s2;
	p2 =	seq.s32 @!p0 s5, $0x0  }
0x1f: {  	s9 =	smul.u32 $0xF7A, s1;
	s8 =	simm.s32 @!p0 $0x1BF5;
	p2 =	por !p2, p0  }
0x20: {  	[sflag:s8] =	ssyncset.s32 @!p0 $0xFFFFF086;
	s6 =	sadd.s32 @!p0 s3, s7;
	s7 =	simm.s32 @!p0 $0x108  }
0x21: {  	s3 =	sadd.s32 s3, s9;
	s6 =	sadd.s32 @!p0 $0x88, s6;
	s7 =	simm.s32 @p2 $0x1082  }
0x22: {  	[simem:s7], [sflag:s8] =	dma.local @!p0 [hbm:s6], $0xF7A  }
0x23: {  	s9 =	sor.u32 $0xD0000000, s2;
	s6 =	simm.s32 $0x108;
	_ =	swait.ge @!p0 [sflag:s8], $0x0  }
0x24: {  	s3 =	sadd.s32 $0x88, s3;
	s6 =	simm.s32 @!p1 $0x1082;
	[sflag:s4] =	ssyncset.s32 $0xFFFFF086  }
0x25: {  	[simem:s6], [sflag:s4] =	dma.local [hbm:s3], $0xF7A  }
0x26: {  	[smem:$0x3F97] =	sst s1;
	(tag) =	ssettag s2;
	_ =	strace s9  }
0x27: {  	s1 =	sld [smem:$0x3FA7]  }
0x28: {  	s2 =	sld [smem:$0x3FA8]  }
0x29: {  	s4 =	sld [smem:$0x3FAA]  }
0x2a: {  	p0 =	seq.s32 s5, $0x0;
	s5 =	sld [smem:$0x3FAB]  }
0x2b: {  	s6 =	sld [smem:$0x3FAC]  }
0x2c: {  	s7 =	sld [smem:$0x3FAD]  }
0x2d: {  	s3 =	simm.s32 $0x108;
	s8 =	sld [smem:$0x3FAE]  }
0x2e: {  	s3 =	simm.s32 @!p0 $0x1082;
	s9 =	sld [smem:$0x3FAF]  }
0x2f: {  	lr =	sadd.s32 s0, s3;
	s0 =	sld [smem:$0x3FA6]  }
0x30: {  	s3 =	sld [smem:$0x3FA9]  }
0x31: {  	[smem:$0x3FB2] =	sst s10  }
0x32: {  	s10 =	sld [smem:$0x3FB0];
	_ =	sdelay $0x3  }
0x33: {  	p0 =	seq.s32 s10, $0x1;
	s10 =	sld [smem:$0x3FB2];
	_ =	sdelay $0x3  }
0x34: {  	[smem:$0x3FB2] =	sst s10  }
0x35: {  	s10 =	sld [smem:$0x3FB1];
	_ =	sdelay $0x3  }
0x36: {  	p1 =	seq.s32 s10, $0x1;
	s10 =	sld [smem:$0x3FB2];
	_ =	sdelay $0x3  }
0x37: {  	[smem:$0x3FB2] =	sst s10  }
0x38: {  	s10 =	sld [smem:$0x3FB3]  }
0x39: {  	_ = 	snop;
	(pc) =	sbr.ind lr, $3  }
0x3a: {  	_ = 	snop  }
0x3b: {  	_ = 	snop  }
0x3c: {  	p2 =	seq.s32 s10, $0x1;
	s10 =	sld [smem:$0x3FB2]  }
0x3d: {  	_ =	shalt  }
0x3e: {  	_ =	shalt  }
0x3f: {  	_ =	shalt  }
0x40: {  	_ =	shalt  }
0x41: {  	_ =	shalt  }
0x42: {  	_ =	shalt  }
0x43: {  	_ =	shalt  }
0x44: {  	_ =	shalt  }
0x45: {  	_ =	shalt  }
0x46: {  	_ =	shalt  }
0x47: {  	_ =	shalt  }
0x48: {  	_ =	shalt  }
0x49: {  	_ =	shalt  }
0x4a: {  	_ =	shalt  }
0x4b: {  	_ =	shalt  }
0x4c: {  	_ =	shalt  }
0x4d: {  	_ =	shalt  }
0x4e: {  	_ =	shalt  }
0x4f: {  	_ =	shalt  }
0x50: {  	_ =	shalt  }
0x51: {  	_ =	shalt  }
0x52: {  	_ =	shalt  }
0x53: {  	_ =	shalt  }
0x54: {  	_ =	shalt  }
0x55: {  	_ =	shalt  }
0x56: {  	_ =	shalt  }
0x57: {  	_ =	shalt  }
0x58: {  	_ =	shalt  }
0x59: {  	_ =	shalt  }
0x5a: {  	_ =	shalt  }
0x5b: {  	_ =	shalt  }
0x5c: {  	_ =	shalt  }
0x5d: {  	_ =	shalt  }
0x5e: {  	_ =	shalt  }
0x5f: {  	_ =	shalt  }
0x60: {  	_ =	shalt  }
0x61: {  	_ =	shalt  }
0x62: {  	_ =	shalt  }
0x63: {  	_ =	shalt  }
0x64: {  	_ =	shalt  }
0x65: {  	_ =	shalt  }
0x66: {  	_ =	shalt  }
0x67: {  	_ =	shalt  }
0x68: {  	_ =	shalt  }
0x69: {  	_ =	shalt  }
0x6a: {  	_ =	shalt  }
0x6b: {  	_ =	shalt  }
0x6c: {  	_ =	shalt  }
0x6d: {  	_ =	shalt  }
0x6e: {  	_ =	shalt  }
0x6f: {  	_ =	shalt  }
0x70: {  	_ =	shalt  }
0x71: {  	_ =	shalt  }
0x72: {  	_ =	shalt  }
0x73: {  	_ =	shalt  }
0x74: {  	_ =	shalt  }
0x75: {  	_ =	shalt  }
0x76: {  	_ =	shalt  }
0x77: {  	_ =	shalt  }
0x78: {  	_ =	shalt  }
0x79: {  	_ =	shalt  }
0x7a: {  	_ =	shalt  }
0x7b: {  	_ =	shalt  }
0x7c: {  	_ =	shalt  }
0x7d: {  	_ =	shalt  }
0x7e: {  	_ =	shalt  }
0x7f: {  	_ =	shalt  }
0x80: {  	_ =	shalt  }
0x81: {  	_ =	shalt  }
0x82: {  	_ =	shalt  }
0x83: {  	_ =	shalt  }
0x84: {  	_ =	shalt  }
0x85: {  	_ =	shalt  }
0x86: {  	_ =	shalt  }
0x87: {  	_ =	shalt  }
.Lfunc_end0:
.L_simem_size_0:
called_computation.2_lowered:
.L_overlay_start_0:
0x88: {  	s2 =	sld [smem:$0x3FD9]  }
0x89: {  	s3 =	sld [smem:$0x3FFE];
	_ =	sdelay $0x1  }
0x8a: {  	s1 =	srdreg.scid  }
0x8b: {  	s0 =	sand.u32 $0x1, s1  }
0x8c: {  	s17 =	sshll.u32 s0, $0xA;
	s2 =	sadd.s32 s3, s2  }
0x8d: {  	s2 =	sadd.s32 s2, s17  }
0x8e: {  	[smem:$0x3FBE] =	sst s2  }
0x8f: {  	_ = 	snop  }
0x90: {  	s2 =	sld [smem:$0x3FD0];
	(tm) =	ssettm $0x1  }
0x91: {  	s18 =	sld [smem:$0x3FFB];
	_ =	sdelay $0x3  }
0x92: {  	_ =	strace s18  }
0x93: {  	s3 =	sld [smem:$0x3FFC];
	_ =	sdelay $0x3  }
0x94: {  	_ =	strace s3  }
0x95: {  	s3 =	sld [smem:$0x3FFD];
	_ =	sdelay $0x3  }
0x96: {  	_ =	strace s3  }
0x97: {  	_ =	strace $0x8FFFFFFF  }
0x98: {  	s19 =	sld [smem:$0x3FDB];
	_ =	sdelay $0x1  }
0x99: {  	s4 =	simm.s32 $_scs_section_size  }
0x9a: {  	s5 =	simm.s32 $_size__tile_overlayer_lowered;
	s6 =	simm.s32 $_tile_overlayer_lowered  }
0x9b: {  	s22 =	simm.s32 $0x1BFF;
	s21 =	sshll.u32 s6, $0x1;
	s3 =	sadd.s32 s4, s19  }
0x9c: {  	s7 =	simm.s32 $0x0;
	s20 =	sshll.u32 s5, $0x1;
	s5 =	sadd.s32 s21, s3  }
0x9d: {  	[timem:s7], [sflag:s22] =	dma.local [hbm:s5], s20  }
0x9e: {  	_ =	swait.ge [sflag:s22], s20  }
0x9f: {  	s4 =	ssub.s32 $0x0, s20;
	[sflag:s22] =	ssyncset.done $0x0  }
0xa0: {  	[sflag:s22] =	ssyncadd.s32 s4;
	_ =	sdelay $0x1  }
0xa1: {  	s23 =	simm.s32 $0x1B8B  }
0xa2: {  	_ =	swait.ge [sflag:s23], $0x1  }
0xa3: {  	[sflag:s23] =	ssyncset.done $0x0  }
0xa4: {  	s25 =	simm.s32 $0x1B8E;
	s24 =	sld [smem:$0x3FFE];
	[sflag:s23] =	ssyncadd.s32 $0xFFFFFFFF  }
0xa5: {  	s26 =	simm.s32 $execute0_lowered;
	[smem:$0x3FD2] =	sst s25  }
0xa6: {  	s5 =	sshll.u32 s26, $0x1;
	_ =	strace $0x8000004C;
	[dreg:$0x1] =	wrdreg $0xFFFFFFFF  }
0xa7: {  	s28 =	simm.s32 $_size_execute0_lowered;
	s3 =	sadd.s32 s3, s5;
	[dreg:$0x0] =	wrdreg $0x0  }
0xa8: {  	s5 =	sshll.u32 s28, $0x1;
	[dreg:$0x2] =	wrdreg s3  }
0xa9: {  	[dreg:$0x3] =	wrdreg s5  }
0xaa: {  	[dreg:$0x4] =	wrdreg $0xC0  }
0xab: {  	_ =	task [dreg:s7], $0x5FFFF  }
0xac: {  	[dreg:$0x1] =	wrdreg $0xFFFFFFFF  }
0xad: {  	[dreg:$0x0] =	wrdreg $0x60  }
0xae: {  	[dreg:$0x2] =	wrdreg s24  }
0xaf: {  	[dreg:$0x3] =	wrdreg s2  }
0xb0: {  	[dreg:$0x4] =	wrdreg $0xAE000  }
0xb1: {  	[dreg:$0x5] =	wrdreg $0x9  }
0xb2: {  	_ =	task.clear_ibuf [dreg:s7], $0x6FFFF;
	_ =	strace $0x9000004C  }
0xb3: {  	s29 =	simm.s32 $0x9;
	_ =	strace $0x8000004E  }
0xb4: {  	_ =	swait.ge [sflag:s29], $0x1  }
0xb5: {  	[sflag:s29] =	ssyncadd.s32 $0xFFFFFFFF  }
0xb6: {  	_ =	strace $0x9000004E  }
0xb7: {  	_ =	sfence  }
0xb8: {  	s30 =	sld [smem:$0x0];
	_ =	sdelay $0x2  }
0xb9: {  	s31 =	sshll.u32 s1, $0xD;
	s1 =	sshrl.u32 s1, $0x2  }
0xba: {  	s3 =	sand.u32 $0x4000, s31;
	s1 =	sadd.s32 s1, s30  }
0xbb: {  	s0 =	sor.u32 s3, s0;
	s1 =	sshll.u32 s1, $0x11  }
0xbc: {  	s0 =	sor.u32 s1, s0  }
0xbd: {  	s0 =	sadd.s32 $0x8F2B, s0  }
0xbe: {  	[sflag:s0] =	ssyncadd.remote.s32 $0x1  }
0xbf: {  	_ =	sfence.sel $0xFFFF  }
0xc0: {  	[dreg:$0x0] =	wrdreg $0xFFFFFFFF;
	(pc) =	sbr.abs _section_cstart, $3  }
0xc1: {  	[dreg:$0x1] =	wrdreg $0xFFFFFFFF  }
0xc2: {  	_ =	task.clear_ibuf [dreg:s7], $0x2FFFF;
	_ =	strace $0x9FFFFFFF  }
0xc3: {  	(tm) =	ssettm $0x7FFFFFFF  }
tec
execute0_lowered:
.L_overlay_start_1:
0x0: {  	(tag) =	ssettag $0x1  }
0x1: {  	s8 =	rddreg [dreg:$0x0]  }
0x2: {  	s1 =	srdreg.scid;
	s2 =	rddreg [dreg:$0x1]  }
0x3: {  	s0 =	stileid.u32;
	s3 =	rddreg [dreg:$0x2]  }
0x4: {  	s5 =	simm.s32 $0x0;
	s16 =	simm.s32 $0x2E00;
	s19 =	simm.s32 $0x4  }
0x5: {  	s20 =	simm.s32 $0x3;
	s21 =	simm.s32 $0x0;
	s7 =	sand.u32 $0x1, s1  }
0x6: {  	s28 =	sshll.u32 s0, $0x1;
	[smem:$0x7FF] =	sst s5;
	s10 =	smul.u32 $0x14000, s0  }
0x7: {  	s6 =	sadd.s32 $0x22400, s8;
	s13 =	smul.u32 $0x50000, s0;
	s17 =	sshll.u32 s0, $0x6  }
0x8: {  	s1 =	sor.u32 s7, s28;
	s9 =	smul.u32 $0x140000, s7;
	s29 =	ssub.s32 $0x2, s7  }
0x9: {  	s7 =	sadd.s32 $0x2A00, s8;
	s17 =	sor.u32 $0x1C06, s17;
	s4 =	smul.u32 $0x2C00, s1  }
0xa: {  	s1 =	rddreg [dreg:$0x3];
	_ =	strace $0x8000004D;
	s30 =	sshrl.u32 s29, $0x1  }
0xb: {  	s31 =	sshrl.u32 s13, $0x2;
	s13 =	simm.s32 $0x200;
	s9 =	sadd.s32 s10, s9  }
.Ltmp0:
0xc: {  	s15 =	ssub.s32 s29, s30;
	s18 =	sadd.s32 s31, s3;
	(pc) =	sbr.rel .LBB2_1-.Ltmp0, $4  }
0xd: {  	s11 =	sshrl.u32 s4, $0x3;
	s9 =	sshrl.u32 s9, $0x3;
	s18 =	sshrl.u32 s18, $0x3  }
0xe: {  	s12 =	sadd.s32 s11, s8;
	s14 =	sadd.s32 s9, s8;
	s8 =	sadd.s32 s2, s11  }
0xf: {  	s9 =	sadd.s32 $0x17400, s12;
	s10 =	sadd.s32 $0x10, s8;
	s11 =	sadd.s32 $0x4A400, s14  }
0x10: {  	s12 =	smax.u32 s15, $0x1;
	s14 =	simm.s32 $0x6;
	s15 =	simm.s32 $0x80  }
.LBB2_5:
0x11: {  	_ =	swait.ge [sflag:s19], $0x4000  }
0x12: {  	s21 =	sadd.s32 $0x1, s21;
	[sflag:s19] =	ssyncset.done $0x0  }
0x13: {  	p0 =	sne.s32 s21, s12;
	[sflag:s19] =	ssyncadd.s32 $0xFFFFC000  }
.Ltmp1:
0x14: {  	[bflag:$0x0] =	sbarrier.arrive $0xFFFF;
	(pc) =	sbr.rel @!p0 .LBB2_6-.Ltmp1, $4  }
0x15: {  	[hbm:s11], [sflag:s17] =	dma.local [spmem:s18], $0x2800  }
0x16: {  	_ =	swait.ge [sflag:s14], $0x2800  }
0x17: {  	[sflag:s14] =	ssyncset.done $0x0  }
0x18: {  	[sflag:s14] =	ssyncadd.s32 $0xFFFFD800  }
.LBB2_1:
0x19: {  	[tilespmem:s13], [sflag:$0x6] =	stream.linear.gather [hbm4b:s9+s5], $0x2880, $0x38;
	[tilespmem:$0x1EE00] =	vst v63  }
0x1a: {  	_ =	swait.ge [sflag:s14], $0x2880  }
0x1b: {  	[sflag:s14] =	ssyncset.done $0x0  }
0x1c: {  	[sflag:s14] =	ssyncadd.s32 $0xFFFFD780  }
0x1d: {  	[tilespmem:s5], [sflag:$0x6] =	stream.linear.gather [hbm4b:s8+s5], $0x80, $0x38;
	[tilespmem:$0x1EE00] =	vst v63  }
0x1e: {  	_ =	swait.ge [sflag:s14], $0x80  }
0x1f: {  	[sflag:s14] =	ssyncset.done $0x0  }
0x20: {  	[sflag:s14] =	ssyncadd.s32 $0xFFFFFF80  }
0x21: {  	[tilespmem:s16], [sflag:$0x1] =	stream.indirect.gather [hbm4b:s6+s15], $0x80, s5, s15, $0xb8;
	[tilespmem:$0x1EE00] =	vst v63  }
0x22: {  	_ = 	snop  }
0x23: {  	[tilespmem:s15], [sflag:$0x3] =	stream.linear.gather [hbm4b:s10+s5], $0x80, $0x38;
	[tilespmem:$0x1EE00] =	vst v63  }
0x24: {  	[spmem:s18], [sflag:s17] =	dma.local [hbm:s7], $0x2800  }
.Ltmp2:
0x25: {  	_ =	swait.ge [sflag:s14], $0x2800;
	(pc) =	sbr.rel .LBB2_2-.Ltmp2, $4  }
0x26: {  	[sflag:s14] =	ssyncset.done $0x0  }
0x27: {  	[sflag:s14] =	ssyncadd.s32 $0xFFFFD800  }
0x28: {  	[bflag:$0x0] =	sbarrier.arrive $0xFFFF  }
0x29: {  	s23 =	simm.s32 $0x0  }
.LBB2_4:
0x2a: {  	s25 =	sadd.s32 $0x1, s22;
	s26 =	sshll.u32 s22, $0xE;
	p0 =	slt.u32 s24, $0x51  }
.Ltmp3:
0x2b: {  	s23 =	sshll.u32 s23, $0x7;
	_ =	swait.ge [sflag:s25], $0x4000;
	(pc) =	sbr.rel @!p0 .LBB2_5-.Ltmp3, $4  }
0x2c: {  	s31 =	sor.u32 $0x4, s22;
	s23 =	sand.u32 $0x3FFFFF80, s23;
	[sflag:s25] =	ssyncset.done $0x0  }
0x2d: {  	s26 =	sor.u32 $0x2E00, s26;
	s23 =	sadd.s32 $0x200, s23;
	[sflag:s25] =	ssyncadd.s32 $0xFFFFC000  }
0x2e: {  	[spmem:s3] =	stream.indirect.scatter.add.f32 [tilespmem:s26], [sflag:s31], $0x80, s23, s15, $0xb8;
	[tilespmem:$0x1EE00] =	vst v63  }
0x2f: {  	s23 =	smov.u32 s24  }
.LBB2_2:
0x30: {  	p0 =	seq.s32 s23, $0x0  }
0x31: {  	p1 =	seq.s32 @!p0 s23, $0x50  }
0x32: {  	s22 =	sand.u32 $0x1, s23;
	p1 =	por p0, !p1  }
.Ltmp4:
0x33: {  	s25 =	sxor.u32 @!p0 $0x1, s22;
	(pc) =	sbr.rel @!p1 .LBB2_4-.Ltmp4, $4  }
0x34: {  	s24 =	sor.u32 @!p0 $0x4, s25  }
0x35: {  	_ =	swait.ge @!p0 [sflag:s24], $0x4000  }
0x36: {  	[sflag:s24] =	ssyncset.done @!p0 $0x0  }
0x37: {  	[sflag:s24] =	ssyncadd.s32 @!p0 $0xFFFFC000;
	s24 =	simm.s32 @!p0 $0x51  }
0x38: {  	s24 =	sadd.s32 @!p0 $0x1, s23  }
0x39: {  	s24 =	simm.s32 @p0 $0x1  }
0x3a: {  	s26 =	smul.u32 $0xAB, s24;
	_ =	sdelay $0x1  }
0x3b: {  	s26 =	sshrl.u32 s26, $0x9  }
0x3c: {  	s26 =	sand.u32 $0x7F, s26  }
0x3d: {  	_ =	swait.ge [sflag:s20], $0x80;
	s25 =	simm.s32 @p0 $0x1;
	s26 =	smul.u32 $0x3, s26  }
0x3e: {  	[sflag:s20] =	ssyncset.done $0x0;
	s28 =	sshll.u32 s25, $0xE  }
0x3f: {  	p0 =	sgt.u32 s23, $0x4E;
	s25 =	sadd.s32 $0x1, s25;
	s26 =	ssub.s32 s24, s26  }
0x40: {  	[sflag:s20] =	ssyncadd.s32 $0xFFFFFF80;
	s29 =	sadd.s32 @!p0 $0x2, s23;
	s26 =	sand.u32 $0xFF, s26  }
0x41: {  	s28 =	sor.u32 $0x2E00, s28;
	s30 =	smul.u32 @!p0 $0xAB, s29;
	s26 =	sshll.u32 s26, $0x7  }
0x42: {  	[tilespmem:s28], [sflag:s25] =	stream.indirect.gather [hbm4b:s6+s15], $0x80, s26, s15, $0xb8;
	[tilespmem:$0x1EE00] =	vst v63  }
0x43: {  	s25 =	sshrl.u32 @!p0 s30, $0x9  }
0x44: {  	s26 =	sshll.u32 @!p0 s29, $0x7;
	s25 =	sand.u32 @!p0 $0x7F, s25  }
0x45: {  	s28 =	sand.u32 @!p0 $0x7C00, s26;
	s25 =	smul.u32 @!p0 $0x3, s25  }
.Ltmp5:
0x46: {  	s26 =	sand.u32 @!p0 $0x380, s26;
	s28 =	sadd.s32 @!p0 s4, s28;
	(pc) =	sbr.rel .LBB2_4-.Ltmp5, $4  }
0x47: {  	s26 =	sor.u32 @!p0 s26, s28;
	s25 =	ssub.s32 @!p0 s29, s25  }
0x48: {  	s26 =	sshrl.u32 @!p0 s26, $0x3;
	s25 =	sand.u32 @!p0 $0xFF, s25  }
0x49: {  	s28 =	simm.s32 @!p0 $0x0;
	s26 =	sadd.s32 @!p0 s2, s26;
	s25 =	sshll.u32 @!p0 s25, $0x7  }
0x4a: {  	[tilespmem:s25], [sflag:$0x3] =	stream.linear.gather @!p0 [hbm4b:s26+s28], $0x80, $0x38;
	[tilespmem:$0x1EE00] =	vst v63  }
.LBB2_6:
0x4b: {  	_ =	sfence.sel $0x180000  }
0x4c: {  	[bflag:$0x0] =	sbarrier.arrive $0xFFFF  }
0x4d: {  	p0 =	sne.s32 s0, $0x0;
	_ =	strace $0x9000004D  }
0x4e: {  	s0 =	sadd.s32 @!p0 $0x100000, s1;
	[bflag:$0x2] =	sbarrier.arrive $0xFFFF  }
0x4f: {  	[sflag:s0] =	ssyncadd.tile.s32 @!p0 $0x1;
	_ =	shalt  }
.Lfunc_end2:
_tile_overlayer_lowered:
.L_overlay_start_2:
0x50: {  	(tag) =	ssettag $0x2  }
0x51: {  	s0 =	rddreg [dreg:$0x0];
	s2 =	stileid.u32  }
0x52: {  	s1 =	rddreg [dreg:$0x1];
	p0 =	sne.s32 s2, $0x0  }
0x53: {  	s3 =	rddreg [dreg:$0x2];
	[bflag:$0x3] =	sbarrier.arrive $0xFFFF;
	s2 =	simm.s32 @!p0 $0x1C06  }
0x54: {  	[timem:s3], [sflag:s2] =	dma.local @!p0 [hbm:s0], s1  }
0x55: {  	s0 =	simm.s32 @!p0 $0x6  }
0x56: {  	_ =	swait.ge @!p0 [sflag:s0], s1  }
0x57: {  	s1 =	ssub.s32 @!p0 $0x0, s1;
	[sflag:s0] =	ssyncset.done @!p0 $0x0  }
0x58: {  	[sflag:s0] =	ssyncadd.s32 @!p0 s1  }
0x59: {  	[bflag:$0x3] =	sbarrier.arrive $0xFFFF  }
0x5a: {  	_ =	shalt  }

// kernel: kernel.19.cloned.1.call-start
scs
__scs_entry_jumppad:
0x0: {  	(pc) =	sbr.rel $0x88, $3  }
0x1: {  	(tag) =	ssettag $0x0;
	lr =	simm.s32 $0x1  }
0x2: {  	[smem:$0x3F97] =	sst lr;
	_ =	strace $0xD0000000  }
0x3: {  	_ = 	snop  }
0x4: {  	_ = 	snop  }
0x5: {  	_ = 	snop  }
0x6: {  	_ = 	snop  }
0x7: {  	_ = 	snop  }
__scs_overlays_trampoline_lowered:
0x8: {  	[smem:$0x3FA6] =	sst s0  }
0x9: {  	[smem:$0x3FA7] =	sst s1  }
0xa: {  	[smem:$0x3FA8] =	sst s2  }
0xb: {  	[smem:$0x3FA9] =	sst s3  }
0xc: {  	[smem:$0x3FAA] =	sst s4  }
0xd: {  	[smem:$0x3FAB] =	sst s5  }
0xe: {  	[smem:$0x3FAC] =	sst s6  }
0xf: {  	[smem:$0x3FAD] =	sst s7  }
0x10: {  	[smem:$0x3FAE] =	sst s8  }
0x11: {  	[smem:$0x3FAF] =	sst s9;
	s0 =	simm.s32 @!p0 $0x0  }
0x12: {  	s1 =	sld [smem:$0x3F95];
	s0 =	simm.s32 @p0 $0x1  }
0x13: {  	[smem:$0x3FB0] =	sst s0;
	s0 =	simm.s32 @!p1 $0x0  }
0x14: {  	s2 =	sld [smem:$0x3F94];
	s0 =	simm.s32 @p1 $0x1  }
0x15: {  	[smem:$0x3FB1] =	sst s0;
	s0 =	simm.s32 @!p2 $0x0  }
0x16: {  	s3 =	sld [smem:$0x3FDB];
	s0 =	simm.s32 @p2 $0x1  }
0x17: {  	s4 =	simm.s32 $0x1BF5;
	[smem:$0x3FB3] =	sst s0  }
0x18: {  	s0 =	sld [smem:$0x3F96];
	_ =	swait.ge [sflag:s4], $0x0  }
0x19: {  	s7 =	sld [smem:$0x3F97]  }
0x1a: {  	s8 =	sadd.s32 $0xFFFFE003, lr  }
0x1b: {  	s9 =	sadd.s32 $0xFFFFFEF7, lr;
	s5 =	simm.s32 $0xFFFFFFFF;
	p2 =	slt.u32 s8, $0xFFFFF086  }
0x1c: {  	p1 =	slt.u32 s9, $0xF7A;
	s5 =	simm.s32 @!p2 $0x0  }
0x1d: {  	s5 =	simm.s32 @p1 $0x1;
	p0 =	seq.s32 s7, s2  }
0x1e: {  	s7 =	smul.u32 @!p0 $0xF7A, s2;
	p2 =	seq.s32 @!p0 s5, $0x0  }
0x1f: {  	s9 =	smul.u32 $0xF7A, s1;
	s8 =	simm.s32 @!p0 $0x1BF5;
	p2 =	por !p2, p0  }
0x20: {  	[sflag:s8] =	ssyncset.s32 @!p0 $0xFFFFF086;
	s6 =	sadd.s32 @!p0 s3, s7;
	s7 =	simm.s32 @!p0 $0x108  }
0x21: {  	s3 =	sadd.s32 s3, s9;
	s6 =	sadd.s32 @!p0 $0x88, s6;
	s7 =	simm.s32 @p2 $0x1082  }
0x22: {  	[simem:s7], [sflag:s8] =	dma.local @!p0 [hbm:s6], $0xF7A  }
0x23: {  	s9 =	sor.u32 $0xD0000000, s2;
	s6 =	simm.s32 $0x108;
	_ =	swait.ge @!p0 [sflag:s8], $0x0  }
0x24: {  	s3 =	sadd.s32 $0x88, s3;
	s6 =	simm.s32 @!p1 $0x1082;
	[sflag:s4] =	ssyncset.s32 $0xFFFFF086  }
0x25: {  	[simem:s6], [sflag:s4] =	dma.local [hbm:s3], $0xF7A  }
0x26: {  	[smem:$0x3F97] =	sst s1;
	(tag) =	ssettag s2;
	_ =	strace s9  }
0x27: {  	s1 =	sld [smem:$0x3FA7]  }
0x28: {  	s2 =	sld [smem:$0x3FA8]  }
0x29: {  	s4 =	sld [smem:$0x3FAA]  }
0x2a: {  	p0 =	seq.s32 s5, $0x0;
	s5 =	sld [smem:$0x3FAB]  }
0x2b: {  	s6 =	sld [smem:$0x3FAC]  }
0x2c: {  	s7 =	sld [smem:$0x3FAD]  }
0x2d: {  	s3 =	simm.s32 $0x108;
	s8 =	sld [smem:$0x3FAE]  }
0x2e: {  	s3 =	simm.s32 @!p0 $0x1082;
	s9 =	sld [smem:$0x3FAF]  }
0x2f: {  	lr =	sadd.s32 s0, s3;
	s0 =	sld [smem:$0x3FA6]  }
0x30: {  	s3 =	sld [smem:$0x3FA9]  }
0x31: {  	[smem:$0x3FB2] =	sst s10  }
0x32: {  	s10 =	sld [smem:$0x3FB0];
	_ =	sdelay $0x3  }
0x33: {  	p0 =	seq.s32 s10, $0x1;
	s10 =	sld [smem:$0x3FB2];
	_ =	sdelay $0x3  }
0x34: {  	[smem:$0x3FB2] =	sst s10  }
0x35: {  	s10 =	sld [smem:$0x3FB1];
	_ =	sdelay $0x3  }
0x36: {  	p1 =	seq.s32 s10, $0x1;
	s10 =	sld [smem:$0x3FB2];
	_ =	sdelay $0x3  }
0x37: {  	[smem:$0x3FB2] =	sst s10  }
0x38: {  	s10 =	sld [smem:$0x3FB3]  }
0x39: {  	_ = 	snop;
	(pc) =	sbr.ind lr, $3  }
0x3a: {  	_ = 	snop  }
0x3b: {  	_ = 	snop  }
0x3c: {  	p2 =	seq.s32 s10, $0x1;
	s10 =	sld [smem:$0x3FB2]  }
0x3d: {  	_ =	shalt  }
0x3e: {  	_ =	shalt  }
0x3f: {  	_ =	shalt  }
0x40: {  	_ =	shalt  }
0x41: {  	_ =	shalt  }
0x42: {  	_ =	shalt  }
0x43: {  	_ =	shalt  }
0x44: {  	_ =	shalt  }
0x45: {  	_ =	shalt  }
0x46: {  	_ =	shalt  }
0x47: {  	_ =	shalt  }
0x48: {  	_ =	shalt  }
0x49: {  	_ =	shalt  }
0x4a: {  	_ =	shalt  }
0x4b: {  	_ =	shalt  }
0x4c: {  	_ =	shalt  }
0x4d: {  	_ =	shalt  }
0x4e: {  	_ =	shalt  }
0x4f: {  	_ =	shalt  }
0x50: {  	_ =	shalt  }
0x51: {  	_ =	shalt  }
0x52: {  	_ =	shalt  }
0x53: {  	_ =	shalt  }
0x54: {  	_ =	shalt  }
0x55: {  	_ =	shalt  }
0x56: {  	_ =	shalt  }
0x57: {  	_ =	shalt  }
0x58: {  	_ =	shalt  }
0x59: {  	_ =	shalt  }
0x5a: {  	_ =	shalt  }
0x5b: {  	_ =	shalt  }
0x5c: {  	_ =	shalt  }
0x5d: {  	_ =	shalt  }
0x5e: {  	_ =	shalt  }
0x5f: {  	_ =	shalt  }
0x60: {  	_ =	shalt  }
0x61: {  	_ =	shalt  }
0x62: {  	_ =	shalt  }
0x63: {  	_ =	shalt  }
0x64: {  	_ =	shalt  }
0x65: {  	_ =	shalt  }
0x66: {  	_ =	shalt  }
0x67: {  	_ =	shalt  }
0x68: {  	_ =	shalt  }
0x69: {  	_ =	shalt  }
0x6a: {  	_ =	shalt  }
0x6b: {  	_ =	shalt  }
0x6c: {  	_ =	shalt  }
0x6d: {  	_ =	shalt  }
0x6e: {  	_ =	shalt  }
0x6f: {  	_ =	shalt  }
0x70: {  	_ =	shalt  }
0x71: {  	_ =	shalt  }
0x72: {  	_ =	shalt  }
0x73: {  	_ =	shalt  }
0x74: {  	_ =	shalt  }
0x75: {  	_ =	shalt  }
0x76: {  	_ =	shalt  }
0x77: {  	_ =	shalt  }
0x78: {  	_ =	shalt  }
0x79: {  	_ =	shalt  }
0x7a: {  	_ =	shalt  }
0x7b: {  	_ =	shalt  }
0x7c: {  	_ =	shalt  }
0x7d: {  	_ =	shalt  }
0x7e: {  	_ =	shalt  }
0x7f: {  	_ =	shalt  }
0x80: {  	_ =	shalt  }
0x81: {  	_ =	shalt  }
0x82: {  	_ =	shalt  }
0x83: {  	_ =	shalt  }
0x84: {  	_ =	shalt  }
0x85: {  	_ =	shalt  }
0x86: {  	_ =	shalt  }
0x87: {  	_ =	shalt  }
.Lfunc_end0:
.L_simem_size_0:
called_computation.3_lowered:
.L_overlay_start_0:
0x88: {  	s2 =	sld [smem:$0x3FD9]  }
0x89: {  	s3 =	sld [smem:$0x3FFE];
	_ =	sdelay $0x1  }
0x8a: {  	s1 =	srdreg.scid  }
0x8b: {  	s0 =	sand.u32 $0x1, s1  }
0x8c: {  	s17 =	sshll.u32 s0, $0xA;
	s2 =	sadd.s32 s3, s2  }
0x8d: {  	s2 =	sadd.s32 s2, s17  }
0x8e: {  	[smem:$0x3FBE] =	sst s2  }
0x8f: {  	_ = 	snop  }
0x90: {  	s2 =	sld [smem:$0x3FD0];
	(tm) =	ssettm $0x1  }
0x91: {  	s18 =	sld [smem:$0x3FFB];
	_ =	sdelay $0x3  }
0x92: {  	_ =	strace s18  }
0x93: {  	s3 =	sld [smem:$0x3FFC];
	_ =	sdelay $0x3  }
0x94: {  	_ =	strace s3  }
0x95: {  	s3 =	sld [smem:$0x3FFD];
	_ =	sdelay $0x3  }
0x96: {  	_ =	strace s3  }
0x97: {  	_ =	strace $0x8FFFFFFF  }
0x98: {  	s19 =	sld [smem:$0x3FDB];
	_ =	sdelay $0x1  }
0x99: {  	s4 =	simm.s32 $_scs_section_size  }
0x9a: {  	s5 =	simm.s32 $_size__tile_overlayer_lowered;
	s6 =	simm.s32 $_tile_overlayer_lowered  }
0x9b: {  	s22 =	simm.s32 $0x1BFF;
	s21 =	sshll.u32 s6, $0x1;
	s3 =	sadd.s32 s4, s19  }
0x9c: {  	s7 =	simm.s32 $0x0;
	s20 =	sshll.u32 s5, $0x1;
	s5 =	sadd.s32 s21, s3  }
0x9d: {  	[timem:s7], [sflag:s22] =	dma.local [hbm:s5], s20  }
0x9e: {  	_ =	swait.ge [sflag:s22], s20  }
0x9f: {  	s4 =	ssub.s32 $0x0, s20;
	[sflag:s22] =	ssyncset.done $0x0  }
0xa0: {  	[sflag:s22] =	ssyncadd.s32 s4;
	_ =	sdelay $0x1  }
0xa1: {  	s23 =	simm.s32 $0x1B8B  }
0xa2: {  	_ =	swait.ge [sflag:s23], $0x1  }
0xa3: {  	[sflag:s23] =	ssyncset.done $0x0  }
0xa4: {  	s25 =	simm.s32 $0x1B8E;
	s24 =	sld [smem:$0x3FFE];
	[sflag:s23] =	ssyncadd.s32 $0xFFFFFFFF  }
0xa5: {  	s26 =	simm.s32 $execute0_lowered;
	[smem:$0x3FD2] =	sst s25  }
0xa6: {  	s5 =	sshll.u32 s26, $0x1;
	_ =	strace $0x8000004F;
	[dreg:$0x1] =	wrdreg $0xFFFFFFFF  }
0xa7: {  	s28 =	simm.s32 $_size_execute0_lowered;
	s3 =	sadd.s32 s3, s5;
	[dreg:$0x0] =	wrdreg $0x0  }
0xa8: {  	s5 =	sshll.u32 s28, $0x1;
	[dreg:$0x2] =	wrdreg s3  }
0xa9: {  	[dreg:$0x3] =	wrdreg s5  }
0xaa: {  	[dreg:$0x4] =	wrdreg $0xC0  }
0xab: {  	_ =	task [dreg:s7], $0x5FFFF  }
0xac: {  	[dreg:$0x1] =	wrdreg $0xFFFFFFFF  }
0xad: {  	[dreg:$0x0] =	wrdreg $0x60  }
0xae: {  	[dreg:$0x2] =	wrdreg s24  }
0xaf: {  	[dreg:$0x3] =	wrdreg s2  }
0xb0: {  	[dreg:$0x4] =	wrdreg $0xAE000  }
0xb1: {  	[dreg:$0x5] =	wrdreg $0x9  }
0xb2: {  	_ =	task.clear_ibuf [dreg:s7], $0x6FFFF;
	_ =	strace $0x9000004F  }
0xb3: {  	s29 =	simm.s32 $0x9;
	_ =	strace $0x80000051  }
0xb4: {  	_ =	swait.ge [sflag:s29], $0x1  }
0xb5: {  	[sflag:s29] =	ssyncadd.s32 $0xFFFFFFFF  }
0xb6: {  	_ =	strace $0x90000051  }
0xb7: {  	_ =	sfence  }
0xb8: {  	s30 =	sld [smem:$0x0];
	_ =	sdelay $0x2  }
0xb9: {  	s31 =	sshll.u32 s1, $0xD;
	s1 =	sshrl.u32 s1, $0x2  }
0xba: {  	s3 =	sand.u32 $0x4000, s31;
	s1 =	sadd.s32 s1, s30  }
0xbb: {  	s0 =	sor.u32 s3, s0;
	s1 =	sshll.u32 s1, $0x11  }
0xbc: {  	s0 =	sor.u32 s1, s0  }
0xbd: {  	s0 =	sadd.s32 $0x8F2B, s0  }
0xbe: {  	[sflag:s0] =	ssyncadd.remote.s32 $0x1  }
0xbf: {  	_ =	sfence.sel $0xFFFF  }
0xc0: {  	[dreg:$0x0] =	wrdreg $0xFFFFFFFF;
	(pc) =	sbr.abs _section_cstart, $3  }
0xc1: {  	[dreg:$0x1] =	wrdreg $0xFFFFFFFF  }
0xc2: {  	_ =	task.clear_ibuf [dreg:s7], $0x2FFFF;
	_ =	strace $0x9FFFFFFF  }
0xc3: {  	(tm) =	ssettm $0x7FFFFFFF  }
tec
execute0_lowered:
.L_overlay_start_1:
0x0: {  	(tag) =	ssettag $0x1  }
0x1: {  	s8 =	rddreg [dreg:$0x0]  }
0x2: {  	s1 =	srdreg.scid;
	s2 =	rddreg [dreg:$0x1]  }
0x3: {  	s0 =	stileid.u32;
	s3 =	rddreg [dreg:$0x2]  }
0x4: {  	s5 =	simm.s32 $0x0;
	s16 =	simm.s32 $0x2E00;
	s19 =	simm.s32 $0x4  }
0x5: {  	s20 =	simm.s32 $0x3;
	s21 =	simm.s32 $0x0;
	s7 =	sand.u32 $0x1, s1  }
0x6: {  	s28 =	sshll.u32 s0, $0x1;
	[smem:$0x7FF] =	sst s5;
	s10 =	smul.u32 $0x14000, s0  }
0x7: {  	s6 =	sadd.s32 $0x22400, s8;
	s13 =	smul.u32 $0x50000, s0;
	s17 =	sshll.u32 s0, $0x6  }
0x8: {  	s1 =	sor.u32 s7, s28;
	s9 =	smul.u32 $0x140000, s7;
	s29 =	ssub.s32 $0x2, s7  }
0x9: {  	s7 =	sadd.s32 $0x2A00, s8;
	s17 =	sor.u32 $0x1C06, s17;
	s4 =	smul.u32 $0x2C00, s1  }
0xa: {  	s1 =	rddreg [dreg:$0x3];
	_ =	strace $0x80000050;
	s30 =	sshrl.u32 s29, $0x1  }
0xb: {  	s31 =	sshrl.u32 s13, $0x2;
	s13 =	simm.s32 $0x200;
	s9 =	sadd.s32 s10, s9  }
.Ltmp0:
0xc: {  	s15 =	ssub.s32 s29, s30;
	s18 =	sadd.s32 s31, s3;
	(pc) =	sbr.rel .LBB2_1-.Ltmp0, $4  }
0xd: {  	s11 =	sshrl.u32 s4, $0x3;
	s9 =	sshrl.u32 s9, $0x3;
	s18 =	sshrl.u32 s18, $0x3  }
0xe: {  	s12 =	sadd.s32 s11, s8;
	s14 =	sadd.s32 s9, s8;
	s8 =	sadd.s32 s2, s11  }
0xf: {  	s9 =	sadd.s32 $0x17400, s12;
	s10 =	sadd.s32 $0x10, s8;
	s11 =	sadd.s32 $0x4A400, s14  }
0x10: {  	s12 =	smax.u32 s15, $0x1;
	s14 =	simm.s32 $0x6;
	s15 =	simm.s32 $0x80  }
.LBB2_5:
0x11: {  	_ =	swait.ge [sflag:s19], $0x4000  }
0x12: {  	s21 =	sadd.s32 $0x1, s21;
	[sflag:s19] =	ssyncset.done $0x0  }
0x13: {  	p0 =	sne.s32 s21, s12;
	[sflag:s19] =	ssyncadd.s32 $0xFFFFC000  }
.Ltmp1:
0x14: {  	[bflag:$0x0] =	sbarrier.arrive $0xFFFF;
	(pc) =	sbr.rel @!p0 .LBB2_6-.Ltmp1, $4  }
0x15: {  	[hbm:s11], [sflag:s17] =	dma.local [spmem:s18], $0x2800  }
0x16: {  	_ =	swait.ge [sflag:s14], $0x2800  }
0x17: {  	[sflag:s14] =	ssyncset.done $0x0  }
0x18: {  	[sflag:s14] =	ssyncadd.s32 $0xFFFFD800  }
.LBB2_1:
0x19: {  	[tilespmem:s13], [sflag:$0x6] =	stream.linear.gather [hbm4b:s9+s5], $0x2880, $0x38;
	[tilespmem:$0x1EE00] =	vst v63  }
0x1a: {  	_ =	swait.ge [sflag:s14], $0x2880  }
0x1b: {  	[sflag:s14] =	ssyncset.done $0x0  }
0x1c: {  	[sflag:s14] =	ssyncadd.s32 $0xFFFFD780  }
0x1d: {  	[tilespmem:s5], [sflag:$0x6] =	stream.linear.gather [hbm4b:s8+s5], $0x80, $0x38;
	[tilespmem:$0x1EE00] =	vst v63  }
0x1e: {  	_ =	swait.ge [sflag:s14], $0x80  }
0x1f: {  	[sflag:s14] =	ssyncset.done $0x0  }
0x20: {  	[sflag:s14] =	ssyncadd.s32 $0xFFFFFF80  }
0x21: {  	[tilespmem:s16], [sflag:$0x1] =	stream.indirect.gather [hbm4b:s6+s15], $0x80, s5, s15, $0xb8;
	[tilespmem:$0x1EE00] =	vst v63  }
0x22: {  	_ = 	snop  }
0x23: {  	[tilespmem:s15], [sflag:$0x3] =	stream.linear.gather [hbm4b:s10+s5], $0x80, $0x38;
	[tilespmem:$0x1EE00] =	vst v63  }
0x24: {  	[spmem:s18], [sflag:s17] =	dma.local [hbm:s7], $0x2800  }
.Ltmp2:
0x25: {  	_ =	swait.ge [sflag:s14], $0x2800;
	(pc) =	sbr.rel .LBB2_2-.Ltmp2, $4  }
0x26: {  	[sflag:s14] =	ssyncset.done $0x0  }
0x27: {  	[sflag:s14] =	ssyncadd.s32 $0xFFFFD800  }
0x28: {  	[bflag:$0x0] =	sbarrier.arrive $0xFFFF  }
0x29: {  	s23 =	simm.s32 $0x0  }
.LBB2_4:
0x2a: {  	s25 =	sadd.s32 $0x1, s22;
	s26 =	sshll.u32 s22, $0xE;
	p0 =	slt.u32 s24, $0x51  }
.Ltmp3:
0x2b: {  	s23 =	sshll.u32 s23, $0x7;
	_ =	swait.ge [sflag:s25], $0x4000;
	(pc) =	sbr.rel @!p0 .LBB2_5-.Ltmp3, $4  }
0x2c: {  	s31 =	sor.u32 $0x4, s22;
	s23 =	sand.u32 $0x3FFFFF80, s23;
	[sflag:s25] =	ssyncset.done $0x0  }
0x2d: {  	s26 =	sor.u32 $0x2E00, s26;
	s23 =	sadd.s32 $0x200, s23;
	[sflag:s25] =	ssyncadd.s32 $0xFFFFC000  }
0x2e: {  	[spmem:s3] =	stream.indirect.scatter.add.f32 [tilespmem:s26], [sflag:s31], $0x80, s23, s15, $0xb8;
	[tilespmem:$0x1EE00] =	vst v63  }
0x2f: {  	s23 =	smov.u32 s24  }
.LBB2_2:
0x30: {  	p0 =	seq.s32 s23, $0x0  }
0x31: {  	p1 =	seq.s32 @!p0 s23, $0x50  }
0x32: {  	s22 =	sand.u32 $0x1, s23;
	p1 =	por p0, !p1  }
.Ltmp4:
0x33: {  	s25 =	sxor.u32 @!p0 $0x1, s22;
	(pc) =	sbr.rel @!p1 .LBB2_4-.Ltmp4, $4  }
0x34: {  	s24 =	sor.u32 @!p0 $0x4, s25  }
0x35: {  	_ =	swait.ge @!p0 [sflag:s24], $0x4000  }
0x36: {  	[sflag:s24] =	ssyncset.done @!p0 $0x0  }
0x37: {  	[sflag:s24] =	ssyncadd.s32 @!p0 $0xFFFFC000;
	s24 =	simm.s32 @!p0 $0x51  }
0x38: {  	s24 =	sadd.s32 @!p0 $0x1, s23  }
0x39: {  	s24 =	simm.s32 @p0 $0x1  }
0x3a: {  	s26 =	smul.u32 $0xAB, s24;
	_ =	sdelay $0x1  }
0x3b: {  	s26 =	sshrl.u32 s26, $0x9  }
0x3c: {  	s26 =	sand.u32 $0x7F, s26  }
0x3d: {  	_ =	swait.ge [sflag:s20], $0x80;
	s25 =	simm.s32 @p0 $0x1;
	s26 =	smul.u32 $0x3, s26  }
0x3e: {  	[sflag:s20] =	ssyncset.done $0x0;
	s28 =	sshll.u32 s25, $0xE  }
0x3f: {  	p0 =	sgt.u32 s23, $0x4E;
	s25 =	sadd.s32 $0x1, s25;
	s26 =	ssub.s32 s24, s26  }
0x40: {  	[sflag:s20] =	ssyncadd.s32 $0xFFFFFF80;
	s29 =	sadd.s32 @!p0 $0x2, s23;
	s26 =	sand.u32 $0xFF, s26  }
0x41: {  	s28 =	sor.u32 $0x2E00, s28;
	s30 =	smul.u32 @!p0 $0xAB, s29;
	s26 =	sshll.u32 s26, $0x7  }
0x42: {  	[tilespmem:s28], [sflag:s25] =	stream.indirect.gather [hbm4b:s6+s15], $0x80, s26, s15, $0xb8;
	[tilespmem:$0x1EE00] =	vst v63  }
0x43: {  	s25 =	sshrl.u32 @!p0 s30, $0x9  }
0x44: {  	s26 =	sshll.u32 @!p0 s29, $0x7;
	s25 =	sand.u32 @!p0 $0x7F, s25  }
0x45: {  	s28 =	sand.u32 @!p0 $0x7C00, s26;
	s25 =	smul.u32 @!p0 $0x3, s25  }
.Ltmp5:
0x46: {  	s26 =	sand.u32 @!p0 $0x380, s26;
	s28 =	sadd.s32 @!p0 s4, s28;
	(pc) =	sbr.rel .LBB2_4-.Ltmp5, $4  }
0x47: {  	s26 =	sor.u32 @!p0 s26, s28;
	s25 =	ssub.s32 @!p0 s29, s25  }
0x48: {  	s26 =	sshrl.u32 @!p0 s26, $0x3;
	s25 =	sand.u32 @!p0 $0xFF, s25  }
0x49: {  	s28 =	simm.s32 @!p0 $0x0;
	s26 =	sadd.s32 @!p0 s2, s26;
	s25 =	sshll.u32 @!p0 s25, $0x7  }
0x4a: {  	[tilespmem:s25], [sflag:$0x3] =	stream.linear.gather @!p0 [hbm4b:s26+s28], $0x80, $0x38;
	[tilespmem:$0x1EE00] =	vst v63  }
.LBB2_6:
0x4b: {  	_ =	sfence.sel $0x180000  }
0x4c: {  	[bflag:$0x0] =	sbarrier.arrive $0xFFFF  }
0x4d: {  	p0 =	sne.s32 s0, $0x0;
	_ =	strace $0x90000050  }
0x4e: {  	s0 =	sadd.s32 @!p0 $0x100000, s1;
	[bflag:$0x2] =	sbarrier.arrive $0xFFFF  }
0x4f: {  	[sflag:s0] =	ssyncadd.tile.s32 @!p0 $0x1;
	_ =	shalt  }
.Lfunc_end2:
_tile_overlayer_lowered:
.L_overlay_start_2:
0x50: {  	(tag) =	ssettag $0x2  }
0x51: {  	s0 =	rddreg [dreg:$0x0];
	s2 =	stileid.u32  }
0x52: {  	s1 =	rddreg [dreg:$0x1];
	p0 =	sne.s32 s2, $0x0  }
0x53: {  	s3 =	rddreg [dreg:$0x2];
	[bflag:$0x3] =	sbarrier.arrive $0xFFFF;
	s2 =	simm.s32 @!p0 $0x1C06  }
0x54: {  	[timem:s3], [sflag:s2] =	dma.local @!p0 [hbm:s0], s1  }
0x55: {  	s0 =	simm.s32 @!p0 $0x6  }
0x56: {  	_ =	swait.ge @!p0 [sflag:s0], s1  }
0x57: {  	s1 =	ssub.s32 @!p0 $0x0, s1;
	[sflag:s0] =	ssyncset.done @!p0 $0x0  }
0x58: {  	[sflag:s0] =	ssyncadd.s32 @!p0 s1  }
0x59: {  	[bflag:$0x3] =	sbarrier.arrive $0xFFFF  }
0x5a: {  	_ =	shalt  }

</sc_bundles>
